<compile_context>
chip_gen: v7x
topology: tpu7x:2x2x1
jax: 0.10.2.dev20260603
libtpu: 0.0.44.dev20260713+nightly
codegen_flags: <defaults>
</compile_context>

<pallas_src>
import jax
import jax.numpy as jnp
from jax import lax
from jax.experimental import pallas as pl
from jax.experimental.pallas import tpu as pltpu
from jax.experimental.pallas import tpu_sc as plsc

B = 16384
D = 64
NC, NS, L = 2, 16, 16
NW = NC * NS
BPW = B // NW
PITCH = D + 1
NBUF = 8


def _rsqrt_nr(t):
    i = lax.bitcast_convert_type(t, jnp.int32)
    i = jnp.int32(0x5F3759DF) - lax.shift_right_logical(i, 1)
    y = lax.bitcast_convert_type(i, jnp.float32)
    half_t = jnp.float32(0.5) * t
    for _ in range(3):
        y = y * (jnp.float32(1.5) - half_t * y * y)
    return y


def _body(idx_hbm, tab_hbm, out_hbm, idx_s, slab_v, rows_v, tbuf_v, *sems):
    wid = lax.axis_index("s") * NC + lax.axis_index("c")
    base = wid * BPW

    pltpu.sync_copy(idx_hbm.at[pl.ds(base, BPW)], idx_s.at[pl.ds(0, BPW)])

    def slab_copy(r, b):
        c = (r >> 7) * 128
        return pltpu.async_copy(
            tab_hbm.at[:, pl.ds(c, 128)], slab_v.at[b], sems[b]
        )

    def slab_wait(b):
        pltpu.make_async_copy(
            tab_hbm.at[:, pl.ds(0, 128)], slab_v.at[b], sems[b]
        ).wait()

    rvec0 = idx_s[pl.ds(0, L)]
    for b in range(NBUF):
        slab_copy(rvec0[b], b)

    def extract(r, i, b):
        slab_wait(b)
        col = r - (r >> 7) * 128
        colv = jnp.full((L,), col, jnp.int32)
        bv = jnp.full((L,), b, jnp.int32)
        islot = i - (i >> 5) * 32
        for m in range(D // L):
            jv = m * L + lax.iota(jnp.int32, L)
            v = plsc.load_gather(slab_v, [bv, jv, colv])
            rows_v[islot, pl.ds(m * L, L)] = v

    def normalize_group(g):
        row_idx = (g - (g >> 1) * 2) * L + lax.iota(jnp.int32, L)
        acc = jnp.zeros((L,), jnp.float32)
        for j in range(D):
            col = jnp.full((L,), j, jnp.int32)
            c = plsc.load_gather(rows_v, [row_idx, col])
            acc = acc + c * c
        inv = _rsqrt_nr(jnp.maximum(acc, jnp.float32(1e-24)))
        slot = (g - (g >> 3) * 8) * L
        for j in range(D):
            col = jnp.full((L,), j, jnp.int32)
            c = plsc.load_gather(rows_v, [row_idx, col])
            tbuf_v[j, pl.ds(slot, L)] = c * inv

    def chunk(cc, carry):
        i0 = cc * NBUF
        rvec = idx_s[pl.ds(i0, L)]
        for b in range(NBUF):
            i = i0 + b
            extract(rvec[b], i, b)

            @pl.when(i + NBUF < BPW)
            def _():
                slab_copy(rvec[b + NBUF], b)

        @pl.when((cc & 1) == 1)
        def _():
            g = cc >> 1
            normalize_group(g)

            @pl.when((g & 7) == 7)
            def _():
                p = g >> 3
                pltpu.sync_copy(
                    tbuf_v, out_hbm.at[:, pl.ds(base + p * 128, 128)]
                )

        return carry

    lax.fori_loop(0, BPW // NBUF, chunk, 0)


def kernel(batch, table):
    idx = batch.astype(jnp.int32)
    tab_t = table.T
    mesh = plsc.VectorSubcoreMesh(core_axis_name="c", subcore_axis_name="s")
    f = pl.kernel(
        _body,
        out_type=jax.ShapeDtypeStruct((D, B), jnp.float32),
        mesh=mesh,
        compiler_params=pltpu.CompilerParams(
            needs_layout_passes=False, use_tc_tiling_on_sc=True
        ),
        scratch_types=[
            pltpu.VMEM((BPW + L,), jnp.int32),
            pltpu.VMEM((NBUF, D, 128), jnp.float32),
            pltpu.VMEM((2 * L, PITCH), jnp.float32),
            pltpu.VMEM((D, 128), jnp.float32),
        ]
        + [pltpu.SemaphoreType.DMA] * NBUF,
    )
    return f(idx, tab_t).T

# --- scband reference (transcript-rebuilt; emitter-appended) ---
"""Pipeline reference for scband-user-tower-18494129177003 (READ-ONLY COPY).

The authoritative reference and input builder live on the scoring server;
editing this copy changes nothing except your own understanding.
"""

import jax, jax.numpy as jnp
import numpy as np

N_USERS = 1000000
EMBED_DIM = 64
BATCH = 16384
EPS = 1e-12


def setup_inputs(seed: int = 0) -> dict:
    key = jax.random.key(seed)
    k_idx, k_tab = jax.random.split(key)
    batch = jax.random.randint(k_idx, (BATCH,), 0, N_USERS, dtype=jnp.int64 if jax.config.jax_enable_x64 else jnp.int32)
    table = jax.random.normal(k_tab, (N_USERS, EMBED_DIM), dtype=jnp.float32)
    return {"batch": batch, "table": table}


def reference(batch, table):
    # nn.Embedding lookup
    emb = jnp.take(table, batch, axis=0)
    # L2NormalizationLayer(dim=-1): F.normalize(x, p=2, dim=-1, eps=1e-12)
    norm = jnp.linalg.norm(emb, ord=2, axis=-1, keepdims=True)
    denom = jnp.maximum(norm, EPS)
    return emb / denom

if __name__ == "__main__":
    import jax
    _d = setup_inputs()
    print(jax.jit(kernel)(*tuple(_d.values())))

</pallas_src>

<mosaic_0001>
#map = affine_map<(d0, d1) -> (0)>
#map1 = affine_map<(d0, d1) -> (0, 0)>
module attributes {stable_mosaic.version = 14 : i64} {
  func.func @_body(%arg0: i32, %arg1: i32, %arg2: memref<16384xi32, #tpu.memory_space<hbm>>, %arg3: memref<64x1000000xf32, #tpu.memory_space<hbm>>, %arg4: memref<64x16384xf32, #tpu.memory_space<hbm>>, %arg5: memref<528xi32, #tpu.memory_space<vmem>>, %arg6: memref<8x64x128xf32, #tpu.memory_space<vmem>>, %arg7: memref<32x65xf32, #tpu.memory_space<vmem>>, %arg8: memref<64x128xf32, #tpu.memory_space<vmem>>, %arg9: memref<!tpu.dma_semaphore, #tpu.memory_space<semaphore_mem>>, %arg10: memref<!tpu.dma_semaphore, #tpu.memory_space<semaphore_mem>>, %arg11: memref<!tpu.dma_semaphore, #tpu.memory_space<semaphore_mem>>, %arg12: memref<!tpu.dma_semaphore, #tpu.memory_space<semaphore_mem>>, %arg13: memref<!tpu.dma_semaphore, #tpu.memory_space<semaphore_mem>>, %arg14: memref<!tpu.dma_semaphore, #tpu.memory_space<semaphore_mem>>, %arg15: memref<!tpu.dma_semaphore, #tpu.memory_space<semaphore_mem>>, %arg16: memref<!tpu.dma_semaphore, #tpu.memory_space<semaphore_mem>>) attributes {dimension_semantics = [#tpu.dimension_semantics<core_parallel>, #tpu.dimension_semantics<subcore_parallel>], iteration_bounds = array<i64: 2, 16>, scalar_prefetch = 0 : i64, scratch_operands = 12 : i64, tpu.core_type = #tpu.core_type<sc_vector_subcore>, window_params = [{transform_indices = #map}, {transform_indices = #map1}, {transform_indices = #map1}]} {
    %mul3A = arith.constant 2 : i32
    %mul3A_0 = arith.muli %arg1, %mul3A : i32
    %add3A = arith.addi %mul3A_0, %arg0 : i32
    %mul3A_1 = arith.constant 512 : i32
    %mul3A_2 = arith.muli %add3A, %mul3A_1 : i32
    "tpu.region"() ({
      %run_scoped3A = tpu.sem_alloc : memref<!tpu.dma_semaphore, #tpu.memory_space<semaphore_mem>>
      %dma_start3A_157 = arith.constant 0 : i32
      %dma_start3A_158 = tpu.memref_slice %arg5[%dma_start3A_157] : memref<528xi32, #tpu.memory_space<vmem>> -> memref<512xi32, #tpu.memory_space<vmem>>
      %dma_start3A_159 = tpu.memref_slice %arg2[%mul3A_2] : memref<16384xi32, #tpu.memory_space<hbm>> -> memref<512xi32, #tpu.memory_space<hbm>>
      %dma_start3A_160 = arith.constant 0 : i32
      %dma_start3A_161 = tpu.memref_slice %arg5[%dma_start3A_160] : memref<528xi32, #tpu.memory_space<vmem>> -> memref<512xi32, #tpu.memory_space<vmem>>
      %dma_start3A_162 = tpu.memref_slice %arg2[%mul3A_2] : memref<16384xi32, #tpu.memory_space<hbm>> -> memref<512xi32, #tpu.memory_space<hbm>>
      tpu.enqueue_dma source(%dma_start3A_162 : memref<512xi32, #tpu.memory_space<hbm>>) target(%dma_start3A_161 : memref<512xi32, #tpu.memory_space<vmem>>) target_semaphore(%run_scoped3A : memref<!tpu.dma_semaphore, #tpu.memory_space<semaphore_mem>>)
      %dma_wait3A = arith.constant 0 : i32
      %dma_wait3A_163 = tpu.memref_slice %arg5[%dma_wait3A] : memref<528xi32, #tpu.memory_space<vmem>> -> memref<512xi32, #tpu.memory_space<vmem>>
      %dma_wait3A_164 = tpu.memref_slice %arg2[%mul3A_2] : memref<16384xi32, #tpu.memory_space<hbm>> -> memref<512xi32, #tpu.memory_space<hbm>>
      %dma_wait3A_165 = arith.constant 0 : i32
      %dma_wait3A_166 = tpu.memref_slice %arg5[%dma_wait3A_165] : memref<528xi32, #tpu.memory_space<vmem>> -> memref<512xi32, #tpu.memory_space<vmem>>
      %dma_wait3A_167 = tpu.memref_slice %arg2[%mul3A_2] : memref<16384xi32, #tpu.memory_space<hbm>> -> memref<512xi32, #tpu.memory_space<hbm>>
      tpu.wait_dma2 semaphore(%run_scoped3A : memref<!tpu.dma_semaphore, #tpu.memory_space<semaphore_mem>>) src(%dma_wait3A_167 : memref<512xi32, #tpu.memory_space<hbm>>) dst(%dma_wait3A_166 : memref<512xi32, #tpu.memory_space<vmem>>)
      tpu.yield
    }) : () -> ()
    %get3A = arith.constant 0 : index
    %get3A_3 = tpu.vector_load %arg5[%get3A] {strides = array<i32>} : memref<528xi32, #tpu.memory_space<vmem>>, vector<16xi32>,
    %slice3A = vector.extract_strided_slice %get3A_3 {offsets = [0], sizes = [1], strides = [1]} : vector<16xi32> to vector<1xi32>
    %squeeze3A = vector.extract %slice3A[0] : i32 from vector<1xi32>
    %shift_right_arithmetic3A = arith.constant 7 : i32
    %shift_right_arithmetic3A_4 = arith.shrsi %squeeze3A, %shift_right_arithmetic3A : i32
    %mul3A_5 = arith.constant 128 : i32
    %mul3A_6 = arith.muli %shift_right_arithmetic3A_4, %mul3A_5 : i32
    %dma_start3A = arith.constant 0 : i32
    %dma_start3A_7 = arith.constant 0 : i32
    %dma_start3A_8 = arith.constant 0 : i32
    %dma_start3A_9 = tpu.memref_slice %arg6[%dma_start3A, %dma_start3A_7, %dma_start3A_8] : memref<8x64x128xf32, #tpu.memory_space<vmem>> -> memref<1x64x128xf32, #tpu.memory_space<vmem>>
    %dma_start3A_10 = tpu.memref_squeeze %dma_start3A_9 : memref<1x64x128xf32, #tpu.memory_space<vmem>> -> memref<64x128xf32, #tpu.memory_space<vmem>>
    %dma_start3A_11 = arith.constant 0 : i32
    %dma_start3A_12 = tpu.memref_slice %arg3[%dma_start3A_11, %mul3A_6] : memref<64x1000000xf32, #tpu.memory_space<hbm>> -> memref<64x128xf32, #tpu.memory_space<hbm>>
    %dma_start3A_13 = arith.constant 0 : i32
    %dma_start3A_14 = arith.constant 0 : i32
    %dma_start3A_15 = tpu.memref_slice %arg6[%dma_start3A, %dma_start3A_13, %dma_start3A_14] : memref<8x64x128xf32, #tpu.memory_space<vmem>> -> memref<1x64x128xf32, #tpu.memory_space<vmem>>
    %dma_start3A_16 = tpu.memref_squeeze %dma_start3A_15 : memref<1x64x128xf32, #tpu.memory_space<vmem>> -> memref<64x128xf32, #tpu.memory_space<vmem>>
    %dma_start3A_17 = arith.constant 0 : i32
    %dma_start3A_18 = tpu.memref_slice %arg3[%dma_start3A_17, %mul3A_6] : memref<64x1000000xf32, #tpu.memory_space<hbm>> -> memref<64x128xf32, #tpu.memory_space<hbm>>
    tpu.enqueue_dma source(%dma_start3A_18 : memref<64x128xf32, #tpu.memory_space<hbm>>) target(%dma_start3A_16 : memref<64x128xf32, #tpu.memory_space<vmem>>) target_semaphore(%arg9 : memref<!tpu.dma_semaphore, #tpu.memory_space<semaphore_mem>>)
    %slice3A_19 = vector.extract_strided_slice %get3A_3 {offsets = [1], sizes = [1], strides = [1]} : vector<16xi32> to vector<1xi32>
    %squeeze3A_20 = vector.extract %slice3A_19[0] : i32 from vector<1xi32>
    %shift_right_arithmetic3A_21 = arith.constant 7 : i32
    %shift_right_arithmetic3A_22 = arith.shrsi %squeeze3A_20, %shift_right_arithmetic3A_21 : i32
    %mul3A_23 = arith.constant 128 : i32
    %mul3A_24 = arith.muli %shift_right_arithmetic3A_22, %mul3A_23 : i32
    %dma_start3A_25 = arith.constant 1 : i32
    %dma_start3A_26 = arith.constant 0 : i32
    %dma_start3A_27 = arith.constant 0 : i32
    %dma_start3A_28 = tpu.memref_slice %arg6[%dma_start3A_25, %dma_start3A_26, %dma_start3A_27] : memref<8x64x128xf32, #tpu.memory_space<vmem>> -> memref<1x64x128xf32, #tpu.memory_space<vmem>>
    %dma_start3A_29 = tpu.memref_squeeze %dma_start3A_28 : memref<1x64x128xf32, #tpu.memory_space<vmem>> -> memref<64x128xf32, #tpu.memory_space<vmem>>
    %dma_start3A_30 = arith.constant 0 : i32
    %dma_start3A_31 = tpu.memref_slice %arg3[%dma_start3A_30, %mul3A_24] : memref<64x1000000xf32, #tpu.memory_space<hbm>> -> memref<64x128xf32, #tpu.memory_space<hbm>>
    %dma_start3A_32 = arith.constant 0 : i32
    %dma_start3A_33 = arith.constant 0 : i32
    %dma_start3A_34 = tpu.memref_slice %arg6[%dma_start3A_25, %dma_start3A_32, %dma_start3A_33] : memref<8x64x128xf32, #tpu.memory_space<vmem>> -> memref<1x64x128xf32, #tpu.memory_space<vmem>>
    %dma_start3A_35 = tpu.memref_squeeze %dma_start3A_34 : memref<1x64x128xf32, #tpu.memory_space<vmem>> -> memref<64x128xf32, #tpu.memory_space<vmem>>
    %dma_start3A_36 = arith.constant 0 : i32
    %dma_start3A_37 = tpu.memref_slice %arg3[%dma_start3A_36, %mul3A_24] : memref<64x1000000xf32, #tpu.memory_space<hbm>> -> memref<64x128xf32, #tpu.memory_space<hbm>>
    tpu.enqueue_dma source(%dma_start3A_37 : memref<64x128xf32, #tpu.memory_space<hbm>>) target(%dma_start3A_35 : memref<64x128xf32, #tpu.memory_space<vmem>>) target_semaphore(%arg10 : memref<!tpu.dma_semaphore, #tpu.memory_space<semaphore_mem>>)
    %slice3A_38 = vector.extract_strided_slice %get3A_3 {offsets = [2], sizes = [1], strides = [1]} : vector<16xi32> to vector<1xi32>
    %squeeze3A_39 = vector.extract %slice3A_38[0] : i32 from vector<1xi32>
    %shift_right_arithmetic3A_40 = arith.constant 7 : i32
    %shift_right_arithmetic3A_41 = arith.shrsi %squeeze3A_39, %shift_right_arithmetic3A_40 : i32
    %mul3A_42 = arith.constant 128 : i32
    %mul3A_43 = arith.muli %shift_right_arithmetic3A_41, %mul3A_42 : i32
    %dma_start3A_44 = arith.constant 2 : i32
    %dma_start3A_45 = arith.constant 0 : i32
    %dma_start3A_46 = arith.constant 0 : i32
    %dma_start3A_47 = tpu.memref_slice %arg6[%dma_start3A_44, %dma_start3A_45, %dma_start3A_46] : memref<8x64x128xf32, #tpu.memory_space<vmem>> -> memref<1x64x128xf32, #tpu.memory_space<vmem>>
    %dma_start3A_48 = tpu.memref_squeeze %dma_start3A_47 : memref<1x64x128xf32, #tpu.memory_space<vmem>> -> memref<64x128xf32, #tpu.memory_space<vmem>>
    %dma_start3A_49 = arith.constant 0 : i32
    %dma_start3A_50 = tpu.memref_slice %arg3[%dma_start3A_49, %mul3A_43] : memref<64x1000000xf32, #tpu.memory_space<hbm>> -> memref<64x128xf32, #tpu.memory_space<hbm>>
    %dma_start3A_51 = arith.constant 0 : i32
    %dma_start3A_52 = arith.constant 0 : i32
    %dma_start3A_53 = tpu.memref_slice %arg6[%dma_start3A_44, %dma_start3A_51, %dma_start3A_52] : memref<8x64x128xf32, #tpu.memory_space<vmem>> -> memref<1x64x128xf32, #tpu.memory_space<vmem>>
    %dma_start3A_54 = tpu.memref_squeeze %dma_start3A_53 : memref<1x64x128xf32, #tpu.memory_space<vmem>> -> memref<64x128xf32, #tpu.memory_space<vmem>>
    %dma_start3A_55 = arith.constant 0 : i32
    %dma_start3A_56 = tpu.memref_slice %arg3[%dma_start3A_55, %mul3A_43] : memref<64x1000000xf32, #tpu.memory_space<hbm>> -> memref<64x128xf32, #tpu.memory_space<hbm>>
    tpu.enqueue_dma source(%dma_start3A_56 : memref<64x128xf32, #tpu.memory_space<hbm>>) target(%dma_start3A_54 : memref<64x128xf32, #tpu.memory_space<vmem>>) target_semaphore(%arg11 : memref<!tpu.dma_semaphore, #tpu.memory_space<semaphore_mem>>)
    %slice3A_57 = vector.extract_strided_slice %get3A_3 {offsets = [3], sizes = [1], strides = [1]} : vector<16xi32> to vector<1xi32>
    %squeeze3A_58 = vector.extract %slice3A_57[0] : i32 from vector<1xi32>
    %shift_right_arithmetic3A_59 = arith.constant 7 : i32
    %shift_right_arithmetic3A_60 = arith.shrsi %squeeze3A_58, %shift_right_arithmetic3A_59 : i32
    %mul3A_61 = arith.constant 128 : i32
    %mul3A_62 = arith.muli %shift_right_arithmetic3A_60, %mul3A_61 : i32
    %dma_start3A_63 = arith.constant 3 : i32
    %dma_start3A_64 = arith.constant 0 : i32
    %dma_start3A_65 = arith.constant 0 : i32
    %dma_start3A_66 = tpu.memref_slice %arg6[%dma_start3A_63, %dma_start3A_64, %dma_start3A_65] : memref<8x64x128xf32, #tpu.memory_space<vmem>> -> memref<1x64x128xf32, #tpu.memory_space<vmem>>
    %dma_start3A_67 = tpu.memref_squeeze %dma_start3A_66 : memref<1x64x128xf32, #tpu.memory_space<vmem>> -> memref<64x128xf32, #tpu.memory_space<vmem>>
    %dma_start3A_68 = arith.constant 0 : i32
    %dma_start3A_69 = tpu.memref_slice %arg3[%dma_start3A_68, %mul3A_62] : memref<64x1000000xf32, #tpu.memory_space<hbm>> -> memref<64x128xf32, #tpu.memory_space<hbm>>
    %dma_start3A_70 = arith.constant 0 : i32
    %dma_start3A_71 = arith.constant 0 : i32
    %dma_start3A_72 = tpu.memref_slice %arg6[%dma_start3A_63, %dma_start3A_70, %dma_start3A_71] : memref<8x64x128xf32, #tpu.memory_space<vmem>> -> memref<1x64x128xf32, #tpu.memory_space<vmem>>
    %dma_start3A_73 = tpu.memref_squeeze %dma_start3A_72 : memref<1x64x128xf32, #tpu.memory_space<vmem>> -> memref<64x128xf32, #tpu.memory_space<vmem>>
    %dma_start3A_74 = arith.constant 0 : i32
    %dma_start3A_75 = tpu.memref_slice %arg3[%dma_start3A_74, %mul3A_62] : memref<64x1000000xf32, #tpu.memory_space<hbm>> -> memref<64x128xf32, #tpu.memory_space<hbm>>
    tpu.enqueue_dma source(%dma_start3A_75 : memref<64x128xf32, #tpu.memory_space<hbm>>) target(%dma_start3A_73 : memref<64x128xf32, #tpu.memory_space<vmem>>) target_semaphore(%arg12 : memref<!tpu.dma_semaphore, #tpu.memory_space<semaphore_mem>>)
    %slice3A_76 = vector.extract_strided_slice %get3A_3 {offsets = [4], sizes = [1], strides = [1]} : vector<16xi32> to vector<1xi32>
    %squeeze3A_77 = vector.extract %slice3A_76[0] : i32 from vector<1xi32>
    %shift_right_arithmetic3A_78 = arith.constant 7 : i32
    %shift_right_arithmetic3A_79 = arith.shrsi %squeeze3A_77, %shift_right_arithmetic3A_78 : i32
    %mul3A_80 = arith.constant 128 : i32
    %mul3A_81 = arith.muli %shift_right_arithmetic3A_79, %mul3A_80 : i32
    %dma_start3A_82 = arith.constant 4 : i32
    %dma_start3A_83 = arith.constant 0 : i32
    %dma_start3A_84 = arith.constant 0 : i32
    %dma_start3A_85 = tpu.memref_slice %arg6[%dma_start3A_82, %dma_start3A_83, %dma_start3A_84] : memref<8x64x128xf32, #tpu.memory_space<vmem>> -> memref<1x64x128xf32, #tpu.memory_space<vmem>>
    %dma_start3A_86 = tpu.memref_squeeze %dma_start3A_85 : memref<1x64x128xf32, #tpu.memory_space<vmem>> -> memref<64x128xf32, #tpu.memory_space<vmem>>
    %dma_start3A_87 = arith.constant 0 : i32
    %dma_start3A_88 = tpu.memref_slice %arg3[%dma_start3A_87, %mul3A_81] : memref<64x1000000xf32, #tpu.memory_space<hbm>> -> memref<64x128xf32, #tpu.memory_space<hbm>>
    %dma_start3A_89 = arith.constant 0 : i32
    %dma_start3A_90 = arith.constant 0 : i32
    %dma_start3A_91 = tpu.memref_slice %arg6[%dma_start3A_82, %dma_start3A_89, %dma_start3A_90] : memref<8x64x128xf32, #tpu.memory_space<vmem>> -> memref<1x64x128xf32, #tpu.memory_space<vmem>>
    %dma_start3A_92 = tpu.memref_squeeze %dma_start3A_91 : memref<1x64x128xf32, #tpu.memory_space<vmem>> -> memref<64x128xf32, #tpu.memory_space<vmem>>
    %dma_start3A_93 = arith.constant 0 : i32
    %dma_start3A_94 = tpu.memref_slice %arg3[%dma_start3A_93, %mul3A_81] : memref<64x1000000xf32, #tpu.memory_space<hbm>> -> memref<64x128xf32, #tpu.memory_space<hbm>>
    tpu.enqueue_dma source(%dma_start3A_94 : memref<64x128xf32, #tpu.memory_space<hbm>>) target(%dma_start3A_92 : memref<64x128xf32, #tpu.memory_space<vmem>>) target_semaphore(%arg13 : memref<!tpu.dma_semaphore, #tpu.memory_space<semaphore_mem>>)
    %slice3A_95 = vector.extract_strided_slice %get3A_3 {offsets = [5], sizes = [1], strides = [1]} : vector<16xi32> to vector<1xi32>
    %squeeze3A_96 = vector.extract %slice3A_95[0] : i32 from vector<1xi32>
    %shift_right_arithmetic3A_97 = arith.constant 7 : i32
    %shift_right_arithmetic3A_98 = arith.shrsi %squeeze3A_96, %shift_right_arithmetic3A_97 : i32
    %mul3A_99 = arith.constant 128 : i32
    %mul3A_100 = arith.muli %shift_right_arithmetic3A_98, %mul3A_99 : i32
    %dma_start3A_101 = arith.constant 5 : i32
    %dma_start3A_102 = arith.constant 0 : i32
    %dma_start3A_103 = arith.constant 0 : i32
    %dma_start3A_104 = tpu.memref_slice %arg6[%dma_start3A_101, %dma_start3A_102, %dma_start3A_103] : memref<8x64x128xf32, #tpu.memory_space<vmem>> -> memref<1x64x128xf32, #tpu.memory_space<vmem>>
    %dma_start3A_105 = tpu.memref_squeeze %dma_start3A_104 : memref<1x64x128xf32, #tpu.memory_space<vmem>> -> memref<64x128xf32, #tpu.memory_space<vmem>>
    %dma_start3A_106 = arith.constant 0 : i32
    %dma_start3A_107 = tpu.memref_slice %arg3[%dma_start3A_106, %mul3A_100] : memref<64x1000000xf32, #tpu.memory_space<hbm>> -> memref<64x128xf32, #tpu.memory_space<hbm>>
    %dma_start3A_108 = arith.constant 0 : i32
    %dma_start3A_109 = arith.constant 0 : i32
    %dma_start3A_110 = tpu.memref_slice %arg6[%dma_start3A_101, %dma_start3A_108, %dma_start3A_109] : memref<8x64x128xf32, #tpu.memory_space<vmem>> -> memref<1x64x128xf32, #tpu.memory_space<vmem>>
    %dma_start3A_111 = tpu.memref_squeeze %dma_start3A_110 : memref<1x64x128xf32, #tpu.memory_space<vmem>> -> memref<64x128xf32, #tpu.memory_space<vmem>>
    %dma_start3A_112 = arith.constant 0 : i32
    %dma_start3A_113 = tpu.memref_slice %arg3[%dma_start3A_112, %mul3A_100] : memref<64x1000000xf32, #tpu.memory_space<hbm>> -> memref<64x128xf32, #tpu.memory_space<hbm>>
    tpu.enqueue_dma source(%dma_start3A_113 : memref<64x128xf32, #tpu.memory_space<hbm>>) target(%dma_start3A_111 : memref<64x128xf32, #tpu.memory_space<vmem>>) target_semaphore(%arg14 : memref<!tpu.dma_semaphore, #tpu.memory_space<semaphore_mem>>)
    %slice3A_114 = vector.extract_strided_slice %get3A_3 {offsets = [6], sizes = [1], strides = [1]} : vector<16xi32> to vector<1xi32>
    %squeeze3A_115 = vector.extract %slice3A_114[0] : i32 from vector<1xi32>
    %shift_right_arithmetic3A_116 = arith.constant 7 : i32
    %shift_right_arithmetic3A_117 = arith.shrsi %squeeze3A_115, %shift_right_arithmetic3A_116 : i32
    %mul3A_118 = arith.constant 128 : i32
    %mul3A_119 = arith.muli %shift_right_arithmetic3A_117, %mul3A_118 : i32
    %dma_start3A_120 = arith.constant 6 : i32
    %dma_start3A_121 = arith.constant 0 : i32
    %dma_start3A_122 = arith.constant 0 : i32
    %dma_start3A_123 = tpu.memref_slice %arg6[%dma_start3A_120, %dma_start3A_121, %dma_start3A_122] : memref<8x64x128xf32, #tpu.memory_space<vmem>> -> memref<1x64x128xf32, #tpu.memory_space<vmem>>
    %dma_start3A_124 = tpu.memref_squeeze %dma_start3A_123 : memref<1x64x128xf32, #tpu.memory_space<vmem>> -> memref<64x128xf32, #tpu.memory_space<vmem>>
    %dma_start3A_125 = arith.constant 0 : i32
    %dma_start3A_126 = tpu.memref_slice %arg3[%dma_start3A_125, %mul3A_119] : memref<64x1000000xf32, #tpu.memory_space<hbm>> -> memref<64x128xf32, #tpu.memory_space<hbm>>
    %dma_start3A_127 = arith.constant 0 : i32
    %dma_start3A_128 = arith.constant 0 : i32
    %dma_start3A_129 = tpu.memref_slice %arg6[%dma_start3A_120, %dma_start3A_127, %dma_start3A_128] : memref<8x64x128xf32, #tpu.memory_space<vmem>> -> memref<1x64x128xf32, #tpu.memory_space<vmem>>
    %dma_start3A_130 = tpu.memref_squeeze %dma_start3A_129 : memref<1x64x128xf32, #tpu.memory_space<vmem>> -> memref<64x128xf32, #tpu.memory_space<vmem>>
    %dma_start3A_131 = arith.constant 0 : i32
    %dma_start3A_132 = tpu.memref_slice %arg3[%dma_start3A_131, %mul3A_119] : memref<64x1000000xf32, #tpu.memory_space<hbm>> -> memref<64x128xf32, #tpu.memory_space<hbm>>
    tpu.enqueue_dma source(%dma_start3A_132 : memref<64x128xf32, #tpu.memory_space<hbm>>) target(%dma_start3A_130 : memref<64x128xf32, #tpu.memory_space<vmem>>) target_semaphore(%arg15 : memref<!tpu.dma_semaphore, #tpu.memory_space<semaphore_mem>>)
    %slice3A_133 = vector.extract_strided_slice %get3A_3 {offsets = [7], sizes = [1], strides = [1]} : vector<16xi32> to vector<1xi32>
    %squeeze3A_134 = vector.extract %slice3A_133[0] : i32 from vector<1xi32>
    %shift_right_arithmetic3A_135 = arith.constant 7 : i32
    %shift_right_arithmetic3A_136 = arith.shrsi %squeeze3A_134, %shift_right_arithmetic3A_135 : i32
    %mul3A_137 = arith.constant 128 : i32
    %mul3A_138 = arith.muli %shift_right_arithmetic3A_136, %mul3A_137 : i32
    %dma_start3A_139 = arith.constant 7 : i32
    %dma_start3A_140 = arith.constant 0 : i32
    %dma_start3A_141 = arith.constant 0 : i32
    %dma_start3A_142 = tpu.memref_slice %arg6[%dma_start3A_139, %dma_start3A_140, %dma_start3A_141] : memref<8x64x128xf32, #tpu.memory_space<vmem>> -> memref<1x64x128xf32, #tpu.memory_space<vmem>>
    %dma_start3A_143 = tpu.memref_squeeze %dma_start3A_142 : memref<1x64x128xf32, #tpu.memory_space<vmem>> -> memref<64x128xf32, #tpu.memory_space<vmem>>
    %dma_start3A_144 = arith.constant 0 : i32
    %dma_start3A_145 = tpu.memref_slice %arg3[%dma_start3A_144, %mul3A_138] : memref<64x1000000xf32, #tpu.memory_space<hbm>> -> memref<64x128xf32, #tpu.memory_space<hbm>>
    %dma_start3A_146 = arith.constant 0 : i32
    %dma_start3A_147 = arith.constant 0 : i32
    %dma_start3A_148 = tpu.memref_slice %arg6[%dma_start3A_139, %dma_start3A_146, %dma_start3A_147] : memref<8x64x128xf32, #tpu.memory_space<vmem>> -> memref<1x64x128xf32, #tpu.memory_space<vmem>>
    %dma_start3A_149 = tpu.memref_squeeze %dma_start3A_148 : memref<1x64x128xf32, #tpu.memory_space<vmem>> -> memref<64x128xf32, #tpu.memory_space<vmem>>
    %dma_start3A_150 = arith.constant 0 : i32
    %dma_start3A_151 = tpu.memref_slice %arg3[%dma_start3A_150, %mul3A_138] : memref<64x1000000xf32, #tpu.memory_space<hbm>> -> memref<64x128xf32, #tpu.memory_space<hbm>>
    tpu.enqueue_dma source(%dma_start3A_151 : memref<64x128xf32, #tpu.memory_space<hbm>>) target(%dma_start3A_149 : memref<64x128xf32, #tpu.memory_space<vmem>>) target_semaphore(%arg16 : memref<!tpu.dma_semaphore, #tpu.memory_space<semaphore_mem>>)
    %scan3A = arith.constant 0 : i32
    %scan3A_152 = arith.constant 0 : i32
    %scan3A_153 = arith.constant 64 : i32
    %scan3A_154 = arith.addi %scan3A_152, %scan3A_153 : i32
    %scan3A_155 = arith.constant 1 : i32
    scf.for %scan3A_157 = %scan3A_152 to %scan3A_154 step %scan3A_155  : i32 {
      %mul3A_158 = arith.constant 8 : i32
      %mul3A_159 = arith.muli %scan3A_157, %mul3A_158 : i32
      %get3A_160 = arith.index_cast %mul3A_159 : i32 to index
      %get3A_161 = tpu.vector_load %arg5[%get3A_160] {strides = array<i32>} : memref<528xi32, #tpu.memory_space<vmem>>, vector<16xi32>,
      %add3A_162 = arith.constant 0 : i32
      %add3A_163 = arith.addi %mul3A_159, %add3A_162 : i32
      %slice3A_164 = vector.extract_strided_slice %get3A_161 {offsets = [0], sizes = [1], strides = [1]} : vector<16xi32> to vector<1xi32>
      %squeeze3A_165 = vector.extract %slice3A_164[0] : i32 from vector<1xi32>
      %dma_wait3A = arith.constant 0 : i32
      %dma_wait3A_166 = arith.constant 0 : i32
      %dma_wait3A_167 = arith.constant 0 : i32
      %dma_wait3A_168 = tpu.memref_slice %arg6[%dma_wait3A, %dma_wait3A_166, %dma_wait3A_167] : memref<8x64x128xf32, #tpu.memory_space<vmem>> -> memref<1x64x128xf32, #tpu.memory_space<vmem>>
      %dma_wait3A_169 = tpu.memref_squeeze %dma_wait3A_168 : memref<1x64x128xf32, #tpu.memory_space<vmem>> -> memref<64x128xf32, #tpu.memory_space<vmem>>
      %dma_wait3A_170 = arith.constant 0 : i32
      %dma_wait3A_171 = arith.constant 0 : i32
      %dma_wait3A_172 = tpu.memref_slice %arg3[%dma_wait3A_170, %dma_wait3A_171] : memref<64x1000000xf32, #tpu.memory_space<hbm>> -> memref<64x128xf32, #tpu.memory_space<hbm>>
      %dma_wait3A_173 = arith.constant 0 : i32
      %dma_wait3A_174 = arith.constant 0 : i32
      %dma_wait3A_175 = tpu.memref_slice %arg6[%dma_wait3A, %dma_wait3A_173, %dma_wait3A_174] : memref<8x64x128xf32, #tpu.memory_space<vmem>> -> memref<1x64x128xf32, #tpu.memory_space<vmem>>
      %dma_wait3A_176 = tpu.memref_squeeze %dma_wait3A_175 : memref<1x64x128xf32, #tpu.memory_space<vmem>> -> memref<64x128xf32, #tpu.memory_space<vmem>>
      %dma_wait3A_177 = arith.constant 0 : i32
      %dma_wait3A_178 = arith.constant 0 : i32
      %dma_wait3A_179 = tpu.memref_slice %arg3[%dma_wait3A_177, %dma_wait3A_178] : memref<64x1000000xf32, #tpu.memory_space<hbm>> -> memref<64x128xf32, #tpu.memory_space<hbm>>
      tpu.wait_dma2 semaphore(%arg9 : memref<!tpu.dma_semaphore, #tpu.memory_space<semaphore_mem>>) src(%dma_wait3A_179 : memref<64x128xf32, #tpu.memory_space<hbm>>) dst(%dma_wait3A_176 : memref<64x128xf32, #tpu.memory_space<vmem>>)
      %shift_right_arithmetic3A_180 = arith.constant 7 : i32
      %shift_right_arithmetic3A_181 = arith.shrsi %squeeze3A_165, %shift_right_arithmetic3A_180 : i32
      %mul3A_182 = arith.constant 128 : i32
      %mul3A_183 = arith.muli %shift_right_arithmetic3A_181, %mul3A_182 : i32
      %sub3A = arith.subi %squeeze3A_165, %mul3A_183 : i32
      %broadcast_in_dim3A = vector.broadcast %sub3A : i32 to vector<16xi32>
      %broadcast_in_dim3A_184 = arith.constant 0 : i32
      %broadcast_in_dim3A_185 = vector.broadcast %broadcast_in_dim3A_184 : i32 to vector<16xi32>
      %shift_right_arithmetic3A_186 = arith.constant 5 : i32
      %shift_right_arithmetic3A_187 = arith.shrsi %add3A_163, %shift_right_arithmetic3A_186 : i32
      %mul3A_188 = arith.constant 32 : i32
      %mul3A_189 = arith.muli %shift_right_arithmetic3A_187, %mul3A_188 : i32
      %sub3A_190 = arith.subi %add3A_163, %mul3A_189 : i32
      %iota3A = tpu.iota {dimensions = array<i32: 0>} : vector<16xi32>
      %add3A_191 = arith.constant 0 : i32
      %add3A_192 = vector.broadcast %add3A_191 : i32 to vector<16xi32>
      %add3A_193 = arith.addi %add3A_192, %iota3A : vector<16xi32>
      %gather3A = tpu.vector_load_idx %arg6[%broadcast_in_dim3A_185, %add3A_193, %broadcast_in_dim3A] : memref<8x64x128xf32, #tpu.memory_space<vmem>>[vector<16xi32>, vector<16xi32>, vector<16xi32>], vector<16xf32>,
      %swap3A = arith.index_cast %sub3A_190 : i32 to index
      %swap3A_194 = arith.constant 0 : index
      %swap3A_195 = tpu.vector_load %arg7[%swap3A, %swap3A_194] {strides = array<i32>} : memref<32x65xf32, #tpu.memory_space<vmem>>, vector<16xf32>,
      tpu.vector_store %arg7[%swap3A, %swap3A_194], %gather3A {strides = array<i32>} : memref<32x65xf32, #tpu.memory_space<vmem>>, vector<16xf32>,
      %iota3A_196 = tpu.iota {dimensions = array<i32: 0>} : vector<16xi32>
      %add3A_197 = arith.constant 16 : i32
      %add3A_198 = vector.broadcast %add3A_197 : i32 to vector<16xi32>
      %add3A_199 = arith.addi %add3A_198, %iota3A_196 : vector<16xi32>
      %gather3A_200 = tpu.vector_load_idx %arg6[%broadcast_in_dim3A_185, %add3A_199, %broadcast_in_dim3A] : memref<8x64x128xf32, #tpu.memory_space<vmem>>[vector<16xi32>, vector<16xi32>, vector<16xi32>], vector<16xf32>,
      %swap3A_201 = arith.index_cast %sub3A_190 : i32 to index
      %swap3A_202 = arith.constant 16 : index
      %swap3A_203 = tpu.vector_load %arg7[%swap3A_201, %swap3A_202] {strides = array<i32>} : memref<32x65xf32, #tpu.memory_space<vmem>>, vector<16xf32>,
      tpu.vector_store %arg7[%swap3A_201, %swap3A_202], %gather3A_200 {strides = array<i32>} : memref<32x65xf32, #tpu.memory_space<vmem>>, vector<16xf32>,
      %iota3A_204 = tpu.iota {dimensions = array<i32: 0>} : vector<16xi32>
      %add3A_205 = arith.constant 32 : i32
      %add3A_206 = vector.broadcast %add3A_205 : i32 to vector<16xi32>
      %add3A_207 = arith.addi %add3A_206, %iota3A_204 : vector<16xi32>
      %gather3A_208 = tpu.vector_load_idx %arg6[%broadcast_in_dim3A_185, %add3A_207, %broadcast_in_dim3A] : memref<8x64x128xf32, #tpu.memory_space<vmem>>[vector<16xi32>, vector<16xi32>, vector<16xi32>], vector<16xf32>,
      %swap3A_209 = arith.index_cast %sub3A_190 : i32 to index
      %swap3A_210 = arith.constant 32 : index
      %swap3A_211 = tpu.vector_load %arg7[%swap3A_209, %swap3A_210] {strides = array<i32>} : memref<32x65xf32, #tpu.memory_space<vmem>>, vector<16xf32>,
      tpu.vector_store %arg7[%swap3A_209, %swap3A_210], %gather3A_208 {strides = array<i32>} : memref<32x65xf32, #tpu.memory_space<vmem>>, vector<16xf32>,
      %iota3A_212 = tpu.iota {dimensions = array<i32: 0>} : vector<16xi32>
      %add3A_213 = arith.constant 48 : i32
      %add3A_214 = vector.broadcast %add3A_213 : i32 to vector<16xi32>
      %add3A_215 = arith.addi %add3A_214, %iota3A_212 : vector<16xi32>
      %gather3A_216 = tpu.vector_load_idx %arg6[%broadcast_in_dim3A_185, %add3A_215, %broadcast_in_dim3A] : memref<8x64x128xf32, #tpu.memory_space<vmem>>[vector<16xi32>, vector<16xi32>, vector<16xi32>], vector<16xf32>,
      %swap3A_217 = arith.index_cast %sub3A_190 : i32 to index
      %swap3A_218 = arith.constant 48 : index
      %swap3A_219 = tpu.vector_load %arg7[%swap3A_217, %swap3A_218] {strides = array<i32>} : memref<32x65xf32, #tpu.memory_space<vmem>>, vector<16xf32>,
      tpu.vector_store %arg7[%swap3A_217, %swap3A_218], %gather3A_216 {strides = array<i32>} : memref<32x65xf32, #tpu.memory_space<vmem>>, vector<16xf32>,
      %add3A_220 = arith.constant 8 : i32
      %add3A_221 = arith.addi %add3A_163, %add3A_220 : i32
      %lt3A = arith.constant 512 : i32
      %lt3A_222 = arith.cmpi slt, %add3A_221, %lt3A : i32
      %convert_element_type3A = arith.extui %lt3A_222 : i1 to i32
      %cond3A = arith.constant 0 : i32
      %cond3A_223 = arith.cmpi ne, %convert_element_type3A, %cond3A : i32
      scf.if %cond3A_223 {
        %slice3A_726 = vector.extract_strided_slice %get3A_161 {offsets = [8], sizes = [1], strides = [1]} : vector<16xi32> to vector<1xi32>
        %squeeze3A_727 = vector.extract %slice3A_726[0] : i32 from vector<1xi32>
        %shift_right_arithmetic3A_728 = arith.constant 7 : i32
        %shift_right_arithmetic3A_729 = arith.shrsi %squeeze3A_727, %shift_right_arithmetic3A_728 : i32
        %mul3A_730 = arith.constant 128 : i32
        %mul3A_731 = arith.muli %shift_right_arithmetic3A_729, %mul3A_730 : i32
        %dma_start3A_732 = arith.constant 0 : i32
        %dma_start3A_733 = arith.constant 0 : i32
        %dma_start3A_734 = arith.constant 0 : i32
        %dma_start3A_735 = tpu.memref_slice %arg6[%dma_start3A_732, %dma_start3A_733, %dma_start3A_734] : memref<8x64x128xf32, #tpu.memory_space<vmem>> -> memref<1x64x128xf32, #tpu.memory_space<vmem>>
        %dma_start3A_736 = tpu.memref_squeeze %dma_start3A_735 : memref<1x64x128xf32, #tpu.memory_space<vmem>> -> memref<64x128xf32, #tpu.memory_space<vmem>>
        %dma_start3A_737 = arith.constant 0 : i32
        %dma_start3A_738 = tpu.memref_slice %arg3[%dma_start3A_737, %mul3A_731] : memref<64x1000000xf32, #tpu.memory_space<hbm>> -> memref<64x128xf32, #tpu.memory_space<hbm>>
        %dma_start3A_739 = arith.constant 0 : i32
        %dma_start3A_740 = arith.constant 0 : i32
        %dma_start3A_741 = tpu.memref_slice %arg6[%dma_start3A_732, %dma_start3A_739, %dma_start3A_740] : memref<8x64x128xf32, #tpu.memory_space<vmem>> -> memref<1x64x128xf32, #tpu.memory_space<vmem>>
        %dma_start3A_742 = tpu.memref_squeeze %dma_start3A_741 : memref<1x64x128xf32, #tpu.memory_space<vmem>> -> memref<64x128xf32, #tpu.memory_space<vmem>>
        %dma_start3A_743 = arith.constant 0 : i32
        %dma_start3A_744 = tpu.memref_slice %arg3[%dma_start3A_743, %mul3A_731] : memref<64x1000000xf32, #tpu.memory_space<hbm>> -> memref<64x128xf32, #tpu.memory_space<hbm>>
        tpu.enqueue_dma source(%dma_start3A_744 : memref<64x128xf32, #tpu.memory_space<hbm>>) target(%dma_start3A_742 : memref<64x128xf32, #tpu.memory_space<vmem>>) target_semaphore(%arg9 : memref<!tpu.dma_semaphore, #tpu.memory_space<semaphore_mem>>)
      } else {
      }
      %add3A_224 = arith.constant 1 : i32
      %add3A_225 = arith.addi %mul3A_159, %add3A_224 : i32
      %slice3A_226 = vector.extract_strided_slice %get3A_161 {offsets = [1], sizes = [1], strides = [1]} : vector<16xi32> to vector<1xi32>
      %squeeze3A_227 = vector.extract %slice3A_226[0] : i32 from vector<1xi32>
      %dma_wait3A_228 = arith.constant 1 : i32
      %dma_wait3A_229 = arith.constant 0 : i32
      %dma_wait3A_230 = arith.constant 0 : i32
      %dma_wait3A_231 = tpu.memref_slice %arg6[%dma_wait3A_228, %dma_wait3A_229, %dma_wait3A_230] : memref<8x64x128xf32, #tpu.memory_space<vmem>> -> memref<1x64x128xf32, #tpu.memory_space<vmem>>
      %dma_wait3A_232 = tpu.memref_squeeze %dma_wait3A_231 : memref<1x64x128xf32, #tpu.memory_space<vmem>> -> memref<64x128xf32, #tpu.memory_space<vmem>>
      %dma_wait3A_233 = arith.constant 0 : i32
      %dma_wait3A_234 = arith.constant 0 : i32
      %dma_wait3A_235 = tpu.memref_slice %arg3[%dma_wait3A_233, %dma_wait3A_234] : memref<64x1000000xf32, #tpu.memory_space<hbm>> -> memref<64x128xf32, #tpu.memory_space<hbm>>
      %dma_wait3A_236 = arith.constant 0 : i32
      %dma_wait3A_237 = arith.constant 0 : i32
      %dma_wait3A_238 = tpu.memref_slice %arg6[%dma_wait3A_228, %dma_wait3A_236, %dma_wait3A_237] : memref<8x64x128xf32, #tpu.memory_space<vmem>> -> memref<1x64x128xf32, #tpu.memory_space<vmem>>
      %dma_wait3A_239 = tpu.memref_squeeze %dma_wait3A_238 : memref<1x64x128xf32, #tpu.memory_space<vmem>> -> memref<64x128xf32, #tpu.memory_space<vmem>>
      %dma_wait3A_240 = arith.constant 0 : i32
      %dma_wait3A_241 = arith.constant 0 : i32
      %dma_wait3A_242 = tpu.memref_slice %arg3[%dma_wait3A_240, %dma_wait3A_241] : memref<64x1000000xf32, #tpu.memory_space<hbm>> -> memref<64x128xf32, #tpu.memory_space<hbm>>
      tpu.wait_dma2 semaphore(%arg10 : memref<!tpu.dma_semaphore, #tpu.memory_space<semaphore_mem>>) src(%dma_wait3A_242 : memref<64x128xf32, #tpu.memory_space<hbm>>) dst(%dma_wait3A_239 : memref<64x128xf32, #tpu.memory_space<vmem>>)
      %shift_right_arithmetic3A_243 = arith.constant 7 : i32
      %shift_right_arithmetic3A_244 = arith.shrsi %squeeze3A_227, %shift_right_arithmetic3A_243 : i32
      %mul3A_245 = arith.constant 128 : i32
      %mul3A_246 = arith.muli %shift_right_arithmetic3A_244, %mul3A_245 : i32
      %sub3A_247 = arith.subi %squeeze3A_227, %mul3A_246 : i32
      %broadcast_in_dim3A_248 = vector.broadcast %sub3A_247 : i32 to vector<16xi32>
      %broadcast_in_dim3A_249 = arith.constant 1 : i32
      %broadcast_in_dim3A_250 = vector.broadcast %broadcast_in_dim3A_249 : i32 to vector<16xi32>
      %shift_right_arithmetic3A_251 = arith.constant 5 : i32
      %shift_right_arithmetic3A_252 = arith.shrsi %add3A_225, %shift_right_arithmetic3A_251 : i32
      %mul3A_253 = arith.constant 32 : i32
      %mul3A_254 = arith.muli %shift_right_arithmetic3A_252, %mul3A_253 : i32
      %sub3A_255 = arith.subi %add3A_225, %mul3A_254 : i32
      %iota3A_256 = tpu.iota {dimensions = array<i32: 0>} : vector<16xi32>
      %add3A_257 = arith.constant 0 : i32
      %add3A_258 = vector.broadcast %add3A_257 : i32 to vector<16xi32>
      %add3A_259 = arith.addi %add3A_258, %iota3A_256 : vector<16xi32>
      %gather3A_260 = tpu.vector_load_idx %arg6[%broadcast_in_dim3A_250, %add3A_259, %broadcast_in_dim3A_248] : memref<8x64x128xf32, #tpu.memory_space<vmem>>[vector<16xi32>, vector<16xi32>, vector<16xi32>], vector<16xf32>,
      %swap3A_261 = arith.index_cast %sub3A_255 : i32 to index
      %swap3A_262 = arith.constant 0 : index
      %swap3A_263 = tpu.vector_load %arg7[%swap3A_261, %swap3A_262] {strides = array<i32>} : memref<32x65xf32, #tpu.memory_space<vmem>>, vector<16xf32>,
      tpu.vector_store %arg7[%swap3A_261, %swap3A_262], %gather3A_260 {strides = array<i32>} : memref<32x65xf32, #tpu.memory_space<vmem>>, vector<16xf32>,
      %iota3A_264 = tpu.iota {dimensions = array<i32: 0>} : vector<16xi32>
      %add3A_265 = arith.constant 16 : i32
      %add3A_266 = vector.broadcast %add3A_265 : i32 to vector<16xi32>
      %add3A_267 = arith.addi %add3A_266, %iota3A_264 : vector<16xi32>
      %gather3A_268 = tpu.vector_load_idx %arg6[%broadcast_in_dim3A_250, %add3A_267, %broadcast_in_dim3A_248] : memref<8x64x128xf32, #tpu.memory_space<vmem>>[vector<16xi32>, vector<16xi32>, vector<16xi32>], vector<16xf32>,
      %swap3A_269 = arith.index_cast %sub3A_255 : i32 to index
      %swap3A_270 = arith.constant 16 : index
      %swap3A_271 = tpu.vector_load %arg7[%swap3A_269, %swap3A_270] {strides = array<i32>} : memref<32x65xf32, #tpu.memory_space<vmem>>, vector<16xf32>,
      tpu.vector_store %arg7[%swap3A_269, %swap3A_270], %gather3A_268 {strides = array<i32>} : memref<32x65xf32, #tpu.memory_space<vmem>>, vector<16xf32>,
      %iota3A_272 = tpu.iota {dimensions = array<i32: 0>} : vector<16xi32>
      %add3A_273 = arith.constant 32 : i32
      %add3A_274 = vector.broadcast %add3A_273 : i32 to vector<16xi32>
      %add3A_275 = arith.addi %add3A_274, %iota3A_272 : vector<16xi32>
      %gather3A_276 = tpu.vector_load_idx %arg6[%broadcast_in_dim3A_250, %add3A_275, %broadcast_in_dim3A_248] : memref<8x64x128xf32, #tpu.memory_space<vmem>>[vector<16xi32>, vector<16xi32>, vector<16xi32>], vector<16xf32>,
      %swap3A_277 = arith.index_cast %sub3A_255 : i32 to index
      %swap3A_278 = arith.constant 32 : index
      %swap3A_279 = tpu.vector_load %arg7[%swap3A_277, %swap3A_278] {strides = array<i32>} : memref<32x65xf32, #tpu.memory_space<vmem>>, vector<16xf32>,
      tpu.vector_store %arg7[%swap3A_277, %swap3A_278], %gather3A_276 {strides = array<i32>} : memref<32x65xf32, #tpu.memory_space<vmem>>, vector<16xf32>,
      %iota3A_280 = tpu.iota {dimensions = array<i32: 0>} : vector<16xi32>
      %add3A_281 = arith.constant 48 : i32
      %add3A_282 = vector.broadcast %add3A_281 : i32 to vector<16xi32>
      %add3A_283 = arith.addi %add3A_282, %iota3A_280 : vector<16xi32>
      %gather3A_284 = tpu.vector_load_idx %arg6[%broadcast_in_dim3A_250, %add3A_283, %broadcast_in_dim3A_248] : memref<8x64x128xf32, #tpu.memory_space<vmem>>[vector<16xi32>, vector<16xi32>, vector<16xi32>], vector<16xf32>,
      %swap3A_285 = arith.index_cast %sub3A_255 : i32 to index
      %swap3A_286 = arith.constant 48 : index
      %swap3A_287 = tpu.vector_load %arg7[%swap3A_285, %swap3A_286] {strides = array<i32>} : memref<32x65xf32, #tpu.memory_space<vmem>>, vector<16xf32>,
      tpu.vector_store %arg7[%swap3A_285, %swap3A_286], %gather3A_284 {strides = array<i32>} : memref<32x65xf32, #tpu.memory_space<vmem>>, vector<16xf32>,
      %add3A_288 = arith.constant 8 : i32
      %add3A_289 = arith.addi %add3A_225, %add3A_288 : i32
      %lt3A_290 = arith.constant 512 : i32
      %lt3A_291 = arith.cmpi slt, %add3A_289, %lt3A_290 : i32
      %convert_element_type3A_292 = arith.extui %lt3A_291 : i1 to i32
      %cond3A_293 = arith.constant 0 : i32
      %cond3A_294 = arith.cmpi ne, %convert_element_type3A_292, %cond3A_293 : i32
      scf.if %cond3A_294 {
        %slice3A_726 = vector.extract_strided_slice %get3A_161 {offsets = [9], sizes = [1], strides = [1]} : vector<16xi32> to vector<1xi32>
        %squeeze3A_727 = vector.extract %slice3A_726[0] : i32 from vector<1xi32>
        %shift_right_arithmetic3A_728 = arith.constant 7 : i32
        %shift_right_arithmetic3A_729 = arith.shrsi %squeeze3A_727, %shift_right_arithmetic3A_728 : i32
        %mul3A_730 = arith.constant 128 : i32
        %mul3A_731 = arith.muli %shift_right_arithmetic3A_729, %mul3A_730 : i32
        %dma_start3A_732 = arith.constant 1 : i32
        %dma_start3A_733 = arith.constant 0 : i32
        %dma_start3A_734 = arith.constant 0 : i32
        %dma_start3A_735 = tpu.memref_slice %arg6[%dma_start3A_732, %dma_start3A_733, %dma_start3A_734] : memref<8x64x128xf32, #tpu.memory_space<vmem>> -> memref<1x64x128xf32, #tpu.memory_space<vmem>>
        %dma_start3A_736 = tpu.memref_squeeze %dma_start3A_735 : memref<1x64x128xf32, #tpu.memory_space<vmem>> -> memref<64x128xf32, #tpu.memory_space<vmem>>
        %dma_start3A_737 = arith.constant 0 : i32
        %dma_start3A_738 = tpu.memref_slice %arg3[%dma_start3A_737, %mul3A_731] : memref<64x1000000xf32, #tpu.memory_space<hbm>> -> memref<64x128xf32, #tpu.memory_space<hbm>>
        %dma_start3A_739 = arith.constant 0 : i32
        %dma_start3A_740 = arith.constant 0 : i32
        %dma_start3A_741 = tpu.memref_slice %arg6[%dma_start3A_732, %dma_start3A_739, %dma_start3A_740] : memref<8x64x128xf32, #tpu.memory_space<vmem>> -> memref<1x64x128xf32, #tpu.memory_space<vmem>>
        %dma_start3A_742 = tpu.memref_squeeze %dma_start3A_741 : memref<1x64x128xf32, #tpu.memory_space<vmem>> -> memref<64x128xf32, #tpu.memory_space<vmem>>
        %dma_start3A_743 = arith.constant 0 : i32
        %dma_start3A_744 = tpu.memref_slice %arg3[%dma_start3A_743, %mul3A_731] : memref<64x1000000xf32, #tpu.memory_space<hbm>> -> memref<64x128xf32, #tpu.memory_space<hbm>>
        tpu.enqueue_dma source(%dma_start3A_744 : memref<64x128xf32, #tpu.memory_space<hbm>>) target(%dma_start3A_742 : memref<64x128xf32, #tpu.memory_space<vmem>>) target_semaphore(%arg10 : memref<!tpu.dma_semaphore, #tpu.memory_space<semaphore_mem>>)
      } else {
      }
      %add3A_295 = arith.constant 2 : i32
      %add3A_296 = arith.addi %mul3A_159, %add3A_295 : i32
      %slice3A_297 = vector.extract_strided_slice %get3A_161 {offsets = [2], sizes = [1], strides = [1]} : vector<16xi32> to vector<1xi32>
      %squeeze3A_298 = vector.extract %slice3A_297[0] : i32 from vector<1xi32>
      %dma_wait3A_299 = arith.constant 2 : i32
      %dma_wait3A_300 = arith.constant 0 : i32
      %dma_wait3A_301 = arith.constant 0 : i32
      %dma_wait3A_302 = tpu.memref_slice %arg6[%dma_wait3A_299, %dma_wait3A_300, %dma_wait3A_301] : memref<8x64x128xf32, #tpu.memory_space<vmem>> -> memref<1x64x128xf32, #tpu.memory_space<vmem>>
      %dma_wait3A_303 = tpu.memref_squeeze %dma_wait3A_302 : memref<1x64x128xf32, #tpu.memory_space<vmem>> -> memref<64x128xf32, #tpu.memory_space<vmem>>
      %dma_wait3A_304 = arith.constant 0 : i32
      %dma_wait3A_305 = arith.constant 0 : i32
      %dma_wait3A_306 = tpu.memref_slice %arg3[%dma_wait3A_304, %dma_wait3A_305] : memref<64x1000000xf32, #tpu.memory_space<hbm>> -> memref<64x128xf32, #tpu.memory_space<hbm>>
      %dma_wait3A_307 = arith.constant 0 : i32
      %dma_wait3A_308 = arith.constant 0 : i32
      %dma_wait3A_309 = tpu.memref_slice %arg6[%dma_wait3A_299, %dma_wait3A_307, %dma_wait3A_308] : memref<8x64x128xf32, #tpu.memory_space<vmem>> -> memref<1x64x128xf32, #tpu.memory_space<vmem>>
      %dma_wait3A_310 = tpu.memref_squeeze %dma_wait3A_309 : memref<1x64x128xf32, #tpu.memory_space<vmem>> -> memref<64x128xf32, #tpu.memory_space<vmem>>
      %dma_wait3A_311 = arith.constant 0 : i32
      %dma_wait3A_312 = arith.constant 0 : i32
      %dma_wait3A_313 = tpu.memref_slice %arg3[%dma_wait3A_311, %dma_wait3A_312] : memref<64x1000000xf32, #tpu.memory_space<hbm>> -> memref<64x128xf32, #tpu.memory_space<hbm>>
      tpu.wait_dma2 semaphore(%arg11 : memref<!tpu.dma_semaphore, #tpu.memory_space<semaphore_mem>>) src(%dma_wait3A_313 : memref<64x128xf32, #tpu.memory_space<hbm>>) dst(%dma_wait3A_310 : memref<64x128xf32, #tpu.memory_space<vmem>>)
      %shift_right_arithmetic3A_314 = arith.constant 7 : i32
      %shift_right_arithmetic3A_315 = arith.shrsi %squeeze3A_298, %shift_right_arithmetic3A_314 : i32
      %mul3A_316 = arith.constant 128 : i32
      %mul3A_317 = arith.muli %shift_right_arithmetic3A_315, %mul3A_316 : i32
      %sub3A_318 = arith.subi %squeeze3A_298, %mul3A_317 : i32
      %broadcast_in_dim3A_319 = vector.broadcast %sub3A_318 : i32 to vector<16xi32>
      %broadcast_in_dim3A_320 = arith.constant 2 : i32
      %broadcast_in_dim3A_321 = vector.broadcast %broadcast_in_dim3A_320 : i32 to vector<16xi32>
      %shift_right_arithmetic3A_322 = arith.constant 5 : i32
      %shift_right_arithmetic3A_323 = arith.shrsi %add3A_296, %shift_right_arithmetic3A_322 : i32
      %mul3A_324 = arith.constant 32 : i32
      %mul3A_325 = arith.muli %shift_right_arithmetic3A_323, %mul3A_324 : i32
      %sub3A_326 = arith.subi %add3A_296, %mul3A_325 : i32
      %iota3A_327 = tpu.iota {dimensions = array<i32: 0>} : vector<16xi32>
      %add3A_328 = arith.constant 0 : i32
      %add3A_329 = vector.broadcast %add3A_328 : i32 to vector<16xi32>
      %add3A_330 = arith.addi %add3A_329, %iota3A_327 : vector<16xi32>
      %gather3A_331 = tpu.vector_load_idx %arg6[%broadcast_in_dim3A_321, %add3A_330, %broadcast_in_dim3A_319] : memref<8x64x128xf32, #tpu.memory_space<vmem>>[vector<16xi32>, vector<16xi32>, vector<16xi32>], vector<16xf32>,
      %swap3A_332 = arith.index_cast %sub3A_326 : i32 to index
      %swap3A_333 = arith.constant 0 : index
      %swap3A_334 = tpu.vector_load %arg7[%swap3A_332, %swap3A_333] {strides = array<i32>} : memref<32x65xf32, #tpu.memory_space<vmem>>, vector<16xf32>,
      tpu.vector_store %arg7[%swap3A_332, %swap3A_333], %gather3A_331 {strides = array<i32>} : memref<32x65xf32, #tpu.memory_space<vmem>>, vector<16xf32>,
      %iota3A_335 = tpu.iota {dimensions = array<i32: 0>} : vector<16xi32>
      %add3A_336 = arith.constant 16 : i32
      %add3A_337 = vector.broadcast %add3A_336 : i32 to vector<16xi32>
      %add3A_338 = arith.addi %add3A_337, %iota3A_335 : vector<16xi32>
      %gather3A_339 = tpu.vector_load_idx %arg6[%broadcast_in_dim3A_321, %add3A_338, %broadcast_in_dim3A_319] : memref<8x64x128xf32, #tpu.memory_space<vmem>>[vector<16xi32>, vector<16xi32>, vector<16xi32>], vector<16xf32>,
      %swap3A_340 = arith.index_cast %sub3A_326 : i32 to index
      %swap3A_341 = arith.constant 16 : index
      %swap3A_342 = tpu.vector_load %arg7[%swap3A_340, %swap3A_341] {strides = array<i32>} : memref<32x65xf32, #tpu.memory_space<vmem>>, vector<16xf32>,
      tpu.vector_store %arg7[%swap3A_340, %swap3A_341], %gather3A_339 {strides = array<i32>} : memref<32x65xf32, #tpu.memory_space<vmem>>, vector<16xf32>,
      %iota3A_343 = tpu.iota {dimensions = array<i32: 0>} : vector<16xi32>
      %add3A_344 = arith.constant 32 : i32
      %add3A_345 = vector.broadcast %add3A_344 : i32 to vector<16xi32>
      %add3A_346 = arith.addi %add3A_345, %iota3A_343 : vector<16xi32>
      %gather3A_347 = tpu.vector_load_idx %arg6[%broadcast_in_dim3A_321, %add3A_346, %broadcast_in_dim3A_319] : memref<8x64x128xf32, #tpu.memory_space<vmem>>[vector<16xi32>, vector<16xi32>, vector<16xi32>], vector<16xf32>,
      %swap3A_348 = arith.index_cast %sub3A_326 : i32 to index
      %swap3A_349 = arith.constant 32 : index
      %swap3A_350 = tpu.vector_load %arg7[%swap3A_348, %swap3A_349] {strides = array<i32>} : memref<32x65xf32, #tpu.memory_space<vmem>>, vector<16xf32>,
      tpu.vector_store %arg7[%swap3A_348, %swap3A_349], %gather3A_347 {strides = array<i32>} : memref<32x65xf32, #tpu.memory_space<vmem>>, vector<16xf32>,
      %iota3A_351 = tpu.iota {dimensions = array<i32: 0>} : vector<16xi32>
      %add3A_352 = arith.constant 48 : i32
      %add3A_353 = vector.broadcast %add3A_352 : i32 to vector<16xi32>
      %add3A_354 = arith.addi %add3A_353, %iota3A_351 : vector<16xi32>
      %gather3A_355 = tpu.vector_load_idx %arg6[%broadcast_in_dim3A_321, %add3A_354, %broadcast_in_dim3A_319] : memref<8x64x128xf32, #tpu.memory_space<vmem>>[vector<16xi32>, vector<16xi32>, vector<16xi32>], vector<16xf32>,
      %swap3A_356 = arith.index_cast %sub3A_326 : i32 to index
      %swap3A_357 = arith.constant 48 : index
      %swap3A_358 = tpu.vector_load %arg7[%swap3A_356, %swap3A_357] {strides = array<i32>} : memref<32x65xf32, #tpu.memory_space<vmem>>, vector<16xf32>,
      tpu.vector_store %arg7[%swap3A_356, %swap3A_357], %gather3A_355 {strides = array<i32>} : memref<32x65xf32, #tpu.memory_space<vmem>>, vector<16xf32>,
      %add3A_359 = arith.constant 8 : i32
      %add3A_360 = arith.addi %add3A_296, %add3A_359 : i32
      %lt3A_361 = arith.constant 512 : i32
      %lt3A_362 = arith.cmpi slt, %add3A_360, %lt3A_361 : i32
      %convert_element_type3A_363 = arith.extui %lt3A_362 : i1 to i32
      %cond3A_364 = arith.constant 0 : i32
      %cond3A_365 = arith.cmpi ne, %convert_element_type3A_363, %cond3A_364 : i32
      scf.if %cond3A_365 {
        %slice3A_726 = vector.extract_strided_slice %get3A_161 {offsets = [10], sizes = [1], strides = [1]} : vector<16xi32> to vector<1xi32>
        %squeeze3A_727 = vector.extract %slice3A_726[0] : i32 from vector<1xi32>
        %shift_right_arithmetic3A_728 = arith.constant 7 : i32
        %shift_right_arithmetic3A_729 = arith.shrsi %squeeze3A_727, %shift_right_arithmetic3A_728 : i32
        %mul3A_730 = arith.constant 128 : i32
        %mul3A_731 = arith.muli %shift_right_arithmetic3A_729, %mul3A_730 : i32
        %dma_start3A_732 = arith.constant 2 : i32
        %dma_start3A_733 = arith.constant 0 : i32
        %dma_start3A_734 = arith.constant 0 : i32
        %dma_start3A_735 = tpu.memref_slice %arg6[%dma_start3A_732, %dma_start3A_733, %dma_start3A_734] : memref<8x64x128xf32, #tpu.memory_space<vmem>> -> memref<1x64x128xf32, #tpu.memory_space<vmem>>
        %dma_start3A_736 = tpu.memref_squeeze %dma_start3A_735 : memref<1x64x128xf32, #tpu.memory_space<vmem>> -> memref<64x128xf32, #tpu.memory_space<vmem>>
        %dma_start3A_737 = arith.constant 0 : i32
        %dma_start3A_738 = tpu.memref_slice %arg3[%dma_start3A_737, %mul3A_731] : memref<64x1000000xf32, #tpu.memory_space<hbm>> -> memref<64x128xf32, #tpu.memory_space<hbm>>
        %dma_start3A_739 = arith.constant 0 : i32
        %dma_start3A_740 = arith.constant 0 : i32
        %dma_start3A_741 = tpu.memref_slice %arg6[%dma_start3A_732, %dma_start3A_739, %dma_start3A_740] : memref<8x64x128xf32, #tpu.memory_space<vmem>> -> memref<1x64x128xf32, #tpu.memory_space<vmem>>
        %dma_start3A_742 = tpu.memref_squeeze %dma_start3A_741 : memref<1x64x128xf32, #tpu.memory_space<vmem>> -> memref<64x128xf32, #tpu.memory_space<vmem>>
        %dma_start3A_743 = arith.constant 0 : i32
        %dma_start3A_744 = tpu.memref_slice %arg3[%dma_start3A_743, %mul3A_731] : memref<64x1000000xf32, #tpu.memory_space<hbm>> -> memref<64x128xf32, #tpu.memory_space<hbm>>
        tpu.enqueue_dma source(%dma_start3A_744 : memref<64x128xf32, #tpu.memory_space<hbm>>) target(%dma_start3A_742 : memref<64x128xf32, #tpu.memory_space<vmem>>) target_semaphore(%arg11 : memref<!tpu.dma_semaphore, #tpu.memory_space<semaphore_mem>>)
      } else {
      }
      %add3A_366 = arith.constant 3 : i32
      %add3A_367 = arith.addi %mul3A_159, %add3A_366 : i32
      %slice3A_368 = vector.extract_strided_slice %get3A_161 {offsets = [3], sizes = [1], strides = [1]} : vector<16xi32> to vector<1xi32>
      %squeeze3A_369 = vector.extract %slice3A_368[0] : i32 from vector<1xi32>
      %dma_wait3A_370 = arith.constant 3 : i32
      %dma_wait3A_371 = arith.constant 0 : i32
      %dma_wait3A_372 = arith.constant 0 : i32
      %dma_wait3A_373 = tpu.memref_slice %arg6[%dma_wait3A_370, %dma_wait3A_371, %dma_wait3A_372] : memref<8x64x128xf32, #tpu.memory_space<vmem>> -> memref<1x64x128xf32, #tpu.memory_space<vmem>>
      %dma_wait3A_374 = tpu.memref_squeeze %dma_wait3A_373 : memref<1x64x128xf32, #tpu.memory_space<vmem>> -> memref<64x128xf32, #tpu.memory_space<vmem>>
      %dma_wait3A_375 = arith.constant 0 : i32
      %dma_wait3A_376 = arith.constant 0 : i32
      %dma_wait3A_377 = tpu.memref_slice %arg3[%dma_wait3A_375, %dma_wait3A_376] : memref<64x1000000xf32, #tpu.memory_space<hbm>> -> memref<64x128xf32, #tpu.memory_space<hbm>>
      %dma_wait3A_378 = arith.constant 0 : i32
      %dma_wait3A_379 = arith.constant 0 : i32
      %dma_wait3A_380 = tpu.memref_slice %arg6[%dma_wait3A_370, %dma_wait3A_378, %dma_wait3A_379] : memref<8x64x128xf32, #tpu.memory_space<vmem>> -> memref<1x64x128xf32, #tpu.memory_space<vmem>>
      %dma_wait3A_381 = tpu.memref_squeeze %dma_wait3A_380 : memref<1x64x128xf32, #tpu.memory_space<vmem>> -> memref<64x128xf32, #tpu.memory_space<vmem>>
      %dma_wait3A_382 = arith.constant 0 : i32
      %dma_wait3A_383 = arith.constant 0 : i32
      %dma_wait3A_384 = tpu.memref_slice %arg3[%dma_wait3A_382, %dma_wait3A_383] : memref<64x1000000xf32, #tpu.memory_space<hbm>> -> memref<64x128xf32, #tpu.memory_space<hbm>>
      tpu.wait_dma2 semaphore(%arg12 : memref<!tpu.dma_semaphore, #tpu.memory_space<semaphore_mem>>) src(%dma_wait3A_384 : memref<64x128xf32, #tpu.memory_space<hbm>>) dst(%dma_wait3A_381 : memref<64x128xf32, #tpu.memory_space<vmem>>)
      %shift_right_arithmetic3A_385 = arith.constant 7 : i32
      %shift_right_arithmetic3A_386 = arith.shrsi %squeeze3A_369, %shift_right_arithmetic3A_385 : i32
      %mul3A_387 = arith.constant 128 : i32
      %mul3A_388 = arith.muli %shift_right_arithmetic3A_386, %mul3A_387 : i32
      %sub3A_389 = arith.subi %squeeze3A_369, %mul3A_388 : i32
      %broadcast_in_dim3A_390 = vector.broadcast %sub3A_389 : i32 to vector<16xi32>
      %broadcast_in_dim3A_391 = arith.constant 3 : i32
      %broadcast_in_dim3A_392 = vector.broadcast %broadcast_in_dim3A_391 : i32 to vector<16xi32>
      %shift_right_arithmetic3A_393 = arith.constant 5 : i32
      %shift_right_arithmetic3A_394 = arith.shrsi %add3A_367, %shift_right_arithmetic3A_393 : i32
      %mul3A_395 = arith.constant 32 : i32
      %mul3A_396 = arith.muli %shift_right_arithmetic3A_394, %mul3A_395 : i32
      %sub3A_397 = arith.subi %add3A_367, %mul3A_396 : i32
      %iota3A_398 = tpu.iota {dimensions = array<i32: 0>} : vector<16xi32>
      %add3A_399 = arith.constant 0 : i32
      %add3A_400 = vector.broadcast %add3A_399 : i32 to vector<16xi32>
      %add3A_401 = arith.addi %add3A_400, %iota3A_398 : vector<16xi32>
      %gather3A_402 = tpu.vector_load_idx %arg6[%broadcast_in_dim3A_392, %add3A_401, %broadcast_in_dim3A_390] : memref<8x64x128xf32, #tpu.memory_space<vmem>>[vector<16xi32>, vector<16xi32>, vector<16xi32>], vector<16xf32>,
      %swap3A_403 = arith.index_cast %sub3A_397 : i32 to index
      %swap3A_404 = arith.constant 0 : index
      %swap3A_405 = tpu.vector_load %arg7[%swap3A_403, %swap3A_404] {strides = array<i32>} : memref<32x65xf32, #tpu.memory_space<vmem>>, vector<16xf32>,
      tpu.vector_store %arg7[%swap3A_403, %swap3A_404], %gather3A_402 {strides = array<i32>} : memref<32x65xf32, #tpu.memory_space<vmem>>, vector<16xf32>,
      %iota3A_406 = tpu.iota {dimensions = array<i32: 0>} : vector<16xi32>
      %add3A_407 = arith.constant 16 : i32
      %add3A_408 = vector.broadcast %add3A_407 : i32 to vector<16xi32>
      %add3A_409 = arith.addi %add3A_408, %iota3A_406 : vector<16xi32>
      %gather3A_410 = tpu.vector_load_idx %arg6[%broadcast_in_dim3A_392, %add3A_409, %broadcast_in_dim3A_390] : memref<8x64x128xf32, #tpu.memory_space<vmem>>[vector<16xi32>, vector<16xi32>, vector<16xi32>], vector<16xf32>,
      %swap3A_411 = arith.index_cast %sub3A_397 : i32 to index
      %swap3A_412 = arith.constant 16 : index
      %swap3A_413 = tpu.vector_load %arg7[%swap3A_411, %swap3A_412] {strides = array<i32>} : memref<32x65xf32, #tpu.memory_space<vmem>>, vector<16xf32>,
      tpu.vector_store %arg7[%swap3A_411, %swap3A_412], %gather3A_410 {strides = array<i32>} : memref<32x65xf32, #tpu.memory_space<vmem>>, vector<16xf32>,
      %iota3A_414 = tpu.iota {dimensions = array<i32: 0>} : vector<16xi32>
      %add3A_415 = arith.constant 32 : i32
      %add3A_416 = vector.broadcast %add3A_415 : i32 to vector<16xi32>
      %add3A_417 = arith.addi %add3A_416, %iota3A_414 : vector<16xi32>
      %gather3A_418 = tpu.vector_load_idx %arg6[%broadcast_in_dim3A_392, %add3A_417, %broadcast_in_dim3A_390] : memref<8x64x128xf32, #tpu.memory_space<vmem>>[vector<16xi32>, vector<16xi32>, vector<16xi32>], vector<16xf32>,
      %swap3A_419 = arith.index_cast %sub3A_397 : i32 to index
      %swap3A_420 = arith.constant 32 : index
      %swap3A_421 = tpu.vector_load %arg7[%swap3A_419, %swap3A_420] {strides = array<i32>} : memref<32x65xf32, #tpu.memory_space<vmem>>, vector<16xf32>,
      tpu.vector_store %arg7[%swap3A_419, %swap3A_420], %gather3A_418 {strides = array<i32>} : memref<32x65xf32, #tpu.memory_space<vmem>>, vector<16xf32>,
      %iota3A_422 = tpu.iota {dimensions = array<i32: 0>} : vector<16xi32>
      %add3A_423 = arith.constant 48 : i32
      %add3A_424 = vector.broadcast %add3A_423 : i32 to vector<16xi32>
      %add3A_425 = arith.addi %add3A_424, %iota3A_422 : vector<16xi32>
      %gather3A_426 = tpu.vector_load_idx %arg6[%broadcast_in_dim3A_392, %add3A_425, %broadcast_in_dim3A_390] : memref<8x64x128xf32, #tpu.memory_space<vmem>>[vector<16xi32>, vector<16xi32>, vector<16xi32>], vector<16xf32>,
      %swap3A_427 = arith.index_cast %sub3A_397 : i32 to index
      %swap3A_428 = arith.constant 48 : index
      %swap3A_429 = tpu.vector_load %arg7[%swap3A_427, %swap3A_428] {strides = array<i32>} : memref<32x65xf32, #tpu.memory_space<vmem>>, vector<16xf32>,
      tpu.vector_store %arg7[%swap3A_427, %swap3A_428], %gather3A_426 {strides = array<i32>} : memref<32x65xf32, #tpu.memory_space<vmem>>, vector<16xf32>,
      %add3A_430 = arith.constant 8 : i32
      %add3A_431 = arith.addi %add3A_367, %add3A_430 : i32
      %lt3A_432 = arith.constant 512 : i32
      %lt3A_433 = arith.cmpi slt, %add3A_431, %lt3A_432 : i32
      %convert_element_type3A_434 = arith.extui %lt3A_433 : i1 to i32
      %cond3A_435 = arith.constant 0 : i32
      %cond3A_436 = arith.cmpi ne, %convert_element_type3A_434, %cond3A_435 : i32
      scf.if %cond3A_436 {
        %slice3A_726 = vector.extract_strided_slice %get3A_161 {offsets = [11], sizes = [1], strides = [1]} : vector<16xi32> to vector<1xi32>
        %squeeze3A_727 = vector.extract %slice3A_726[0] : i32 from vector<1xi32>
        %shift_right_arithmetic3A_728 = arith.constant 7 : i32
        %shift_right_arithmetic3A_729 = arith.shrsi %squeeze3A_727, %shift_right_arithmetic3A_728 : i32
        %mul3A_730 = arith.constant 128 : i32
        %mul3A_731 = arith.muli %shift_right_arithmetic3A_729, %mul3A_730 : i32
        %dma_start3A_732 = arith.constant 3 : i32
        %dma_start3A_733 = arith.constant 0 : i32
        %dma_start3A_734 = arith.constant 0 : i32
        %dma_start3A_735 = tpu.memref_slice %arg6[%dma_start3A_732, %dma_start3A_733, %dma_start3A_734] : memref<8x64x128xf32, #tpu.memory_space<vmem>> -> memref<1x64x128xf32, #tpu.memory_space<vmem>>
        %dma_start3A_736 = tpu.memref_squeeze %dma_start3A_735 : memref<1x64x128xf32, #tpu.memory_space<vmem>> -> memref<64x128xf32, #tpu.memory_space<vmem>>
        %dma_start3A_737 = arith.constant 0 : i32
        %dma_start3A_738 = tpu.memref_slice %arg3[%dma_start3A_737, %mul3A_731] : memref<64x1000000xf32, #tpu.memory_space<hbm>> -> memref<64x128xf32, #tpu.memory_space<hbm>>
        %dma_start3A_739 = arith.constant 0 : i32
        %dma_start3A_740 = arith.constant 0 : i32
        %dma_start3A_741 = tpu.memref_slice %arg6[%dma_start3A_732, %dma_start3A_739, %dma_start3A_740] : memref<8x64x128xf32, #tpu.memory_space<vmem>> -> memref<1x64x128xf32, #tpu.memory_space<vmem>>
        %dma_start3A_742 = tpu.memref_squeeze %dma_start3A_741 : memref<1x64x128xf32, #tpu.memory_space<vmem>> -> memref<64x128xf32, #tpu.memory_space<vmem>>
        %dma_start3A_743 = arith.constant 0 : i32
        %dma_start3A_744 = tpu.memref_slice %arg3[%dma_start3A_743, %mul3A_731] : memref<64x1000000xf32, #tpu.memory_space<hbm>> -> memref<64x128xf32, #tpu.memory_space<hbm>>
        tpu.enqueue_dma source(%dma_start3A_744 : memref<64x128xf32, #tpu.memory_space<hbm>>) target(%dma_start3A_742 : memref<64x128xf32, #tpu.memory_space<vmem>>) target_semaphore(%arg12 : memref<!tpu.dma_semaphore, #tpu.memory_space<semaphore_mem>>)
      } else {
      }
      %add3A_437 = arith.constant 4 : i32
      %add3A_438 = arith.addi %mul3A_159, %add3A_437 : i32
      %slice3A_439 = vector.extract_strided_slice %get3A_161 {offsets = [4], sizes = [1], strides = [1]} : vector<16xi32> to vector<1xi32>
      %squeeze3A_440 = vector.extract %slice3A_439[0] : i32 from vector<1xi32>
      %dma_wait3A_441 = arith.constant 4 : i32
      %dma_wait3A_442 = arith.constant 0 : i32
      %dma_wait3A_443 = arith.constant 0 : i32
      %dma_wait3A_444 = tpu.memref_slice %arg6[%dma_wait3A_441, %dma_wait3A_442, %dma_wait3A_443] : memref<8x64x128xf32, #tpu.memory_space<vmem>> -> memref<1x64x128xf32, #tpu.memory_space<vmem>>
      %dma_wait3A_445 = tpu.memref_squeeze %dma_wait3A_444 : memref<1x64x128xf32, #tpu.memory_space<vmem>> -> memref<64x128xf32, #tpu.memory_space<vmem>>
      %dma_wait3A_446 = arith.constant 0 : i32
      %dma_wait3A_447 = arith.constant 0 : i32
      %dma_wait3A_448 = tpu.memref_slice %arg3[%dma_wait3A_446, %dma_wait3A_447] : memref<64x1000000xf32, #tpu.memory_space<hbm>> -> memref<64x128xf32, #tpu.memory_space<hbm>>
      %dma_wait3A_449 = arith.constant 0 : i32
      %dma_wait3A_450 = arith.constant 0 : i32
      %dma_wait3A_451 = tpu.memref_slice %arg6[%dma_wait3A_441, %dma_wait3A_449, %dma_wait3A_450] : memref<8x64x128xf32, #tpu.memory_space<vmem>> -> memref<1x64x128xf32, #tpu.memory_space<vmem>>
      %dma_wait3A_452 = tpu.memref_squeeze %dma_wait3A_451 : memref<1x64x128xf32, #tpu.memory_space<vmem>> -> memref<64x128xf32, #tpu.memory_space<vmem>>
      %dma_wait3A_453 = arith.constant 0 : i32
      %dma_wait3A_454 = arith.constant 0 : i32
      %dma_wait3A_455 = tpu.memref_slice %arg3[%dma_wait3A_453, %dma_wait3A_454] : memref<64x1000000xf32, #tpu.memory_space<hbm>> -> memref<64x128xf32, #tpu.memory_space<hbm>>
      tpu.wait_dma2 semaphore(%arg13 : memref<!tpu.dma_semaphore, #tpu.memory_space<semaphore_mem>>) src(%dma_wait3A_455 : memref<64x128xf32, #tpu.memory_space<hbm>>) dst(%dma_wait3A_452 : memref<64x128xf32, #tpu.memory_space<vmem>>)
      %shift_right_arithmetic3A_456 = arith.constant 7 : i32
      %shift_right_arithmetic3A_457 = arith.shrsi %squeeze3A_440, %shift_right_arithmetic3A_456 : i32
      %mul3A_458 = arith.constant 128 : i32
      %mul3A_459 = arith.muli %shift_right_arithmetic3A_457, %mul3A_458 : i32
      %sub3A_460 = arith.subi %squeeze3A_440, %mul3A_459 : i32
      %broadcast_in_dim3A_461 = vector.broadcast %sub3A_460 : i32 to vector<16xi32>
      %broadcast_in_dim3A_462 = arith.constant 4 : i32
      %broadcast_in_dim3A_463 = vector.broadcast %broadcast_in_dim3A_462 : i32 to vector<16xi32>
      %shift_right_arithmetic3A_464 = arith.constant 5 : i32
      %shift_right_arithmetic3A_465 = arith.shrsi %add3A_438, %shift_right_arithmetic3A_464 : i32
      %mul3A_466 = arith.constant 32 : i32
      %mul3A_467 = arith.muli %shift_right_arithmetic3A_465, %mul3A_466 : i32
      %sub3A_468 = arith.subi %add3A_438, %mul3A_467 : i32
      %iota3A_469 = tpu.iota {dimensions = array<i32: 0>} : vector<16xi32>
      %add3A_470 = arith.constant 0 : i32
      %add3A_471 = vector.broadcast %add3A_470 : i32 to vector<16xi32>
      %add3A_472 = arith.addi %add3A_471, %iota3A_469 : vector<16xi32>
      %gather3A_473 = tpu.vector_load_idx %arg6[%broadcast_in_dim3A_463, %add3A_472, %broadcast_in_dim3A_461] : memref<8x64x128xf32, #tpu.memory_space<vmem>>[vector<16xi32>, vector<16xi32>, vector<16xi32>], vector<16xf32>,
      %swap3A_474 = arith.index_cast %sub3A_468 : i32 to index
      %swap3A_475 = arith.constant 0 : index
      %swap3A_476 = tpu.vector_load %arg7[%swap3A_474, %swap3A_475] {strides = array<i32>} : memref<32x65xf32, #tpu.memory_space<vmem>>, vector<16xf32>,
      tpu.vector_store %arg7[%swap3A_474, %swap3A_475], %gather3A_473 {strides = array<i32>} : memref<32x65xf32, #tpu.memory_space<vmem>>, vector<16xf32>,
      %iota3A_477 = tpu.iota {dimensions = array<i32: 0>} : vector<16xi32>
      %add3A_478 = arith.constant 16 : i32
      %add3A_479 = vector.broadcast %add3A_478 : i32 to vector<16xi32>
      %add3A_480 = arith.addi %add3A_479, %iota3A_477 : vector<16xi32>
      %gather3A_481 = tpu.vector_load_idx %arg6[%broadcast_in_dim3A_463, %add3A_480, %broadcast_in_dim3A_461] : memref<8x64x128xf32, #tpu.memory_space<vmem>>[vector<16xi32>, vector<16xi32>, vector<16xi32>], vector<16xf32>,
      %swap3A_482 = arith.index_cast %sub3A_468 : i32 to index
      %swap3A_483 = arith.constant 16 : index
      %swap3A_484 = tpu.vector_load %arg7[%swap3A_482, %swap3A_483] {strides = array<i32>} : memref<32x65xf32, #tpu.memory_space<vmem>>, vector<16xf32>,
      tpu.vector_store %arg7[%swap3A_482, %swap3A_483], %gather3A_481 {strides = array<i32>} : memref<32x65xf32, #tpu.memory_space<vmem>>, vector<16xf32>,
      %iota3A_485 = tpu.iota {dimensions = array<i32: 0>} : vector<16xi32>
      %add3A_486 = arith.constant 32 : i32
      %add3A_487 = vector.broadcast %add3A_486 : i32 to vector<16xi32>
      %add3A_488 = arith.addi %add3A_487, %iota3A_485 : vector<16xi32>
      %gather3A_489 = tpu.vector_load_idx %arg6[%broadcast_in_dim3A_463, %add3A_488, %broadcast_in_dim3A_461] : memref<8x64x128xf32, #tpu.memory_space<vmem>>[vector<16xi32>, vector<16xi32>, vector<16xi32>], vector<16xf32>,
      %swap3A_490 = arith.index_cast %sub3A_468 : i32 to index
      %swap3A_491 = arith.constant 32 : index
      %swap3A_492 = tpu.vector_load %arg7[%swap3A_490, %swap3A_491] {strides = array<i32>} : memref<32x65xf32, #tpu.memory_space<vmem>>, vector<16xf32>,
      tpu.vector_store %arg7[%swap3A_490, %swap3A_491], %gather3A_489 {strides = array<i32>} : memref<32x65xf32, #tpu.memory_space<vmem>>, vector<16xf32>,
      %iota3A_493 = tpu.iota {dimensions = array<i32: 0>} : vector<16xi32>
      %add3A_494 = arith.constant 48 : i32
      %add3A_495 = vector.broadcast %add3A_494 : i32 to vector<16xi32>
      %add3A_496 = arith.addi %add3A_495, %iota3A_493 : vector<16xi32>
      %gather3A_497 = tpu.vector_load_idx %arg6[%broadcast_in_dim3A_463, %add3A_496, %broadcast_in_dim3A_461] : memref<8x64x128xf32, #tpu.memory_space<vmem>>[vector<16xi32>, vector<16xi32>, vector<16xi32>], vector<16xf32>,
      %swap3A_498 = arith.index_cast %sub3A_468 : i32 to index
      %swap3A_499 = arith.constant 48 : index
      %swap3A_500 = tpu.vector_load %arg7[%swap3A_498, %swap3A_499] {strides = array<i32>} : memref<32x65xf32, #tpu.memory_space<vmem>>, vector<16xf32>,
      tpu.vector_store %arg7[%swap3A_498, %swap3A_499], %gather3A_497 {strides = array<i32>} : memref<32x65xf32, #tpu.memory_space<vmem>>, vector<16xf32>,
      %add3A_501 = arith.constant 8 : i32
      %add3A_502 = arith.addi %add3A_438, %add3A_501 : i32
      %lt3A_503 = arith.constant 512 : i32
      %lt3A_504 = arith.cmpi slt, %add3A_502, %lt3A_503 : i32
      %convert_element_type3A_505 = arith.extui %lt3A_504 : i1 to i32
      %cond3A_506 = arith.constant 0 : i32
      %cond3A_507 = arith.cmpi ne, %convert_element_type3A_505, %cond3A_506 : i32
      scf.if %cond3A_507 {
        %slice3A_726 = vector.extract_strided_slice %get3A_161 {offsets = [12], sizes = [1], strides = [1]} : vector<16xi32> to vector<1xi32>
        %squeeze3A_727 = vector.extract %slice3A_726[0] : i32 from vector<1xi32>
        %shift_right_arithmetic3A_728 = arith.constant 7 : i32
        %shift_right_arithmetic3A_729 = arith.shrsi %squeeze3A_727, %shift_right_arithmetic3A_728 : i32
        %mul3A_730 = arith.constant 128 : i32
        %mul3A_731 = arith.muli %shift_right_arithmetic3A_729, %mul3A_730 : i32
        %dma_start3A_732 = arith.constant 4 : i32
        %dma_start3A_733 = arith.constant 0 : i32
        %dma_start3A_734 = arith.constant 0 : i32
        %dma_start3A_735 = tpu.memref_slice %arg6[%dma_start3A_732, %dma_start3A_733, %dma_start3A_734] : memref<8x64x128xf32, #tpu.memory_space<vmem>> -> memref<1x64x128xf32, #tpu.memory_space<vmem>>
        %dma_start3A_736 = tpu.memref_squeeze %dma_start3A_735 : memref<1x64x128xf32, #tpu.memory_space<vmem>> -> memref<64x128xf32, #tpu.memory_space<vmem>>
        %dma_start3A_737 = arith.constant 0 : i32
        %dma_start3A_738 = tpu.memref_slice %arg3[%dma_start3A_737, %mul3A_731] : memref<64x1000000xf32, #tpu.memory_space<hbm>> -> memref<64x128xf32, #tpu.memory_space<hbm>>
        %dma_start3A_739 = arith.constant 0 : i32
        %dma_start3A_740 = arith.constant 0 : i32
        %dma_start3A_741 = tpu.memref_slice %arg6[%dma_start3A_732, %dma_start3A_739, %dma_start3A_740] : memref<8x64x128xf32, #tpu.memory_space<vmem>> -> memref<1x64x128xf32, #tpu.memory_space<vmem>>
        %dma_start3A_742 = tpu.memref_squeeze %dma_start3A_741 : memref<1x64x128xf32, #tpu.memory_space<vmem>> -> memref<64x128xf32, #tpu.memory_space<vmem>>
        %dma_start3A_743 = arith.constant 0 : i32
        %dma_start3A_744 = tpu.memref_slice %arg3[%dma_start3A_743, %mul3A_731] : memref<64x1000000xf32, #tpu.memory_space<hbm>> -> memref<64x128xf32, #tpu.memory_space<hbm>>
        tpu.enqueue_dma source(%dma_start3A_744 : memref<64x128xf32, #tpu.memory_space<hbm>>) target(%dma_start3A_742 : memref<64x128xf32, #tpu.memory_space<vmem>>) target_semaphore(%arg13 : memref<!tpu.dma_semaphore, #tpu.memory_space<semaphore_mem>>)
      } else {
      }
      %add3A_508 = arith.constant 5 : i32
      %add3A_509 = arith.addi %mul3A_159, %add3A_508 : i32
      %slice3A_510 = vector.extract_strided_slice %get3A_161 {offsets = [5], sizes = [1], strides = [1]} : vector<16xi32> to vector<1xi32>
      %squeeze3A_511 = vector.extract %slice3A_510[0] : i32 from vector<1xi32>
      %dma_wait3A_512 = arith.constant 5 : i32
      %dma_wait3A_513 = arith.constant 0 : i32
      %dma_wait3A_514 = arith.constant 0 : i32
      %dma_wait3A_515 = tpu.memref_slice %arg6[%dma_wait3A_512, %dma_wait3A_513, %dma_wait3A_514] : memref<8x64x128xf32, #tpu.memory_space<vmem>> -> memref<1x64x128xf32, #tpu.memory_space<vmem>>
      %dma_wait3A_516 = tpu.memref_squeeze %dma_wait3A_515 : memref<1x64x128xf32, #tpu.memory_space<vmem>> -> memref<64x128xf32, #tpu.memory_space<vmem>>
      %dma_wait3A_517 = arith.constant 0 : i32
      %dma_wait3A_518 = arith.constant 0 : i32
      %dma_wait3A_519 = tpu.memref_slice %arg3[%dma_wait3A_517, %dma_wait3A_518] : memref<64x1000000xf32, #tpu.memory_space<hbm>> -> memref<64x128xf32, #tpu.memory_space<hbm>>
      %dma_wait3A_520 = arith.constant 0 : i32
      %dma_wait3A_521 = arith.constant 0 : i32
      %dma_wait3A_522 = tpu.memref_slice %arg6[%dma_wait3A_512, %dma_wait3A_520, %dma_wait3A_521] : memref<8x64x128xf32, #tpu.memory_space<vmem>> -> memref<1x64x128xf32, #tpu.memory_space<vmem>>
      %dma_wait3A_523 = tpu.memref_squeeze %dma_wait3A_522 : memref<1x64x128xf32, #tpu.memory_space<vmem>> -> memref<64x128xf32, #tpu.memory_space<vmem>>
      %dma_wait3A_524 = arith.constant 0 : i32
      %dma_wait3A_525 = arith.constant 0 : i32
      %dma_wait3A_526 = tpu.memref_slice %arg3[%dma_wait3A_524, %dma_wait3A_525] : memref<64x1000000xf32, #tpu.memory_space<hbm>> -> memref<64x128xf32, #tpu.memory_space<hbm>>
      tpu.wait_dma2 semaphore(%arg14 : memref<!tpu.dma_semaphore, #tpu.memory_space<semaphore_mem>>) src(%dma_wait3A_526 : memref<64x128xf32, #tpu.memory_space<hbm>>) dst(%dma_wait3A_523 : memref<64x128xf32, #tpu.memory_space<vmem>>)
      %shift_right_arithmetic3A_527 = arith.constant 7 : i32
      %shift_right_arithmetic3A_528 = arith.shrsi %squeeze3A_511, %shift_right_arithmetic3A_527 : i32
      %mul3A_529 = arith.constant 128 : i32
      %mul3A_530 = arith.muli %shift_right_arithmetic3A_528, %mul3A_529 : i32
      %sub3A_531 = arith.subi %squeeze3A_511, %mul3A_530 : i32
      %broadcast_in_dim3A_532 = vector.broadcast %sub3A_531 : i32 to vector<16xi32>
      %broadcast_in_dim3A_533 = arith.constant 5 : i32
      %broadcast_in_dim3A_534 = vector.broadcast %broadcast_in_dim3A_533 : i32 to vector<16xi32>
      %shift_right_arithmetic3A_535 = arith.constant 5 : i32
      %shift_right_arithmetic3A_536 = arith.shrsi %add3A_509, %shift_right_arithmetic3A_535 : i32
      %mul3A_537 = arith.constant 32 : i32
      %mul3A_538 = arith.muli %shift_right_arithmetic3A_536, %mul3A_537 : i32
      %sub3A_539 = arith.subi %add3A_509, %mul3A_538 : i32
      %iota3A_540 = tpu.iota {dimensions = array<i32: 0>} : vector<16xi32>
      %add3A_541 = arith.constant 0 : i32
      %add3A_542 = vector.broadcast %add3A_541 : i32 to vector<16xi32>
      %add3A_543 = arith.addi %add3A_542, %iota3A_540 : vector<16xi32>
      %gather3A_544 = tpu.vector_load_idx %arg6[%broadcast_in_dim3A_534, %add3A_543, %broadcast_in_dim3A_532] : memref<8x64x128xf32, #tpu.memory_space<vmem>>[vector<16xi32>, vector<16xi32>, vector<16xi32>], vector<16xf32>,
      %swap3A_545 = arith.index_cast %sub3A_539 : i32 to index
      %swap3A_546 = arith.constant 0 : index
      %swap3A_547 = tpu.vector_load %arg7[%swap3A_545, %swap3A_546] {strides = array<i32>} : memref<32x65xf32, #tpu.memory_space<vmem>>, vector<16xf32>,
      tpu.vector_store %arg7[%swap3A_545, %swap3A_546], %gather3A_544 {strides = array<i32>} : memref<32x65xf32, #tpu.memory_space<vmem>>, vector<16xf32>,
      %iota3A_548 = tpu.iota {dimensions = array<i32: 0>} : vector<16xi32>
      %add3A_549 = arith.constant 16 : i32
      %add3A_550 = vector.broadcast %add3A_549 : i32 to vector<16xi32>
      %add3A_551 = arith.addi %add3A_550, %iota3A_548 : vector<16xi32>
      %gather3A_552 = tpu.vector_load_idx %arg6[%broadcast_in_dim3A_534, %add3A_551, %broadcast_in_dim3A_532] : memref<8x64x128xf32, #tpu.memory_space<vmem>>[vector<16xi32>, vector<16xi32>, vector<16xi32>], vector<16xf32>,
      %swap3A_553 = arith.index_cast %sub3A_539 : i32 to index
      %swap3A_554 = arith.constant 16 : index
      %swap3A_555 = tpu.vector_load %arg7[%swap3A_553, %swap3A_554] {strides = array<i32>} : memref<32x65xf32, #tpu.memory_space<vmem>>, vector<16xf32>,
      tpu.vector_store %arg7[%swap3A_553, %swap3A_554], %gather3A_552 {strides = array<i32>} : memref<32x65xf32, #tpu.memory_space<vmem>>, vector<16xf32>,
      %iota3A_556 = tpu.iota {dimensions = array<i32: 0>} : vector<16xi32>
      %add3A_557 = arith.constant 32 : i32
      %add3A_558 = vector.broadcast %add3A_557 : i32 to vector<16xi32>
      %add3A_559 = arith.addi %add3A_558, %iota3A_556 : vector<16xi32>
      %gather3A_560 = tpu.vector_load_idx %arg6[%broadcast_in_dim3A_534, %add3A_559, %broadcast_in_dim3A_532] : memref<8x64x128xf32, #tpu.memory_space<vmem>>[vector<16xi32>, vector<16xi32>, vector<16xi32>], vector<16xf32>,
      %swap3A_561 = arith.index_cast %sub3A_539 : i32 to index
      %swap3A_562 = arith.constant 32 : index
      %swap3A_563 = tpu.vector_load %arg7[%swap3A_561, %swap3A_562] {strides = array<i32>} : memref<32x65xf32, #tpu.memory_space<vmem>>, vector<16xf32>,
      tpu.vector_store %arg7[%swap3A_561, %swap3A_562], %gather3A_560 {strides = array<i32>} : memref<32x65xf32, #tpu.memory_space<vmem>>, vector<16xf32>,
      %iota3A_564 = tpu.iota {dimensions = array<i32: 0>} : vector<16xi32>
      %add3A_565 = arith.constant 48 : i32
      %add3A_566 = vector.broadcast %add3A_565 : i32 to vector<16xi32>
      %add3A_567 = arith.addi %add3A_566, %iota3A_564 : vector<16xi32>
      %gather3A_568 = tpu.vector_load_idx %arg6[%broadcast_in_dim3A_534, %add3A_567, %broadcast_in_dim3A_532] : memref<8x64x128xf32, #tpu.memory_space<vmem>>[vector<16xi32>, vector<16xi32>, vector<16xi32>], vector<16xf32>,
      %swap3A_569 = arith.index_cast %sub3A_539 : i32 to index
      %swap3A_570 = arith.constant 48 : index
      %swap3A_571 = tpu.vector_load %arg7[%swap3A_569, %swap3A_570] {strides = array<i32>} : memref<32x65xf32, #tpu.memory_space<vmem>>, vector<16xf32>,
      tpu.vector_store %arg7[%swap3A_569, %swap3A_570], %gather3A_568 {strides = array<i32>} : memref<32x65xf32, #tpu.memory_space<vmem>>, vector<16xf32>,
      %add3A_572 = arith.constant 8 : i32
      %add3A_573 = arith.addi %add3A_509, %add3A_572 : i32
      %lt3A_574 = arith.constant 512 : i32
      %lt3A_575 = arith.cmpi slt, %add3A_573, %lt3A_574 : i32
      %convert_element_type3A_576 = arith.extui %lt3A_575 : i1 to i32
      %cond3A_577 = arith.constant 0 : i32
      %cond3A_578 = arith.cmpi ne, %convert_element_type3A_576, %cond3A_577 : i32
      scf.if %cond3A_578 {
        %slice3A_726 = vector.extract_strided_slice %get3A_161 {offsets = [13], sizes = [1], strides = [1]} : vector<16xi32> to vector<1xi32>
        %squeeze3A_727 = vector.extract %slice3A_726[0] : i32 from vector<1xi32>
        %shift_right_arithmetic3A_728 = arith.constant 7 : i32
        %shift_right_arithmetic3A_729 = arith.shrsi %squeeze3A_727, %shift_right_arithmetic3A_728 : i32
        %mul3A_730 = arith.constant 128 : i32
        %mul3A_731 = arith.muli %shift_right_arithmetic3A_729, %mul3A_730 : i32
        %dma_start3A_732 = arith.constant 5 : i32
        %dma_start3A_733 = arith.constant 0 : i32
        %dma_start3A_734 = arith.constant 0 : i32
        %dma_start3A_735 = tpu.memref_slice %arg6[%dma_start3A_732, %dma_start3A_733, %dma_start3A_734] : memref<8x64x128xf32, #tpu.memory_space<vmem>> -> memref<1x64x128xf32, #tpu.memory_space<vmem>>
        %dma_start3A_736 = tpu.memref_squeeze %dma_start3A_735 : memref<1x64x128xf32, #tpu.memory_space<vmem>> -> memref<64x128xf32, #tpu.memory_space<vmem>>
        %dma_start3A_737 = arith.constant 0 : i32
        %dma_start3A_738 = tpu.memref_slice %arg3[%dma_start3A_737, %mul3A_731] : memref<64x1000000xf32, #tpu.memory_space<hbm>> -> memref<64x128xf32, #tpu.memory_space<hbm>>
        %dma_start3A_739 = arith.constant 0 : i32
        %dma_start3A_740 = arith.constant 0 : i32
        %dma_start3A_741 = tpu.memref_slice %arg6[%dma_start3A_732, %dma_start3A_739, %dma_start3A_740] : memref<8x64x128xf32, #tpu.memory_space<vmem>> -> memref<1x64x128xf32, #tpu.memory_space<vmem>>
        %dma_start3A_742 = tpu.memref_squeeze %dma_start3A_741 : memref<1x64x128xf32, #tpu.memory_space<vmem>> -> memref<64x128xf32, #tpu.memory_space<vmem>>
        %dma_start3A_743 = arith.constant 0 : i32
        %dma_start3A_744 = tpu.memref_slice %arg3[%dma_start3A_743, %mul3A_731] : memref<64x1000000xf32, #tpu.memory_space<hbm>> -> memref<64x128xf32, #tpu.memory_space<hbm>>
        tpu.enqueue_dma source(%dma_start3A_744 : memref<64x128xf32, #tpu.memory_space<hbm>>) target(%dma_start3A_742 : memref<64x128xf32, #tpu.memory_space<vmem>>) target_semaphore(%arg14 : memref<!tpu.dma_semaphore, #tpu.memory_space<semaphore_mem>>)
      } else {
      }
      %add3A_579 = arith.constant 6 : i32
      %add3A_580 = arith.addi %mul3A_159, %add3A_579 : i32
      %slice3A_581 = vector.extract_strided_slice %get3A_161 {offsets = [6], sizes = [1], strides = [1]} : vector<16xi32> to vector<1xi32>
      %squeeze3A_582 = vector.extract %slice3A_581[0] : i32 from vector<1xi32>
      %dma_wait3A_583 = arith.constant 6 : i32
      %dma_wait3A_584 = arith.constant 0 : i32
      %dma_wait3A_585 = arith.constant 0 : i32
      %dma_wait3A_586 = tpu.memref_slice %arg6[%dma_wait3A_583, %dma_wait3A_584, %dma_wait3A_585] : memref<8x64x128xf32, #tpu.memory_space<vmem>> -> memref<1x64x128xf32, #tpu.memory_space<vmem>>
      %dma_wait3A_587 = tpu.memref_squeeze %dma_wait3A_586 : memref<1x64x128xf32, #tpu.memory_space<vmem>> -> memref<64x128xf32, #tpu.memory_space<vmem>>
      %dma_wait3A_588 = arith.constant 0 : i32
      %dma_wait3A_589 = arith.constant 0 : i32
      %dma_wait3A_590 = tpu.memref_slice %arg3[%dma_wait3A_588, %dma_wait3A_589] : memref<64x1000000xf32, #tpu.memory_space<hbm>> -> memref<64x128xf32, #tpu.memory_space<hbm>>
      %dma_wait3A_591 = arith.constant 0 : i32
      %dma_wait3A_592 = arith.constant 0 : i32
      %dma_wait3A_593 = tpu.memref_slice %arg6[%dma_wait3A_583, %dma_wait3A_591, %dma_wait3A_592] : memref<8x64x128xf32, #tpu.memory_space<vmem>> -> memref<1x64x128xf32, #tpu.memory_space<vmem>>
      %dma_wait3A_594 = tpu.memref_squeeze %dma_wait3A_593 : memref<1x64x128xf32, #tpu.memory_space<vmem>> -> memref<64x128xf32, #tpu.memory_space<vmem>>
      %dma_wait3A_595 = arith.constant 0 : i32
      %dma_wait3A_596 = arith.constant 0 : i32
      %dma_wait3A_597 = tpu.memref_slice %arg3[%dma_wait3A_595, %dma_wait3A_596] : memref<64x1000000xf32, #tpu.memory_space<hbm>> -> memref<64x128xf32, #tpu.memory_space<hbm>>
      tpu.wait_dma2 semaphore(%arg15 : memref<!tpu.dma_semaphore, #tpu.memory_space<semaphore_mem>>) src(%dma_wait3A_597 : memref<64x128xf32, #tpu.memory_space<hbm>>) dst(%dma_wait3A_594 : memref<64x128xf32, #tpu.memory_space<vmem>>)
      %shift_right_arithmetic3A_598 = arith.constant 7 : i32
      %shift_right_arithmetic3A_599 = arith.shrsi %squeeze3A_582, %shift_right_arithmetic3A_598 : i32
      %mul3A_600 = arith.constant 128 : i32
      %mul3A_601 = arith.muli %shift_right_arithmetic3A_599, %mul3A_600 : i32
      %sub3A_602 = arith.subi %squeeze3A_582, %mul3A_601 : i32
      %broadcast_in_dim3A_603 = vector.broadcast %sub3A_602 : i32 to vector<16xi32>
      %broadcast_in_dim3A_604 = arith.constant 6 : i32
      %broadcast_in_dim3A_605 = vector.broadcast %broadcast_in_dim3A_604 : i32 to vector<16xi32>
      %shift_right_arithmetic3A_606 = arith.constant 5 : i32
      %shift_right_arithmetic3A_607 = arith.shrsi %add3A_580, %shift_right_arithmetic3A_606 : i32
      %mul3A_608 = arith.constant 32 : i32
      %mul3A_609 = arith.muli %shift_right_arithmetic3A_607, %mul3A_608 : i32
      %sub3A_610 = arith.subi %add3A_580, %mul3A_609 : i32
      %iota3A_611 = tpu.iota {dimensions = array<i32: 0>} : vector<16xi32>
      %add3A_612 = arith.constant 0 : i32
      %add3A_613 = vector.broadcast %add3A_612 : i32 to vector<16xi32>
      %add3A_614 = arith.addi %add3A_613, %iota3A_611 : vector<16xi32>
      %gather3A_615 = tpu.vector_load_idx %arg6[%broadcast_in_dim3A_605, %add3A_614, %broadcast_in_dim3A_603] : memref<8x64x128xf32, #tpu.memory_space<vmem>>[vector<16xi32>, vector<16xi32>, vector<16xi32>], vector<16xf32>,
      %swap3A_616 = arith.index_cast %sub3A_610 : i32 to index
      %swap3A_617 = arith.constant 0 : index
      %swap3A_618 = tpu.vector_load %arg7[%swap3A_616, %swap3A_617] {strides = array<i32>} : memref<32x65xf32, #tpu.memory_space<vmem>>, vector<16xf32>,
      tpu.vector_store %arg7[%swap3A_616, %swap3A_617], %gather3A_615 {strides = array<i32>} : memref<32x65xf32, #tpu.memory_space<vmem>>, vector<16xf32>,
      %iota3A_619 = tpu.iota {dimensions = array<i32: 0>} : vector<16xi32>
      %add3A_620 = arith.constant 16 : i32
      %add3A_621 = vector.broadcast %add3A_620 : i32 to vector<16xi32>
      %add3A_622 = arith.addi %add3A_621, %iota3A_619 : vector<16xi32>
      %gather3A_623 = tpu.vector_load_idx %arg6[%broadcast_in_dim3A_605, %add3A_622, %broadcast_in_dim3A_603] : memref<8x64x128xf32, #tpu.memory_space<vmem>>[vector<16xi32>, vector<16xi32>, vector<16xi32>], vector<16xf32>,
      %swap3A_624 = arith.index_cast %sub3A_610 : i32 to index
      %swap3A_625 = arith.constant 16 : index
      %swap3A_626 = tpu.vector_load %arg7[%swap3A_624, %swap3A_625] {strides = array<i32>} : memref<32x65xf32, #tpu.memory_space<vmem>>, vector<16xf32>,
      tpu.vector_store %arg7[%swap3A_624, %swap3A_625], %gather3A_623 {strides = array<i32>} : memref<32x65xf32, #tpu.memory_space<vmem>>, vector<16xf32>,
      %iota3A_627 = tpu.iota {dimensions = array<i32: 0>} : vector<16xi32>
      %add3A_628 = arith.constant 32 : i32
      %add3A_629 = vector.broadcast %add3A_628 : i32 to vector<16xi32>
      %add3A_630 = arith.addi %add3A_629, %iota3A_627 : vector<16xi32>
      %gather3A_631 = tpu.vector_load_idx %arg6[%broadcast_in_dim3A_605, %add3A_630, %broadcast_in_dim3A_603] : memref<8x64x128xf32, #tpu.memory_space<vmem>>[vector<16xi32>, vector<16xi32>, vector<16xi32>], vector<16xf32>,
      %swap3A_632 = arith.index_cast %sub3A_610 : i32 to index
      %swap3A_633 = arith.constant 32 : index
      %swap3A_634 = tpu.vector_load %arg7[%swap3A_632, %swap3A_633] {strides = array<i32>} : memref<32x65xf32, #tpu.memory_space<vmem>>, vector<16xf32>,
      tpu.vector_store %arg7[%swap3A_632, %swap3A_633], %gather3A_631 {strides = array<i32>} : memref<32x65xf32, #tpu.memory_space<vmem>>, vector<16xf32>,
      %iota3A_635 = tpu.iota {dimensions = array<i32: 0>} : vector<16xi32>
      %add3A_636 = arith.constant 48 : i32
      %add3A_637 = vector.broadcast %add3A_636 : i32 to vector<16xi32>
      %add3A_638 = arith.addi %add3A_637, %iota3A_635 : vector<16xi32>
      %gather3A_639 = tpu.vector_load_idx %arg6[%broadcast_in_dim3A_605, %add3A_638, %broadcast_in_dim3A_603] : memref<8x64x128xf32, #tpu.memory_space<vmem>>[vector<16xi32>, vector<16xi32>, vector<16xi32>], vector<16xf32>,
      %swap3A_640 = arith.index_cast %sub3A_610 : i32 to index
      %swap3A_641 = arith.constant 48 : index
      %swap3A_642 = tpu.vector_load %arg7[%swap3A_640, %swap3A_641] {strides = array<i32>} : memref<32x65xf32, #tpu.memory_space<vmem>>, vector<16xf32>,
      tpu.vector_store %arg7[%swap3A_640, %swap3A_641], %gather3A_639 {strides = array<i32>} : memref<32x65xf32, #tpu.memory_space<vmem>>, vector<16xf32>,
      %add3A_643 = arith.constant 8 : i32
      %add3A_644 = arith.addi %add3A_580, %add3A_643 : i32
      %lt3A_645 = arith.constant 512 : i32
      %lt3A_646 = arith.cmpi slt, %add3A_644, %lt3A_645 : i32
      %convert_element_type3A_647 = arith.extui %lt3A_646 : i1 to i32
      %cond3A_648 = arith.constant 0 : i32
      %cond3A_649 = arith.cmpi ne, %convert_element_type3A_647, %cond3A_648 : i32
      scf.if %cond3A_649 {
        %slice3A_726 = vector.extract_strided_slice %get3A_161 {offsets = [14], sizes = [1], strides = [1]} : vector<16xi32> to vector<1xi32>
        %squeeze3A_727 = vector.extract %slice3A_726[0] : i32 from vector<1xi32>
        %shift_right_arithmetic3A_728 = arith.constant 7 : i32
        %shift_right_arithmetic3A_729 = arith.shrsi %squeeze3A_727, %shift_right_arithmetic3A_728 : i32
        %mul3A_730 = arith.constant 128 : i32
        %mul3A_731 = arith.muli %shift_right_arithmetic3A_729, %mul3A_730 : i32
        %dma_start3A_732 = arith.constant 6 : i32
        %dma_start3A_733 = arith.constant 0 : i32
        %dma_start3A_734 = arith.constant 0 : i32
        %dma_start3A_735 = tpu.memref_slice %arg6[%dma_start3A_732, %dma_start3A_733, %dma_start3A_734] : memref<8x64x128xf32, #tpu.memory_space<vmem>> -> memref<1x64x128xf32, #tpu.memory_space<vmem>>
        %dma_start3A_736 = tpu.memref_squeeze %dma_start3A_735 : memref<1x64x128xf32, #tpu.memory_space<vmem>> -> memref<64x128xf32, #tpu.memory_space<vmem>>
        %dma_start3A_737 = arith.constant 0 : i32
        %dma_start3A_738 = tpu.memref_slice %arg3[%dma_start3A_737, %mul3A_731] : memref<64x1000000xf32, #tpu.memory_space<hbm>> -> memref<64x128xf32, #tpu.memory_space<hbm>>
        %dma_start3A_739 = arith.constant 0 : i32
        %dma_start3A_740 = arith.constant 0 : i32
        %dma_start3A_741 = tpu.memref_slice %arg6[%dma_start3A_732, %dma_start3A_739, %dma_start3A_740] : memref<8x64x128xf32, #tpu.memory_space<vmem>> -> memref<1x64x128xf32, #tpu.memory_space<vmem>>
        %dma_start3A_742 = tpu.memref_squeeze %dma_start3A_741 : memref<1x64x128xf32, #tpu.memory_space<vmem>> -> memref<64x128xf32, #tpu.memory_space<vmem>>
        %dma_start3A_743 = arith.constant 0 : i32
        %dma_start3A_744 = tpu.memref_slice %arg3[%dma_start3A_743, %mul3A_731] : memref<64x1000000xf32, #tpu.memory_space<hbm>> -> memref<64x128xf32, #tpu.memory_space<hbm>>
        tpu.enqueue_dma source(%dma_start3A_744 : memref<64x128xf32, #tpu.memory_space<hbm>>) target(%dma_start3A_742 : memref<64x128xf32, #tpu.memory_space<vmem>>) target_semaphore(%arg15 : memref<!tpu.dma_semaphore, #tpu.memory_space<semaphore_mem>>)
      } else {
      }
      %add3A_650 = arith.constant 7 : i32
      %add3A_651 = arith.addi %mul3A_159, %add3A_650 : i32
      %slice3A_652 = vector.extract_strided_slice %get3A_161 {offsets = [7], sizes = [1], strides = [1]} : vector<16xi32> to vector<1xi32>
      %squeeze3A_653 = vector.extract %slice3A_652[0] : i32 from vector<1xi32>
      %dma_wait3A_654 = arith.constant 7 : i32
      %dma_wait3A_655 = arith.constant 0 : i32
      %dma_wait3A_656 = arith.constant 0 : i32
      %dma_wait3A_657 = tpu.memref_slice %arg6[%dma_wait3A_654, %dma_wait3A_655, %dma_wait3A_656] : memref<8x64x128xf32, #tpu.memory_space<vmem>> -> memref<1x64x128xf32, #tpu.memory_space<vmem>>
      %dma_wait3A_658 = tpu.memref_squeeze %dma_wait3A_657 : memref<1x64x128xf32, #tpu.memory_space<vmem>> -> memref<64x128xf32, #tpu.memory_space<vmem>>
      %dma_wait3A_659 = arith.constant 0 : i32
      %dma_wait3A_660 = arith.constant 0 : i32
      %dma_wait3A_661 = tpu.memref_slice %arg3[%dma_wait3A_659, %dma_wait3A_660] : memref<64x1000000xf32, #tpu.memory_space<hbm>> -> memref<64x128xf32, #tpu.memory_space<hbm>>
      %dma_wait3A_662 = arith.constant 0 : i32
      %dma_wait3A_663 = arith.constant 0 : i32
      %dma_wait3A_664 = tpu.memref_slice %arg6[%dma_wait3A_654, %dma_wait3A_662, %dma_wait3A_663] : memref<8x64x128xf32, #tpu.memory_space<vmem>> -> memref<1x64x128xf32, #tpu.memory_space<vmem>>
      %dma_wait3A_665 = tpu.memref_squeeze %dma_wait3A_664 : memref<1x64x128xf32, #tpu.memory_space<vmem>> -> memref<64x128xf32, #tpu.memory_space<vmem>>
      %dma_wait3A_666 = arith.constant 0 : i32
      %dma_wait3A_667 = arith.constant 0 : i32
      %dma_wait3A_668 = tpu.memref_slice %arg3[%dma_wait3A_666, %dma_wait3A_667] : memref<64x1000000xf32, #tpu.memory_space<hbm>> -> memref<64x128xf32, #tpu.memory_space<hbm>>
      tpu.wait_dma2 semaphore(%arg16 : memref<!tpu.dma_semaphore, #tpu.memory_space<semaphore_mem>>) src(%dma_wait3A_668 : memref<64x128xf32, #tpu.memory_space<hbm>>) dst(%dma_wait3A_665 : memref<64x128xf32, #tpu.memory_space<vmem>>)
      %shift_right_arithmetic3A_669 = arith.constant 7 : i32
      %shift_right_arithmetic3A_670 = arith.shrsi %squeeze3A_653, %shift_right_arithmetic3A_669 : i32
      %mul3A_671 = arith.constant 128 : i32
      %mul3A_672 = arith.muli %shift_right_arithmetic3A_670, %mul3A_671 : i32
      %sub3A_673 = arith.subi %squeeze3A_653, %mul3A_672 : i32
      %broadcast_in_dim3A_674 = vector.broadcast %sub3A_673 : i32 to vector<16xi32>
      %broadcast_in_dim3A_675 = arith.constant 7 : i32
      %broadcast_in_dim3A_676 = vector.broadcast %broadcast_in_dim3A_675 : i32 to vector<16xi32>
      %shift_right_arithmetic3A_677 = arith.constant 5 : i32
      %shift_right_arithmetic3A_678 = arith.shrsi %add3A_651, %shift_right_arithmetic3A_677 : i32
      %mul3A_679 = arith.constant 32 : i32
      %mul3A_680 = arith.muli %shift_right_arithmetic3A_678, %mul3A_679 : i32
      %sub3A_681 = arith.subi %add3A_651, %mul3A_680 : i32
      %iota3A_682 = tpu.iota {dimensions = array<i32: 0>} : vector<16xi32>
      %add3A_683 = arith.constant 0 : i32
      %add3A_684 = vector.broadcast %add3A_683 : i32 to vector<16xi32>
      %add3A_685 = arith.addi %add3A_684, %iota3A_682 : vector<16xi32>
      %gather3A_686 = tpu.vector_load_idx %arg6[%broadcast_in_dim3A_676, %add3A_685, %broadcast_in_dim3A_674] : memref<8x64x128xf32, #tpu.memory_space<vmem>>[vector<16xi32>, vector<16xi32>, vector<16xi32>], vector<16xf32>,
      %swap3A_687 = arith.index_cast %sub3A_681 : i32 to index
      %swap3A_688 = arith.constant 0 : index
      %swap3A_689 = tpu.vector_load %arg7[%swap3A_687, %swap3A_688] {strides = array<i32>} : memref<32x65xf32, #tpu.memory_space<vmem>>, vector<16xf32>,
      tpu.vector_store %arg7[%swap3A_687, %swap3A_688], %gather3A_686 {strides = array<i32>} : memref<32x65xf32, #tpu.memory_space<vmem>>, vector<16xf32>,
      %iota3A_690 = tpu.iota {dimensions = array<i32: 0>} : vector<16xi32>
      %add3A_691 = arith.constant 16 : i32
      %add3A_692 = vector.broadcast %add3A_691 : i32 to vector<16xi32>
      %add3A_693 = arith.addi %add3A_692, %iota3A_690 : vector<16xi32>
      %gather3A_694 = tpu.vector_load_idx %arg6[%broadcast_in_dim3A_676, %add3A_693, %broadcast_in_dim3A_674] : memref<8x64x128xf32, #tpu.memory_space<vmem>>[vector<16xi32>, vector<16xi32>, vector<16xi32>], vector<16xf32>,
      %swap3A_695 = arith.index_cast %sub3A_681 : i32 to index
      %swap3A_696 = arith.constant 16 : index
      %swap3A_697 = tpu.vector_load %arg7[%swap3A_695, %swap3A_696] {strides = array<i32>} : memref<32x65xf32, #tpu.memory_space<vmem>>, vector<16xf32>,
      tpu.vector_store %arg7[%swap3A_695, %swap3A_696], %gather3A_694 {strides = array<i32>} : memref<32x65xf32, #tpu.memory_space<vmem>>, vector<16xf32>,
      %iota3A_698 = tpu.iota {dimensions = array<i32: 0>} : vector<16xi32>
      %add3A_699 = arith.constant 32 : i32
      %add3A_700 = vector.broadcast %add3A_699 : i32 to vector<16xi32>
      %add3A_701 = arith.addi %add3A_700, %iota3A_698 : vector<16xi32>
      %gather3A_702 = tpu.vector_load_idx %arg6[%broadcast_in_dim3A_676, %add3A_701, %broadcast_in_dim3A_674] : memref<8x64x128xf32, #tpu.memory_space<vmem>>[vector<16xi32>, vector<16xi32>, vector<16xi32>], vector<16xf32>,
      %swap3A_703 = arith.index_cast %sub3A_681 : i32 to index
      %swap3A_704 = arith.constant 32 : index
      %swap3A_705 = tpu.vector_load %arg7[%swap3A_703, %swap3A_704] {strides = array<i32>} : memref<32x65xf32, #tpu.memory_space<vmem>>, vector<16xf32>,
      tpu.vector_store %arg7[%swap3A_703, %swap3A_704], %gather3A_702 {strides = array<i32>} : memref<32x65xf32, #tpu.memory_space<vmem>>, vector<16xf32>,
      %iota3A_706 = tpu.iota {dimensions = array<i32: 0>} : vector<16xi32>
      %add3A_707 = arith.constant 48 : i32
      %add3A_708 = vector.broadcast %add3A_707 : i32 to vector<16xi32>
      %add3A_709 = arith.addi %add3A_708, %iota3A_706 : vector<16xi32>
      %gather3A_710 = tpu.vector_load_idx %arg6[%broadcast_in_dim3A_676, %add3A_709, %broadcast_in_dim3A_674] : memref<8x64x128xf32, #tpu.memory_space<vmem>>[vector<16xi32>, vector<16xi32>, vector<16xi32>], vector<16xf32>,
      %swap3A_711 = arith.index_cast %sub3A_681 : i32 to index
      %swap3A_712 = arith.constant 48 : index
      %swap3A_713 = tpu.vector_load %arg7[%swap3A_711, %swap3A_712] {strides = array<i32>} : memref<32x65xf32, #tpu.memory_space<vmem>>, vector<16xf32>,
      tpu.vector_store %arg7[%swap3A_711, %swap3A_712], %gather3A_710 {strides = array<i32>} : memref<32x65xf32, #tpu.memory_space<vmem>>, vector<16xf32>,
      %add3A_714 = arith.constant 8 : i32
      %add3A_715 = arith.addi %add3A_651, %add3A_714 : i32
      %lt3A_716 = arith.constant 512 : i32
      %lt3A_717 = arith.cmpi slt, %add3A_715, %lt3A_716 : i32
      %convert_element_type3A_718 = arith.extui %lt3A_717 : i1 to i32
      %cond3A_719 = arith.constant 0 : i32
      %cond3A_720 = arith.cmpi ne, %convert_element_type3A_718, %cond3A_719 : i32
      scf.if %cond3A_720 {
        %slice3A_726 = vector.extract_strided_slice %get3A_161 {offsets = [15], sizes = [1], strides = [1]} : vector<16xi32> to vector<1xi32>
        %squeeze3A_727 = vector.extract %slice3A_726[0] : i32 from vector<1xi32>
        %shift_right_arithmetic3A_728 = arith.constant 7 : i32
        %shift_right_arithmetic3A_729 = arith.shrsi %squeeze3A_727, %shift_right_arithmetic3A_728 : i32
        %mul3A_730 = arith.constant 128 : i32
        %mul3A_731 = arith.muli %shift_right_arithmetic3A_729, %mul3A_730 : i32
        %dma_start3A_732 = arith.constant 7 : i32
        %dma_start3A_733 = arith.constant 0 : i32
        %dma_start3A_734 = arith.constant 0 : i32
        %dma_start3A_735 = tpu.memref_slice %arg6[%dma_start3A_732, %dma_start3A_733, %dma_start3A_734] : memref<8x64x128xf32, #tpu.memory_space<vmem>> -> memref<1x64x128xf32, #tpu.memory_space<vmem>>
        %dma_start3A_736 = tpu.memref_squeeze %dma_start3A_735 : memref<1x64x128xf32, #tpu.memory_space<vmem>> -> memref<64x128xf32, #tpu.memory_space<vmem>>
        %dma_start3A_737 = arith.constant 0 : i32
        %dma_start3A_738 = tpu.memref_slice %arg3[%dma_start3A_737, %mul3A_731] : memref<64x1000000xf32, #tpu.memory_space<hbm>> -> memref<64x128xf32, #tpu.memory_space<hbm>>
        %dma_start3A_739 = arith.constant 0 : i32
        %dma_start3A_740 = arith.constant 0 : i32
        %dma_start3A_741 = tpu.memref_slice %arg6[%dma_start3A_732, %dma_start3A_739, %dma_start3A_740] : memref<8x64x128xf32, #tpu.memory_space<vmem>> -> memref<1x64x128xf32, #tpu.memory_space<vmem>>
        %dma_start3A_742 = tpu.memref_squeeze %dma_start3A_741 : memref<1x64x128xf32, #tpu.memory_space<vmem>> -> memref<64x128xf32, #tpu.memory_space<vmem>>
        %dma_start3A_743 = arith.constant 0 : i32
        %dma_start3A_744 = tpu.memref_slice %arg3[%dma_start3A_743, %mul3A_731] : memref<64x1000000xf32, #tpu.memory_space<hbm>> -> memref<64x128xf32, #tpu.memory_space<hbm>>
        tpu.enqueue_dma source(%dma_start3A_744 : memref<64x128xf32, #tpu.memory_space<hbm>>) target(%dma_start3A_742 : memref<64x128xf32, #tpu.memory_space<vmem>>) target_semaphore(%arg16 : memref<!tpu.dma_semaphore, #tpu.memory_space<semaphore_mem>>)
      } else {
      }
      %and3A = arith.constant 1 : i32
      %and3A_721 = arith.andi %scan3A_157, %and3A : i32
      %eq3A = arith.constant 1 : i32
      %eq3A_722 = arith.cmpi eq, %and3A_721, %eq3A : i32
      %convert_element_type3A_723 = arith.extui %eq3A_722 : i1 to i32
      %cond3A_724 = arith.constant 0 : i32
      %cond3A_725 = arith.cmpi ne, %convert_element_type3A_723, %cond3A_724 : i32
      scf.if %cond3A_725 {
        %shift_right_arithmetic3A_726 = arith.constant 1 : i32
        %shift_right_arithmetic3A_727 = arith.shrsi %scan3A_157, %shift_right_arithmetic3A_726 : i32
        %shift_right_arithmetic3A_728 = arith.constant 1 : i32
        %shift_right_arithmetic3A_729 = arith.shrsi %shift_right_arithmetic3A_727, %shift_right_arithmetic3A_728 : i32
        %mul3A_730 = arith.constant 2 : i32
        %mul3A_731 = arith.muli %shift_right_arithmetic3A_729, %mul3A_730 : i32
        %sub3A_732 = arith.subi %shift_right_arithmetic3A_727, %mul3A_731 : i32
        %mul3A_733 = arith.constant 16 : i32
        %mul3A_734 = arith.muli %sub3A_732, %mul3A_733 : i32
        %iota3A_735 = tpu.iota {dimensions = array<i32: 0>} : vector<16xi32>
        %add3A_736 = vector.broadcast %mul3A_734 : i32 to vector<16xi32>
        %add3A_737 = arith.addi %add3A_736, %iota3A_735 : vector<16xi32>
        %broadcast_in_dim3A_738 = arith.constant 0.000000e+00 : f32
        %broadcast_in_dim3A_739 = vector.broadcast %broadcast_in_dim3A_738 : f32 to vector<16xf32>
        %broadcast_in_dim3A_740 = arith.constant 0 : i32
        %broadcast_in_dim3A_741 = vector.broadcast %broadcast_in_dim3A_740 : i32 to vector<16xi32>
        %gather3A_742 = tpu.vector_load_idx %arg7[%add3A_737, %broadcast_in_dim3A_741] : memref<32x65xf32, #tpu.memory_space<vmem>>[vector<16xi32>, vector<16xi32>], vector<16xf32>,
        %mul3A_743 = arith.mulf %gather3A_742, %gather3A_742 : vector<16xf32>
        %add3A_744 = arith.addf %broadcast_in_dim3A_739, %mul3A_743 : vector<16xf32>
        %broadcast_in_dim3A_745 = arith.constant 1 : i32
        %broadcast_in_dim3A_746 = vector.broadcast %broadcast_in_dim3A_745 : i32 to vector<16xi32>
        %gather3A_747 = tpu.vector_load_idx %arg7[%add3A_737, %broadcast_in_dim3A_746] : memref<32x65xf32, #tpu.memory_space<vmem>>[vector<16xi32>, vector<16xi32>], vector<16xf32>,
        %mul3A_748 = arith.mulf %gather3A_747, %gather3A_747 : vector<16xf32>
        %add3A_749 = arith.addf %add3A_744, %mul3A_748 : vector<16xf32>
        %broadcast_in_dim3A_750 = arith.constant 2 : i32
        %broadcast_in_dim3A_751 = vector.broadcast %broadcast_in_dim3A_750 : i32 to vector<16xi32>
        %gather3A_752 = tpu.vector_load_idx %arg7[%add3A_737, %broadcast_in_dim3A_751] : memref<32x65xf32, #tpu.memory_space<vmem>>[vector<16xi32>, vector<16xi32>], vector<16xf32>,
        %mul3A_753 = arith.mulf %gather3A_752, %gather3A_752 : vector<16xf32>
        %add3A_754 = arith.addf %add3A_749, %mul3A_753 : vector<16xf32>
        %broadcast_in_dim3A_755 = arith.constant 3 : i32
        %broadcast_in_dim3A_756 = vector.broadcast %broadcast_in_dim3A_755 : i32 to vector<16xi32>
        %gather3A_757 = tpu.vector_load_idx %arg7[%add3A_737, %broadcast_in_dim3A_756] : memref<32x65xf32, #tpu.memory_space<vmem>>[vector<16xi32>, vector<16xi32>], vector<16xf32>,
        %mul3A_758 = arith.mulf %gather3A_757, %gather3A_757 : vector<16xf32>
        %add3A_759 = arith.addf %add3A_754, %mul3A_758 : vector<16xf32>
        %broadcast_in_dim3A_760 = arith.constant 4 : i32
        %broadcast_in_dim3A_761 = vector.broadcast %broadcast_in_dim3A_760 : i32 to vector<16xi32>
        %gather3A_762 = tpu.vector_load_idx %arg7[%add3A_737, %broadcast_in_dim3A_761] : memref<32x65xf32, #tpu.memory_space<vmem>>[vector<16xi32>, vector<16xi32>], vector<16xf32>,
        %mul3A_763 = arith.mulf %gather3A_762, %gather3A_762 : vector<16xf32>
        %add3A_764 = arith.addf %add3A_759, %mul3A_763 : vector<16xf32>
        %broadcast_in_dim3A_765 = arith.constant 5 : i32
        %broadcast_in_dim3A_766 = vector.broadcast %broadcast_in_dim3A_765 : i32 to vector<16xi32>
        %gather3A_767 = tpu.vector_load_idx %arg7[%add3A_737, %broadcast_in_dim3A_766] : memref<32x65xf32, #tpu.memory_space<vmem>>[vector<16xi32>, vector<16xi32>], vector<16xf32>,
        %mul3A_768 = arith.mulf %gather3A_767, %gather3A_767 : vector<16xf32>
        %add3A_769 = arith.addf %add3A_764, %mul3A_768 : vector<16xf32>
        %broadcast_in_dim3A_770 = arith.constant 6 : i32
        %broadcast_in_dim3A_771 = vector.broadcast %broadcast_in_dim3A_770 : i32 to vector<16xi32>
        %gather3A_772 = tpu.vector_load_idx %arg7[%add3A_737, %broadcast_in_dim3A_771] : memref<32x65xf32, #tpu.memory_space<vmem>>[vector<16xi32>, vector<16xi32>], vector<16xf32>,
        %mul3A_773 = arith.mulf %gather3A_772, %gather3A_772 : vector<16xf32>
        %add3A_774 = arith.addf %add3A_769, %mul3A_773 : vector<16xf32>
        %broadcast_in_dim3A_775 = arith.constant 7 : i32
        %broadcast_in_dim3A_776 = vector.broadcast %broadcast_in_dim3A_775 : i32 to vector<16xi32>
        %gather3A_777 = tpu.vector_load_idx %arg7[%add3A_737, %broadcast_in_dim3A_776] : memref<32x65xf32, #tpu.memory_space<vmem>>[vector<16xi32>, vector<16xi32>], vector<16xf32>,
        %mul3A_778 = arith.mulf %gather3A_777, %gather3A_777 : vector<16xf32>
        %add3A_779 = arith.addf %add3A_774, %mul3A_778 : vector<16xf32>
        %broadcast_in_dim3A_780 = arith.constant 8 : i32
        %broadcast_in_dim3A_781 = vector.broadcast %broadcast_in_dim3A_780 : i32 to vector<16xi32>
        %gather3A_782 = tpu.vector_load_idx %arg7[%add3A_737, %broadcast_in_dim3A_781] : memref<32x65xf32, #tpu.memory_space<vmem>>[vector<16xi32>, vector<16xi32>], vector<16xf32>,
        %mul3A_783 = arith.mulf %gather3A_782, %gather3A_782 : vector<16xf32>
        %add3A_784 = arith.addf %add3A_779, %mul3A_783 : vector<16xf32>
        %broadcast_in_dim3A_785 = arith.constant 9 : i32
        %broadcast_in_dim3A_786 = vector.broadcast %broadcast_in_dim3A_785 : i32 to vector<16xi32>
        %gather3A_787 = tpu.vector_load_idx %arg7[%add3A_737, %broadcast_in_dim3A_786] : memref<32x65xf32, #tpu.memory_space<vmem>>[vector<16xi32>, vector<16xi32>], vector<16xf32>,
        %mul3A_788 = arith.mulf %gather3A_787, %gather3A_787 : vector<16xf32>
        %add3A_789 = arith.addf %add3A_784, %mul3A_788 : vector<16xf32>
        %broadcast_in_dim3A_790 = arith.constant 10 : i32
        %broadcast_in_dim3A_791 = vector.broadcast %broadcast_in_dim3A_790 : i32 to vector<16xi32>
        %gather3A_792 = tpu.vector_load_idx %arg7[%add3A_737, %broadcast_in_dim3A_791] : memref<32x65xf32, #tpu.memory_space<vmem>>[vector<16xi32>, vector<16xi32>], vector<16xf32>,
        %mul3A_793 = arith.mulf %gather3A_792, %gather3A_792 : vector<16xf32>
        %add3A_794 = arith.addf %add3A_789, %mul3A_793 : vector<16xf32>
        %broadcast_in_dim3A_795 = arith.constant 11 : i32
        %broadcast_in_dim3A_796 = vector.broadcast %broadcast_in_dim3A_795 : i32 to vector<16xi32>
        %gather3A_797 = tpu.vector_load_idx %arg7[%add3A_737, %broadcast_in_dim3A_796] : memref<32x65xf32, #tpu.memory_space<vmem>>[vector<16xi32>, vector<16xi32>], vector<16xf32>,
        %mul3A_798 = arith.mulf %gather3A_797, %gather3A_797 : vector<16xf32>
        %add3A_799 = arith.addf %add3A_794, %mul3A_798 : vector<16xf32>
        %broadcast_in_dim3A_800 = arith.constant 12 : i32
        %broadcast_in_dim3A_801 = vector.broadcast %broadcast_in_dim3A_800 : i32 to vector<16xi32>
        %gather3A_802 = tpu.vector_load_idx %arg7[%add3A_737, %broadcast_in_dim3A_801] : memref<32x65xf32, #tpu.memory_space<vmem>>[vector<16xi32>, vector<16xi32>], vector<16xf32>,
        %mul3A_803 = arith.mulf %gather3A_802, %gather3A_802 : vector<16xf32>
        %add3A_804 = arith.addf %add3A_799, %mul3A_803 : vector<16xf32>
        %broadcast_in_dim3A_805 = arith.constant 13 : i32
        %broadcast_in_dim3A_806 = vector.broadcast %broadcast_in_dim3A_805 : i32 to vector<16xi32>
        %gather3A_807 = tpu.vector_load_idx %arg7[%add3A_737, %broadcast_in_dim3A_806] : memref<32x65xf32, #tpu.memory_space<vmem>>[vector<16xi32>, vector<16xi32>], vector<16xf32>,
        %mul3A_808 = arith.mulf %gather3A_807, %gather3A_807 : vector<16xf32>
        %add3A_809 = arith.addf %add3A_804, %mul3A_808 : vector<16xf32>
        %broadcast_in_dim3A_810 = arith.constant 14 : i32
        %broadcast_in_dim3A_811 = vector.broadcast %broadcast_in_dim3A_810 : i32 to vector<16xi32>
        %gather3A_812 = tpu.vector_load_idx %arg7[%add3A_737, %broadcast_in_dim3A_811] : memref<32x65xf32, #tpu.memory_space<vmem>>[vector<16xi32>, vector<16xi32>], vector<16xf32>,
        %mul3A_813 = arith.mulf %gather3A_812, %gather3A_812 : vector<16xf32>
        %add3A_814 = arith.addf %add3A_809, %mul3A_813 : vector<16xf32>
        %broadcast_in_dim3A_815 = arith.constant 15 : i32
        %broadcast_in_dim3A_816 = vector.broadcast %broadcast_in_dim3A_815 : i32 to vector<16xi32>
        %gather3A_817 = tpu.vector_load_idx %arg7[%add3A_737, %broadcast_in_dim3A_816] : memref<32x65xf32, #tpu.memory_space<vmem>>[vector<16xi32>, vector<16xi32>], vector<16xf32>,
        %mul3A_818 = arith.mulf %gather3A_817, %gather3A_817 : vector<16xf32>
        %add3A_819 = arith.addf %add3A_814, %mul3A_818 : vector<16xf32>
        %broadcast_in_dim3A_820 = arith.constant 16 : i32
        %broadcast_in_dim3A_821 = vector.broadcast %broadcast_in_dim3A_820 : i32 to vector<16xi32>
        %gather3A_822 = tpu.vector_load_idx %arg7[%add3A_737, %broadcast_in_dim3A_821] : memref<32x65xf32, #tpu.memory_space<vmem>>[vector<16xi32>, vector<16xi32>], vector<16xf32>,
        %mul3A_823 = arith.mulf %gather3A_822, %gather3A_822 : vector<16xf32>
        %add3A_824 = arith.addf %add3A_819, %mul3A_823 : vector<16xf32>
        %broadcast_in_dim3A_825 = arith.constant 17 : i32
        %broadcast_in_dim3A_826 = vector.broadcast %broadcast_in_dim3A_825 : i32 to vector<16xi32>
        %gather3A_827 = tpu.vector_load_idx %arg7[%add3A_737, %broadcast_in_dim3A_826] : memref<32x65xf32, #tpu.memory_space<vmem>>[vector<16xi32>, vector<16xi32>], vector<16xf32>,
        %mul3A_828 = arith.mulf %gather3A_827, %gather3A_827 : vector<16xf32>
        %add3A_829 = arith.addf %add3A_824, %mul3A_828 : vector<16xf32>
        %broadcast_in_dim3A_830 = arith.constant 18 : i32
        %broadcast_in_dim3A_831 = vector.broadcast %broadcast_in_dim3A_830 : i32 to vector<16xi32>
        %gather3A_832 = tpu.vector_load_idx %arg7[%add3A_737, %broadcast_in_dim3A_831] : memref<32x65xf32, #tpu.memory_space<vmem>>[vector<16xi32>, vector<16xi32>], vector<16xf32>,
        %mul3A_833 = arith.mulf %gather3A_832, %gather3A_832 : vector<16xf32>
        %add3A_834 = arith.addf %add3A_829, %mul3A_833 : vector<16xf32>
        %broadcast_in_dim3A_835 = arith.constant 19 : i32
        %broadcast_in_dim3A_836 = vector.broadcast %broadcast_in_dim3A_835 : i32 to vector<16xi32>
        %gather3A_837 = tpu.vector_load_idx %arg7[%add3A_737, %broadcast_in_dim3A_836] : memref<32x65xf32, #tpu.memory_space<vmem>>[vector<16xi32>, vector<16xi32>], vector<16xf32>,
        %mul3A_838 = arith.mulf %gather3A_837, %gather3A_837 : vector<16xf32>
        %add3A_839 = arith.addf %add3A_834, %mul3A_838 : vector<16xf32>
        %broadcast_in_dim3A_840 = arith.constant 20 : i32
        %broadcast_in_dim3A_841 = vector.broadcast %broadcast_in_dim3A_840 : i32 to vector<16xi32>
        %gather3A_842 = tpu.vector_load_idx %arg7[%add3A_737, %broadcast_in_dim3A_841] : memref<32x65xf32, #tpu.memory_space<vmem>>[vector<16xi32>, vector<16xi32>], vector<16xf32>,
        %mul3A_843 = arith.mulf %gather3A_842, %gather3A_842 : vector<16xf32>
        %add3A_844 = arith.addf %add3A_839, %mul3A_843 : vector<16xf32>
        %broadcast_in_dim3A_845 = arith.constant 21 : i32
        %broadcast_in_dim3A_846 = vector.broadcast %broadcast_in_dim3A_845 : i32 to vector<16xi32>
        %gather3A_847 = tpu.vector_load_idx %arg7[%add3A_737, %broadcast_in_dim3A_846] : memref<32x65xf32, #tpu.memory_space<vmem>>[vector<16xi32>, vector<16xi32>], vector<16xf32>,
        %mul3A_848 = arith.mulf %gather3A_847, %gather3A_847 : vector<16xf32>
        %add3A_849 = arith.addf %add3A_844, %mul3A_848 : vector<16xf32>
        %broadcast_in_dim3A_850 = arith.constant 22 : i32
        %broadcast_in_dim3A_851 = vector.broadcast %broadcast_in_dim3A_850 : i32 to vector<16xi32>
        %gather3A_852 = tpu.vector_load_idx %arg7[%add3A_737, %broadcast_in_dim3A_851] : memref<32x65xf32, #tpu.memory_space<vmem>>[vector<16xi32>, vector<16xi32>], vector<16xf32>,
        %mul3A_853 = arith.mulf %gather3A_852, %gather3A_852 : vector<16xf32>
        %add3A_854 = arith.addf %add3A_849, %mul3A_853 : vector<16xf32>
        %broadcast_in_dim3A_855 = arith.constant 23 : i32
        %broadcast_in_dim3A_856 = vector.broadcast %broadcast_in_dim3A_855 : i32 to vector<16xi32>
        %gather3A_857 = tpu.vector_load_idx %arg7[%add3A_737, %broadcast_in_dim3A_856] : memref<32x65xf32, #tpu.memory_space<vmem>>[vector<16xi32>, vector<16xi32>], vector<16xf32>,
        %mul3A_858 = arith.mulf %gather3A_857, %gather3A_857 : vector<16xf32>
        %add3A_859 = arith.addf %add3A_854, %mul3A_858 : vector<16xf32>
        %broadcast_in_dim3A_860 = arith.constant 24 : i32
        %broadcast_in_dim3A_861 = vector.broadcast %broadcast_in_dim3A_860 : i32 to vector<16xi32>
        %gather3A_862 = tpu.vector_load_idx %arg7[%add3A_737, %broadcast_in_dim3A_861] : memref<32x65xf32, #tpu.memory_space<vmem>>[vector<16xi32>, vector<16xi32>], vector<16xf32>,
        %mul3A_863 = arith.mulf %gather3A_862, %gather3A_862 : vector<16xf32>
        %add3A_864 = arith.addf %add3A_859, %mul3A_863 : vector<16xf32>
        %broadcast_in_dim3A_865 = arith.constant 25 : i32
        %broadcast_in_dim3A_866 = vector.broadcast %broadcast_in_dim3A_865 : i32 to vector<16xi32>
        %gather3A_867 = tpu.vector_load_idx %arg7[%add3A_737, %broadcast_in_dim3A_866] : memref<32x65xf32, #tpu.memory_space<vmem>>[vector<16xi32>, vector<16xi32>], vector<16xf32>,
        %mul3A_868 = arith.mulf %gather3A_867, %gather3A_867 : vector<16xf32>
        %add3A_869 = arith.addf %add3A_864, %mul3A_868 : vector<16xf32>
        %broadcast_in_dim3A_870 = arith.constant 26 : i32
        %broadcast_in_dim3A_871 = vector.broadcast %broadcast_in_dim3A_870 : i32 to vector<16xi32>
        %gather3A_872 = tpu.vector_load_idx %arg7[%add3A_737, %broadcast_in_dim3A_871] : memref<32x65xf32, #tpu.memory_space<vmem>>[vector<16xi32>, vector<16xi32>], vector<16xf32>,
        %mul3A_873 = arith.mulf %gather3A_872, %gather3A_872 : vector<16xf32>
        %add3A_874 = arith.addf %add3A_869, %mul3A_873 : vector<16xf32>
        %broadcast_in_dim3A_875 = arith.constant 27 : i32
        %broadcast_in_dim3A_876 = vector.broadcast %broadcast_in_dim3A_875 : i32 to vector<16xi32>
        %gather3A_877 = tpu.vector_load_idx %arg7[%add3A_737, %broadcast_in_dim3A_876] : memref<32x65xf32, #tpu.memory_space<vmem>>[vector<16xi32>, vector<16xi32>], vector<16xf32>,
        %mul3A_878 = arith.mulf %gather3A_877, %gather3A_877 : vector<16xf32>
        %add3A_879 = arith.addf %add3A_874, %mul3A_878 : vector<16xf32>
        %broadcast_in_dim3A_880 = arith.constant 28 : i32
        %broadcast_in_dim3A_881 = vector.broadcast %broadcast_in_dim3A_880 : i32 to vector<16xi32>
        %gather3A_882 = tpu.vector_load_idx %arg7[%add3A_737, %broadcast_in_dim3A_881] : memref<32x65xf32, #tpu.memory_space<vmem>>[vector<16xi32>, vector<16xi32>], vector<16xf32>,
        %mul3A_883 = arith.mulf %gather3A_882, %gather3A_882 : vector<16xf32>
        %add3A_884 = arith.addf %add3A_879, %mul3A_883 : vector<16xf32>
        %broadcast_in_dim3A_885 = arith.constant 29 : i32
        %broadcast_in_dim3A_886 = vector.broadcast %broadcast_in_dim3A_885 : i32 to vector<16xi32>
        %gather3A_887 = tpu.vector_load_idx %arg7[%add3A_737, %broadcast_in_dim3A_886] : memref<32x65xf32, #tpu.memory_space<vmem>>[vector<16xi32>, vector<16xi32>], vector<16xf32>,
        %mul3A_888 = arith.mulf %gather3A_887, %gather3A_887 : vector<16xf32>
        %add3A_889 = arith.addf %add3A_884, %mul3A_888 : vector<16xf32>
        %broadcast_in_dim3A_890 = arith.constant 30 : i32
        %broadcast_in_dim3A_891 = vector.broadcast %broadcast_in_dim3A_890 : i32 to vector<16xi32>
        %gather3A_892 = tpu.vector_load_idx %arg7[%add3A_737, %broadcast_in_dim3A_891] : memref<32x65xf32, #tpu.memory_space<vmem>>[vector<16xi32>, vector<16xi32>], vector<16xf32>,
        %mul3A_893 = arith.mulf %gather3A_892, %gather3A_892 : vector<16xf32>
        %add3A_894 = arith.addf %add3A_889, %mul3A_893 : vector<16xf32>
        %broadcast_in_dim3A_895 = arith.constant 31 : i32
        %broadcast_in_dim3A_896 = vector.broadcast %broadcast_in_dim3A_895 : i32 to vector<16xi32>
        %gather3A_897 = tpu.vector_load_idx %arg7[%add3A_737, %broadcast_in_dim3A_896] : memref<32x65xf32, #tpu.memory_space<vmem>>[vector<16xi32>, vector<16xi32>], vector<16xf32>,
        %mul3A_898 = arith.mulf %gather3A_897, %gather3A_897 : vector<16xf32>
        %add3A_899 = arith.addf %add3A_894, %mul3A_898 : vector<16xf32>
        %broadcast_in_dim3A_900 = arith.constant 32 : i32
        %broadcast_in_dim3A_901 = vector.broadcast %broadcast_in_dim3A_900 : i32 to vector<16xi32>
        %gather3A_902 = tpu.vector_load_idx %arg7[%add3A_737, %broadcast_in_dim3A_901] : memref<32x65xf32, #tpu.memory_space<vmem>>[vector<16xi32>, vector<16xi32>], vector<16xf32>,
        %mul3A_903 = arith.mulf %gather3A_902, %gather3A_902 : vector<16xf32>
        %add3A_904 = arith.addf %add3A_899, %mul3A_903 : vector<16xf32>
        %broadcast_in_dim3A_905 = arith.constant 33 : i32
        %broadcast_in_dim3A_906 = vector.broadcast %broadcast_in_dim3A_905 : i32 to vector<16xi32>
        %gather3A_907 = tpu.vector_load_idx %arg7[%add3A_737, %broadcast_in_dim3A_906] : memref<32x65xf32, #tpu.memory_space<vmem>>[vector<16xi32>, vector<16xi32>], vector<16xf32>,
        %mul3A_908 = arith.mulf %gather3A_907, %gather3A_907 : vector<16xf32>
        %add3A_909 = arith.addf %add3A_904, %mul3A_908 : vector<16xf32>
        %broadcast_in_dim3A_910 = arith.constant 34 : i32
        %broadcast_in_dim3A_911 = vector.broadcast %broadcast_in_dim3A_910 : i32 to vector<16xi32>
        %gather3A_912 = tpu.vector_load_idx %arg7[%add3A_737, %broadcast_in_dim3A_911] : memref<32x65xf32, #tpu.memory_space<vmem>>[vector<16xi32>, vector<16xi32>], vector<16xf32>,
        %mul3A_913 = arith.mulf %gather3A_912, %gather3A_912 : vector<16xf32>
        %add3A_914 = arith.addf %add3A_909, %mul3A_913 : vector<16xf32>
        %broadcast_in_dim3A_915 = arith.constant 35 : i32
        %broadcast_in_dim3A_916 = vector.broadcast %broadcast_in_dim3A_915 : i32 to vector<16xi32>
        %gather3A_917 = tpu.vector_load_idx %arg7[%add3A_737, %broadcast_in_dim3A_916] : memref<32x65xf32, #tpu.memory_space<vmem>>[vector<16xi32>, vector<16xi32>], vector<16xf32>,
        %mul3A_918 = arith.mulf %gather3A_917, %gather3A_917 : vector<16xf32>
        %add3A_919 = arith.addf %add3A_914, %mul3A_918 : vector<16xf32>
        %broadcast_in_dim3A_920 = arith.constant 36 : i32
        %broadcast_in_dim3A_921 = vector.broadcast %broadcast_in_dim3A_920 : i32 to vector<16xi32>
        %gather3A_922 = tpu.vector_load_idx %arg7[%add3A_737, %broadcast_in_dim3A_921] : memref<32x65xf32, #tpu.memory_space<vmem>>[vector<16xi32>, vector<16xi32>], vector<16xf32>,
        %mul3A_923 = arith.mulf %gather3A_922, %gather3A_922 : vector<16xf32>
        %add3A_924 = arith.addf %add3A_919, %mul3A_923 : vector<16xf32>
        %broadcast_in_dim3A_925 = arith.constant 37 : i32
        %broadcast_in_dim3A_926 = vector.broadcast %broadcast_in_dim3A_925 : i32 to vector<16xi32>
        %gather3A_927 = tpu.vector_load_idx %arg7[%add3A_737, %broadcast_in_dim3A_926] : memref<32x65xf32, #tpu.memory_space<vmem>>[vector<16xi32>, vector<16xi32>], vector<16xf32>,
        %mul3A_928 = arith.mulf %gather3A_927, %gather3A_927 : vector<16xf32>
        %add3A_929 = arith.addf %add3A_924, %mul3A_928 : vector<16xf32>
        %broadcast_in_dim3A_930 = arith.constant 38 : i32
        %broadcast_in_dim3A_931 = vector.broadcast %broadcast_in_dim3A_930 : i32 to vector<16xi32>
        %gather3A_932 = tpu.vector_load_idx %arg7[%add3A_737, %broadcast_in_dim3A_931] : memref<32x65xf32, #tpu.memory_space<vmem>>[vector<16xi32>, vector<16xi32>], vector<16xf32>,
        %mul3A_933 = arith.mulf %gather3A_932, %gather3A_932 : vector<16xf32>
        %add3A_934 = arith.addf %add3A_929, %mul3A_933 : vector<16xf32>
        %broadcast_in_dim3A_935 = arith.constant 39 : i32
        %broadcast_in_dim3A_936 = vector.broadcast %broadcast_in_dim3A_935 : i32 to vector<16xi32>
        %gather3A_937 = tpu.vector_load_idx %arg7[%add3A_737, %broadcast_in_dim3A_936] : memref<32x65xf32, #tpu.memory_space<vmem>>[vector<16xi32>, vector<16xi32>], vector<16xf32>,
        %mul3A_938 = arith.mulf %gather3A_937, %gather3A_937 : vector<16xf32>
        %add3A_939 = arith.addf %add3A_934, %mul3A_938 : vector<16xf32>
        %broadcast_in_dim3A_940 = arith.constant 40 : i32
        %broadcast_in_dim3A_941 = vector.broadcast %broadcast_in_dim3A_940 : i32 to vector<16xi32>
        %gather3A_942 = tpu.vector_load_idx %arg7[%add3A_737, %broadcast_in_dim3A_941] : memref<32x65xf32, #tpu.memory_space<vmem>>[vector<16xi32>, vector<16xi32>], vector<16xf32>,
        %mul3A_943 = arith.mulf %gather3A_942, %gather3A_942 : vector<16xf32>
        %add3A_944 = arith.addf %add3A_939, %mul3A_943 : vector<16xf32>
        %broadcast_in_dim3A_945 = arith.constant 41 : i32
        %broadcast_in_dim3A_946 = vector.broadcast %broadcast_in_dim3A_945 : i32 to vector<16xi32>
        %gather3A_947 = tpu.vector_load_idx %arg7[%add3A_737, %broadcast_in_dim3A_946] : memref<32x65xf32, #tpu.memory_space<vmem>>[vector<16xi32>, vector<16xi32>], vector<16xf32>,
        %mul3A_948 = arith.mulf %gather3A_947, %gather3A_947 : vector<16xf32>
        %add3A_949 = arith.addf %add3A_944, %mul3A_948 : vector<16xf32>
        %broadcast_in_dim3A_950 = arith.constant 42 : i32
        %broadcast_in_dim3A_951 = vector.broadcast %broadcast_in_dim3A_950 : i32 to vector<16xi32>
        %gather3A_952 = tpu.vector_load_idx %arg7[%add3A_737, %broadcast_in_dim3A_951] : memref<32x65xf32, #tpu.memory_space<vmem>>[vector<16xi32>, vector<16xi32>], vector<16xf32>,
        %mul3A_953 = arith.mulf %gather3A_952, %gather3A_952 : vector<16xf32>
        %add3A_954 = arith.addf %add3A_949, %mul3A_953 : vector<16xf32>
        %broadcast_in_dim3A_955 = arith.constant 43 : i32
        %broadcast_in_dim3A_956 = vector.broadcast %broadcast_in_dim3A_955 : i32 to vector<16xi32>
        %gather3A_957 = tpu.vector_load_idx %arg7[%add3A_737, %broadcast_in_dim3A_956] : memref<32x65xf32, #tpu.memory_space<vmem>>[vector<16xi32>, vector<16xi32>], vector<16xf32>,
        %mul3A_958 = arith.mulf %gather3A_957, %gather3A_957 : vector<16xf32>
        %add3A_959 = arith.addf %add3A_954, %mul3A_958 : vector<16xf32>
        %broadcast_in_dim3A_960 = arith.constant 44 : i32
        %broadcast_in_dim3A_961 = vector.broadcast %broadcast_in_dim3A_960 : i32 to vector<16xi32>
        %gather3A_962 = tpu.vector_load_idx %arg7[%add3A_737, %broadcast_in_dim3A_961] : memref<32x65xf32, #tpu.memory_space<vmem>>[vector<16xi32>, vector<16xi32>], vector<16xf32>,
        %mul3A_963 = arith.mulf %gather3A_962, %gather3A_962 : vector<16xf32>
        %add3A_964 = arith.addf %add3A_959, %mul3A_963 : vector<16xf32>
        %broadcast_in_dim3A_965 = arith.constant 45 : i32
        %broadcast_in_dim3A_966 = vector.broadcast %broadcast_in_dim3A_965 : i32 to vector<16xi32>
        %gather3A_967 = tpu.vector_load_idx %arg7[%add3A_737, %broadcast_in_dim3A_966] : memref<32x65xf32, #tpu.memory_space<vmem>>[vector<16xi32>, vector<16xi32>], vector<16xf32>,
        %mul3A_968 = arith.mulf %gather3A_967, %gather3A_967 : vector<16xf32>
        %add3A_969 = arith.addf %add3A_964, %mul3A_968 : vector<16xf32>
        %broadcast_in_dim3A_970 = arith.constant 46 : i32
        %broadcast_in_dim3A_971 = vector.broadcast %broadcast_in_dim3A_970 : i32 to vector<16xi32>
        %gather3A_972 = tpu.vector_load_idx %arg7[%add3A_737, %broadcast_in_dim3A_971] : memref<32x65xf32, #tpu.memory_space<vmem>>[vector<16xi32>, vector<16xi32>], vector<16xf32>,
        %mul3A_973 = arith.mulf %gather3A_972, %gather3A_972 : vector<16xf32>
        %add3A_974 = arith.addf %add3A_969, %mul3A_973 : vector<16xf32>
        %broadcast_in_dim3A_975 = arith.constant 47 : i32
        %broadcast_in_dim3A_976 = vector.broadcast %broadcast_in_dim3A_975 : i32 to vector<16xi32>
        %gather3A_977 = tpu.vector_load_idx %arg7[%add3A_737, %broadcast_in_dim3A_976] : memref<32x65xf32, #tpu.memory_space<vmem>>[vector<16xi32>, vector<16xi32>], vector<16xf32>,
        %mul3A_978 = arith.mulf %gather3A_977, %gather3A_977 : vector<16xf32>
        %add3A_979 = arith.addf %add3A_974, %mul3A_978 : vector<16xf32>
        %broadcast_in_dim3A_980 = arith.constant 48 : i32
        %broadcast_in_dim3A_981 = vector.broadcast %broadcast_in_dim3A_980 : i32 to vector<16xi32>
        %gather3A_982 = tpu.vector_load_idx %arg7[%add3A_737, %broadcast_in_dim3A_981] : memref<32x65xf32, #tpu.memory_space<vmem>>[vector<16xi32>, vector<16xi32>], vector<16xf32>,
        %mul3A_983 = arith.mulf %gather3A_982, %gather3A_982 : vector<16xf32>
        %add3A_984 = arith.addf %add3A_979, %mul3A_983 : vector<16xf32>
        %broadcast_in_dim3A_985 = arith.constant 49 : i32
        %broadcast_in_dim3A_986 = vector.broadcast %broadcast_in_dim3A_985 : i32 to vector<16xi32>
        %gather3A_987 = tpu.vector_load_idx %arg7[%add3A_737, %broadcast_in_dim3A_986] : memref<32x65xf32, #tpu.memory_space<vmem>>[vector<16xi32>, vector<16xi32>], vector<16xf32>,
        %mul3A_988 = arith.mulf %gather3A_987, %gather3A_987 : vector<16xf32>
        %add3A_989 = arith.addf %add3A_984, %mul3A_988 : vector<16xf32>
        %broadcast_in_dim3A_990 = arith.constant 50 : i32
        %broadcast_in_dim3A_991 = vector.broadcast %broadcast_in_dim3A_990 : i32 to vector<16xi32>
        %gather3A_992 = tpu.vector_load_idx %arg7[%add3A_737, %broadcast_in_dim3A_991] : memref<32x65xf32, #tpu.memory_space<vmem>>[vector<16xi32>, vector<16xi32>], vector<16xf32>,
        %mul3A_993 = arith.mulf %gather3A_992, %gather3A_992 : vector<16xf32>
        %add3A_994 = arith.addf %add3A_989, %mul3A_993 : vector<16xf32>
        %broadcast_in_dim3A_995 = arith.constant 51 : i32
        %broadcast_in_dim3A_996 = vector.broadcast %broadcast_in_dim3A_995 : i32 to vector<16xi32>
        %gather3A_997 = tpu.vector_load_idx %arg7[%add3A_737, %broadcast_in_dim3A_996] : memref<32x65xf32, #tpu.memory_space<vmem>>[vector<16xi32>, vector<16xi32>], vector<16xf32>,
        %mul3A_998 = arith.mulf %gather3A_997, %gather3A_997 : vector<16xf32>
        %add3A_999 = arith.addf %add3A_994, %mul3A_998 : vector<16xf32>
        %broadcast_in_dim3A_1000 = arith.constant 52 : i32
        %broadcast_in_dim3A_1001 = vector.broadcast %broadcast_in_dim3A_1000 : i32 to vector<16xi32>
        %gather3A_1002 = tpu.vector_load_idx %arg7[%add3A_737, %broadcast_in_dim3A_1001] : memref<32x65xf32, #tpu.memory_space<vmem>>[vector<16xi32>, vector<16xi32>], vector<16xf32>,
        %mul3A_1003 = arith.mulf %gather3A_1002, %gather3A_1002 : vector<16xf32>
        %add3A_1004 = arith.addf %add3A_999, %mul3A_1003 : vector<16xf32>
        %broadcast_in_dim3A_1005 = arith.constant 53 : i32
        %broadcast_in_dim3A_1006 = vector.broadcast %broadcast_in_dim3A_1005 : i32 to vector<16xi32>
        %gather3A_1007 = tpu.vector_load_idx %arg7[%add3A_737, %broadcast_in_dim3A_1006] : memref<32x65xf32, #tpu.memory_space<vmem>>[vector<16xi32>, vector<16xi32>], vector<16xf32>,
        %mul3A_1008 = arith.mulf %gather3A_1007, %gather3A_1007 : vector<16xf32>
        %add3A_1009 = arith.addf %add3A_1004, %mul3A_1008 : vector<16xf32>
        %broadcast_in_dim3A_1010 = arith.constant 54 : i32
        %broadcast_in_dim3A_1011 = vector.broadcast %broadcast_in_dim3A_1010 : i32 to vector<16xi32>
        %gather3A_1012 = tpu.vector_load_idx %arg7[%add3A_737, %broadcast_in_dim3A_1011] : memref<32x65xf32, #tpu.memory_space<vmem>>[vector<16xi32>, vector<16xi32>], vector<16xf32>,
        %mul3A_1013 = arith.mulf %gather3A_1012, %gather3A_1012 : vector<16xf32>
        %add3A_1014 = arith.addf %add3A_1009, %mul3A_1013 : vector<16xf32>
        %broadcast_in_dim3A_1015 = arith.constant 55 : i32
        %broadcast_in_dim3A_1016 = vector.broadcast %broadcast_in_dim3A_1015 : i32 to vector<16xi32>
        %gather3A_1017 = tpu.vector_load_idx %arg7[%add3A_737, %broadcast_in_dim3A_1016] : memref<32x65xf32, #tpu.memory_space<vmem>>[vector<16xi32>, vector<16xi32>], vector<16xf32>,
        %mul3A_1018 = arith.mulf %gather3A_1017, %gather3A_1017 : vector<16xf32>
        %add3A_1019 = arith.addf %add3A_1014, %mul3A_1018 : vector<16xf32>
        %broadcast_in_dim3A_1020 = arith.constant 56 : i32
        %broadcast_in_dim3A_1021 = vector.broadcast %broadcast_in_dim3A_1020 : i32 to vector<16xi32>
        %gather3A_1022 = tpu.vector_load_idx %arg7[%add3A_737, %broadcast_in_dim3A_1021] : memref<32x65xf32, #tpu.memory_space<vmem>>[vector<16xi32>, vector<16xi32>], vector<16xf32>,
        %mul3A_1023 = arith.mulf %gather3A_1022, %gather3A_1022 : vector<16xf32>
        %add3A_1024 = arith.addf %add3A_1019, %mul3A_1023 : vector<16xf32>
        %broadcast_in_dim3A_1025 = arith.constant 57 : i32
        %broadcast_in_dim3A_1026 = vector.broadcast %broadcast_in_dim3A_1025 : i32 to vector<16xi32>
        %gather3A_1027 = tpu.vector_load_idx %arg7[%add3A_737, %broadcast_in_dim3A_1026] : memref<32x65xf32, #tpu.memory_space<vmem>>[vector<16xi32>, vector<16xi32>], vector<16xf32>,
        %mul3A_1028 = arith.mulf %gather3A_1027, %gather3A_1027 : vector<16xf32>
        %add3A_1029 = arith.addf %add3A_1024, %mul3A_1028 : vector<16xf32>
        %broadcast_in_dim3A_1030 = arith.constant 58 : i32
        %broadcast_in_dim3A_1031 = vector.broadcast %broadcast_in_dim3A_1030 : i32 to vector<16xi32>
        %gather3A_1032 = tpu.vector_load_idx %arg7[%add3A_737, %broadcast_in_dim3A_1031] : memref<32x65xf32, #tpu.memory_space<vmem>>[vector<16xi32>, vector<16xi32>], vector<16xf32>,
        %mul3A_1033 = arith.mulf %gather3A_1032, %gather3A_1032 : vector<16xf32>
        %add3A_1034 = arith.addf %add3A_1029, %mul3A_1033 : vector<16xf32>
        %broadcast_in_dim3A_1035 = arith.constant 59 : i32
        %broadcast_in_dim3A_1036 = vector.broadcast %broadcast_in_dim3A_1035 : i32 to vector<16xi32>
        %gather3A_1037 = tpu.vector_load_idx %arg7[%add3A_737, %broadcast_in_dim3A_1036] : memref<32x65xf32, #tpu.memory_space<vmem>>[vector<16xi32>, vector<16xi32>], vector<16xf32>,
        %mul3A_1038 = arith.mulf %gather3A_1037, %gather3A_1037 : vector<16xf32>
        %add3A_1039 = arith.addf %add3A_1034, %mul3A_1038 : vector<16xf32>
        %broadcast_in_dim3A_1040 = arith.constant 60 : i32
        %broadcast_in_dim3A_1041 = vector.broadcast %broadcast_in_dim3A_1040 : i32 to vector<16xi32>
        %gather3A_1042 = tpu.vector_load_idx %arg7[%add3A_737, %broadcast_in_dim3A_1041] : memref<32x65xf32, #tpu.memory_space<vmem>>[vector<16xi32>, vector<16xi32>], vector<16xf32>,
        %mul3A_1043 = arith.mulf %gather3A_1042, %gather3A_1042 : vector<16xf32>
        %add3A_1044 = arith.addf %add3A_1039, %mul3A_1043 : vector<16xf32>
        %broadcast_in_dim3A_1045 = arith.constant 61 : i32
        %broadcast_in_dim3A_1046 = vector.broadcast %broadcast_in_dim3A_1045 : i32 to vector<16xi32>
        %gather3A_1047 = tpu.vector_load_idx %arg7[%add3A_737, %broadcast_in_dim3A_1046] : memref<32x65xf32, #tpu.memory_space<vmem>>[vector<16xi32>, vector<16xi32>], vector<16xf32>,
        %mul3A_1048 = arith.mulf %gather3A_1047, %gather3A_1047 : vector<16xf32>
        %add3A_1049 = arith.addf %add3A_1044, %mul3A_1048 : vector<16xf32>
        %broadcast_in_dim3A_1050 = arith.constant 62 : i32
        %broadcast_in_dim3A_1051 = vector.broadcast %broadcast_in_dim3A_1050 : i32 to vector<16xi32>
        %gather3A_1052 = tpu.vector_load_idx %arg7[%add3A_737, %broadcast_in_dim3A_1051] : memref<32x65xf32, #tpu.memory_space<vmem>>[vector<16xi32>, vector<16xi32>], vector<16xf32>,
        %mul3A_1053 = arith.mulf %gather3A_1052, %gather3A_1052 : vector<16xf32>
        %add3A_1054 = arith.addf %add3A_1049, %mul3A_1053 : vector<16xf32>
        %broadcast_in_dim3A_1055 = arith.constant 63 : i32
        %broadcast_in_dim3A_1056 = vector.broadcast %broadcast_in_dim3A_1055 : i32 to vector<16xi32>
        %gather3A_1057 = tpu.vector_load_idx %arg7[%add3A_737, %broadcast_in_dim3A_1056] : memref<32x65xf32, #tpu.memory_space<vmem>>[vector<16xi32>, vector<16xi32>], vector<16xf32>,
        %mul3A_1058 = arith.mulf %gather3A_1057, %gather3A_1057 : vector<16xf32>
        %add3A_1059 = arith.addf %add3A_1054, %mul3A_1058 : vector<16xf32>
        %max3A = arith.constant 1.000000e-24 : f32
        %max3A_1060 = vector.broadcast %max3A : f32 to vector<16xf32>
        %max3A_1061 = arith.maximumf %add3A_1059, %max3A_1060 : vector<16xf32>
        %bitcast_convert_type3A = tpu.bitcast %max3A_1061 : vector<16xf32> -> vector<16xi32>
        %shift_right_logical3A = arith.constant 1 : i32
        %shift_right_logical3A_1062 = vector.broadcast %shift_right_logical3A : i32 to vector<16xi32>
        %shift_right_logical3A_1063 = arith.shrui %bitcast_convert_type3A, %shift_right_logical3A_1062 : vector<16xi32>
        %sub3A_1064 = arith.constant 1597463007 : i32
        %sub3A_1065 = vector.broadcast %sub3A_1064 : i32 to vector<16xi32>
        %sub3A_1066 = arith.subi %sub3A_1065, %shift_right_logical3A_1063 : vector<16xi32>
        %bitcast_convert_type3A_1067 = tpu.bitcast %sub3A_1066 : vector<16xi32> -> vector<16xf32>
        %mul3A_1068 = arith.constant 5.000000e-01 : f32
        %mul3A_1069 = vector.broadcast %mul3A_1068 : f32 to vector<16xf32>
        %mul3A_1070 = arith.mulf %mul3A_1069, %max3A_1061 : vector<16xf32>
        %mul3A_1071 = arith.mulf %mul3A_1070, %bitcast_convert_type3A_1067 : vector<16xf32>
        %mul3A_1072 = arith.mulf %mul3A_1071, %bitcast_convert_type3A_1067 : vector<16xf32>
        %sub3A_1073 = arith.constant 1.500000e+00 : f32
        %sub3A_1074 = vector.broadcast %sub3A_1073 : f32 to vector<16xf32>
        %sub3A_1075 = arith.subf %sub3A_1074, %mul3A_1072 : vector<16xf32>
        %mul3A_1076 = arith.mulf %bitcast_convert_type3A_1067, %sub3A_1075 : vector<16xf32>
        %mul3A_1077 = arith.mulf %mul3A_1070, %mul3A_1076 : vector<16xf32>
        %mul3A_1078 = arith.mulf %mul3A_1077, %mul3A_1076 : vector<16xf32>
        %sub3A_1079 = arith.constant 1.500000e+00 : f32
        %sub3A_1080 = vector.broadcast %sub3A_1079 : f32 to vector<16xf32>
        %sub3A_1081 = arith.subf %sub3A_1080, %mul3A_1078 : vector<16xf32>
        %mul3A_1082 = arith.mulf %mul3A_1076, %sub3A_1081 : vector<16xf32>
        %mul3A_1083 = arith.mulf %mul3A_1070, %mul3A_1082 : vector<16xf32>
        %mul3A_1084 = arith.mulf %mul3A_1083, %mul3A_1082 : vector<16xf32>
        %sub3A_1085 = arith.constant 1.500000e+00 : f32
        %sub3A_1086 = vector.broadcast %sub3A_1085 : f32 to vector<16xf32>
        %sub3A_1087 = arith.subf %sub3A_1086, %mul3A_1084 : vector<16xf32>
        %mul3A_1088 = arith.mulf %mul3A_1082, %sub3A_1087 : vector<16xf32>
        %shift_right_arithmetic3A_1089 = arith.constant 3 : i32
        %shift_right_arithmetic3A_1090 = arith.shrsi %shift_right_arithmetic3A_727, %shift_right_arithmetic3A_1089 : i32
        %mul3A_1091 = arith.constant 8 : i32
        %mul3A_1092 = arith.muli %shift_right_arithmetic3A_1090, %mul3A_1091 : i32
        %sub3A_1093 = arith.subi %shift_right_arithmetic3A_727, %mul3A_1092 : i32
        %mul3A_1094 = arith.constant 16 : i32
        %mul3A_1095 = arith.muli %sub3A_1093, %mul3A_1094 : i32
        %broadcast_in_dim3A_1096 = arith.constant 0 : i32
        %broadcast_in_dim3A_1097 = vector.broadcast %broadcast_in_dim3A_1096 : i32 to vector<16xi32>
        %gather3A_1098 = tpu.vector_load_idx %arg7[%add3A_737, %broadcast_in_dim3A_1097] : memref<32x65xf32, #tpu.memory_space<vmem>>[vector<16xi32>, vector<16xi32>], vector<16xf32>,
        %mul3A_1099 = arith.mulf %gather3A_1098, %mul3A_1088 : vector<16xf32>
        %swap3A_1100 = arith.constant 0 : i32
        %swap3A_1101 = arith.index_cast %swap3A_1100 : i32 to index
        %swap3A_1102 = arith.index_cast %mul3A_1095 : i32 to index
        %swap3A_1103 = tpu.vector_load %arg8[%swap3A_1101, %swap3A_1102] {strides = array<i32>} : memref<64x128xf32, #tpu.memory_space<vmem>>, vector<16xf32>,
        tpu.vector_store %arg8[%swap3A_1101, %swap3A_1102], %mul3A_1099 {strides = array<i32>} : memref<64x128xf32, #tpu.memory_space<vmem>>, vector<16xf32>,
        %broadcast_in_dim3A_1104 = arith.constant 1 : i32
        %broadcast_in_dim3A_1105 = vector.broadcast %broadcast_in_dim3A_1104 : i32 to vector<16xi32>
        %gather3A_1106 = tpu.vector_load_idx %arg7[%add3A_737, %broadcast_in_dim3A_1105] : memref<32x65xf32, #tpu.memory_space<vmem>>[vector<16xi32>, vector<16xi32>], vector<16xf32>,
        %mul3A_1107 = arith.mulf %gather3A_1106, %mul3A_1088 : vector<16xf32>
        %swap3A_1108 = arith.constant 1 : i32
        %swap3A_1109 = arith.index_cast %swap3A_1108 : i32 to index
        %swap3A_1110 = arith.index_cast %mul3A_1095 : i32 to index
        %swap3A_1111 = tpu.vector_load %arg8[%swap3A_1109, %swap3A_1110] {strides = array<i32>} : memref<64x128xf32, #tpu.memory_space<vmem>>, vector<16xf32>,
        tpu.vector_store %arg8[%swap3A_1109, %swap3A_1110], %mul3A_1107 {strides = array<i32>} : memref<64x128xf32, #tpu.memory_space<vmem>>, vector<16xf32>,
        %broadcast_in_dim3A_1112 = arith.constant 2 : i32
        %broadcast_in_dim3A_1113 = vector.broadcast %broadcast_in_dim3A_1112 : i32 to vector<16xi32>
        %gather3A_1114 = tpu.vector_load_idx %arg7[%add3A_737, %broadcast_in_dim3A_1113] : memref<32x65xf32, #tpu.memory_space<vmem>>[vector<16xi32>, vector<16xi32>], vector<16xf32>,
        %mul3A_1115 = arith.mulf %gather3A_1114, %mul3A_1088 : vector<16xf32>
        %swap3A_1116 = arith.constant 2 : i32
        %swap3A_1117 = arith.index_cast %swap3A_1116 : i32 to index
        %swap3A_1118 = arith.index_cast %mul3A_1095 : i32 to index
        %swap3A_1119 = tpu.vector_load %arg8[%swap3A_1117, %swap3A_1118] {strides = array<i32>} : memref<64x128xf32, #tpu.memory_space<vmem>>, vector<16xf32>,
        tpu.vector_store %arg8[%swap3A_1117, %swap3A_1118], %mul3A_1115 {strides = array<i32>} : memref<64x128xf32, #tpu.memory_space<vmem>>, vector<16xf32>,
        %broadcast_in_dim3A_1120 = arith.constant 3 : i32
        %broadcast_in_dim3A_1121 = vector.broadcast %broadcast_in_dim3A_1120 : i32 to vector<16xi32>
        %gather3A_1122 = tpu.vector_load_idx %arg7[%add3A_737, %broadcast_in_dim3A_1121] : memref<32x65xf32, #tpu.memory_space<vmem>>[vector<16xi32>, vector<16xi32>], vector<16xf32>,
        %mul3A_1123 = arith.mulf %gather3A_1122, %mul3A_1088 : vector<16xf32>
        %swap3A_1124 = arith.constant 3 : i32
        %swap3A_1125 = arith.index_cast %swap3A_1124 : i32 to index
        %swap3A_1126 = arith.index_cast %mul3A_1095 : i32 to index
        %swap3A_1127 = tpu.vector_load %arg8[%swap3A_1125, %swap3A_1126] {strides = array<i32>} : memref<64x128xf32, #tpu.memory_space<vmem>>, vector<16xf32>,
        tpu.vector_store %arg8[%swap3A_1125, %swap3A_1126], %mul3A_1123 {strides = array<i32>} : memref<64x128xf32, #tpu.memory_space<vmem>>, vector<16xf32>,
        %broadcast_in_dim3A_1128 = arith.constant 4 : i32
        %broadcast_in_dim3A_1129 = vector.broadcast %broadcast_in_dim3A_1128 : i32 to vector<16xi32>
        %gather3A_1130 = tpu.vector_load_idx %arg7[%add3A_737, %broadcast_in_dim3A_1129] : memref<32x65xf32, #tpu.memory_space<vmem>>[vector<16xi32>, vector<16xi32>], vector<16xf32>,
        %mul3A_1131 = arith.mulf %gather3A_1130, %mul3A_1088 : vector<16xf32>
        %swap3A_1132 = arith.constant 4 : i32
        %swap3A_1133 = arith.index_cast %swap3A_1132 : i32 to index
        %swap3A_1134 = arith.index_cast %mul3A_1095 : i32 to index
        %swap3A_1135 = tpu.vector_load %arg8[%swap3A_1133, %swap3A_1134] {strides = array<i32>} : memref<64x128xf32, #tpu.memory_space<vmem>>, vector<16xf32>,
        tpu.vector_store %arg8[%swap3A_1133, %swap3A_1134], %mul3A_1131 {strides = array<i32>} : memref<64x128xf32, #tpu.memory_space<vmem>>, vector<16xf32>,
        %broadcast_in_dim3A_1136 = arith.constant 5 : i32
        %broadcast_in_dim3A_1137 = vector.broadcast %broadcast_in_dim3A_1136 : i32 to vector<16xi32>
        %gather3A_1138 = tpu.vector_load_idx %arg7[%add3A_737, %broadcast_in_dim3A_1137] : memref<32x65xf32, #tpu.memory_space<vmem>>[vector<16xi32>, vector<16xi32>], vector<16xf32>,
        %mul3A_1139 = arith.mulf %gather3A_1138, %mul3A_1088 : vector<16xf32>
        %swap3A_1140 = arith.constant 5 : i32
        %swap3A_1141 = arith.index_cast %swap3A_1140 : i32 to index
        %swap3A_1142 = arith.index_cast %mul3A_1095 : i32 to index
        %swap3A_1143 = tpu.vector_load %arg8[%swap3A_1141, %swap3A_1142] {strides = array<i32>} : memref<64x128xf32, #tpu.memory_space<vmem>>, vector<16xf32>,
        tpu.vector_store %arg8[%swap3A_1141, %swap3A_1142], %mul3A_1139 {strides = array<i32>} : memref<64x128xf32, #tpu.memory_space<vmem>>, vector<16xf32>,
        %broadcast_in_dim3A_1144 = arith.constant 6 : i32
        %broadcast_in_dim3A_1145 = vector.broadcast %broadcast_in_dim3A_1144 : i32 to vector<16xi32>
        %gather3A_1146 = tpu.vector_load_idx %arg7[%add3A_737, %broadcast_in_dim3A_1145] : memref<32x65xf32, #tpu.memory_space<vmem>>[vector<16xi32>, vector<16xi32>], vector<16xf32>,
        %mul3A_1147 = arith.mulf %gather3A_1146, %mul3A_1088 : vector<16xf32>
        %swap3A_1148 = arith.constant 6 : i32
        %swap3A_1149 = arith.index_cast %swap3A_1148 : i32 to index
        %swap3A_1150 = arith.index_cast %mul3A_1095 : i32 to index
        %swap3A_1151 = tpu.vector_load %arg8[%swap3A_1149, %swap3A_1150] {strides = array<i32>} : memref<64x128xf32, #tpu.memory_space<vmem>>, vector<16xf32>,
        tpu.vector_store %arg8[%swap3A_1149, %swap3A_1150], %mul3A_1147 {strides = array<i32>} : memref<64x128xf32, #tpu.memory_space<vmem>>, vector<16xf32>,
        %broadcast_in_dim3A_1152 = arith.constant 7 : i32
        %broadcast_in_dim3A_1153 = vector.broadcast %broadcast_in_dim3A_1152 : i32 to vector<16xi32>
        %gather3A_1154 = tpu.vector_load_idx %arg7[%add3A_737, %broadcast_in_dim3A_1153] : memref<32x65xf32, #tpu.memory_space<vmem>>[vector<16xi32>, vector<16xi32>], vector<16xf32>,
        %mul3A_1155 = arith.mulf %gather3A_1154, %mul3A_1088 : vector<16xf32>
        %swap3A_1156 = arith.constant 7 : i32
        %swap3A_1157 = arith.index_cast %swap3A_1156 : i32 to index
        %swap3A_1158 = arith.index_cast %mul3A_1095 : i32 to index
        %swap3A_1159 = tpu.vector_load %arg8[%swap3A_1157, %swap3A_1158] {strides = array<i32>} : memref<64x128xf32, #tpu.memory_space<vmem>>, vector<16xf32>,
        tpu.vector_store %arg8[%swap3A_1157, %swap3A_1158], %mul3A_1155 {strides = array<i32>} : memref<64x128xf32, #tpu.memory_space<vmem>>, vector<16xf32>,
        %broadcast_in_dim3A_1160 = arith.constant 8 : i32
        %broadcast_in_dim3A_1161 = vector.broadcast %broadcast_in_dim3A_1160 : i32 to vector<16xi32>
        %gather3A_1162 = tpu.vector_load_idx %arg7[%add3A_737, %broadcast_in_dim3A_1161] : memref<32x65xf32, #tpu.memory_space<vmem>>[vector<16xi32>, vector<16xi32>], vector<16xf32>,
        %mul3A_1163 = arith.mulf %gather3A_1162, %mul3A_1088 : vector<16xf32>
        %swap3A_1164 = arith.constant 8 : i32
        %swap3A_1165 = arith.index_cast %swap3A_1164 : i32 to index
        %swap3A_1166 = arith.index_cast %mul3A_1095 : i32 to index
        %swap3A_1167 = tpu.vector_load %arg8[%swap3A_1165, %swap3A_1166] {strides = array<i32>} : memref<64x128xf32, #tpu.memory_space<vmem>>, vector<16xf32>,
        tpu.vector_store %arg8[%swap3A_1165, %swap3A_1166], %mul3A_1163 {strides = array<i32>} : memref<64x128xf32, #tpu.memory_space<vmem>>, vector<16xf32>,
        %broadcast_in_dim3A_1168 = arith.constant 9 : i32
        %broadcast_in_dim3A_1169 = vector.broadcast %broadcast_in_dim3A_1168 : i32 to vector<16xi32>
        %gather3A_1170 = tpu.vector_load_idx %arg7[%add3A_737, %broadcast_in_dim3A_1169] : memref<32x65xf32, #tpu.memory_space<vmem>>[vector<16xi32>, vector<16xi32>], vector<16xf32>,
        %mul3A_1171 = arith.mulf %gather3A_1170, %mul3A_1088 : vector<16xf32>
        %swap3A_1172 = arith.constant 9 : i32
        %swap3A_1173 = arith.index_cast %swap3A_1172 : i32 to index
        %swap3A_1174 = arith.index_cast %mul3A_1095 : i32 to index
        %swap3A_1175 = tpu.vector_load %arg8[%swap3A_1173, %swap3A_1174] {strides = array<i32>} : memref<64x128xf32, #tpu.memory_space<vmem>>, vector<16xf32>,
        tpu.vector_store %arg8[%swap3A_1173, %swap3A_1174], %mul3A_1171 {strides = array<i32>} : memref<64x128xf32, #tpu.memory_space<vmem>>, vector<16xf32>,
        %broadcast_in_dim3A_1176 = arith.constant 10 : i32
        %broadcast_in_dim3A_1177 = vector.broadcast %broadcast_in_dim3A_1176 : i32 to vector<16xi32>
        %gather3A_1178 = tpu.vector_load_idx %arg7[%add3A_737, %broadcast_in_dim3A_1177] : memref<32x65xf32, #tpu.memory_space<vmem>>[vector<16xi32>, vector<16xi32>], vector<16xf32>,
        %mul3A_1179 = arith.mulf %gather3A_1178, %mul3A_1088 : vector<16xf32>
        %swap3A_1180 = arith.constant 10 : i32
        %swap3A_1181 = arith.index_cast %swap3A_1180 : i32 to index
        %swap3A_1182 = arith.index_cast %mul3A_1095 : i32 to index
        %swap3A_1183 = tpu.vector_load %arg8[%swap3A_1181, %swap3A_1182] {strides = array<i32>} : memref<64x128xf32, #tpu.memory_space<vmem>>, vector<16xf32>,
        tpu.vector_store %arg8[%swap3A_1181, %swap3A_1182], %mul3A_1179 {strides = array<i32>} : memref<64x128xf32, #tpu.memory_space<vmem>>, vector<16xf32>,
        %broadcast_in_dim3A_1184 = arith.constant 11 : i32
        %broadcast_in_dim3A_1185 = vector.broadcast %broadcast_in_dim3A_1184 : i32 to vector<16xi32>
        %gather3A_1186 = tpu.vector_load_idx %arg7[%add3A_737, %broadcast_in_dim3A_1185] : memref<32x65xf32, #tpu.memory_space<vmem>>[vector<16xi32>, vector<16xi32>], vector<16xf32>,
        %mul3A_1187 = arith.mulf %gather3A_1186, %mul3A_1088 : vector<16xf32>
        %swap3A_1188 = arith.constant 11 : i32
        %swap3A_1189 = arith.index_cast %swap3A_1188 : i32 to index
        %swap3A_1190 = arith.index_cast %mul3A_1095 : i32 to index
        %swap3A_1191 = tpu.vector_load %arg8[%swap3A_1189, %swap3A_1190] {strides = array<i32>} : memref<64x128xf32, #tpu.memory_space<vmem>>, vector<16xf32>,
        tpu.vector_store %arg8[%swap3A_1189, %swap3A_1190], %mul3A_1187 {strides = array<i32>} : memref<64x128xf32, #tpu.memory_space<vmem>>, vector<16xf32>,
        %broadcast_in_dim3A_1192 = arith.constant 12 : i32
        %broadcast_in_dim3A_1193 = vector.broadcast %broadcast_in_dim3A_1192 : i32 to vector<16xi32>
        %gather3A_1194 = tpu.vector_load_idx %arg7[%add3A_737, %broadcast_in_dim3A_1193] : memref<32x65xf32, #tpu.memory_space<vmem>>[vector<16xi32>, vector<16xi32>], vector<16xf32>,
        %mul3A_1195 = arith.mulf %gather3A_1194, %mul3A_1088 : vector<16xf32>
        %swap3A_1196 = arith.constant 12 : i32
        %swap3A_1197 = arith.index_cast %swap3A_1196 : i32 to index
        %swap3A_1198 = arith.index_cast %mul3A_1095 : i32 to index
        %swap3A_1199 = tpu.vector_load %arg8[%swap3A_1197, %swap3A_1198] {strides = array<i32>} : memref<64x128xf32, #tpu.memory_space<vmem>>, vector<16xf32>,
        tpu.vector_store %arg8[%swap3A_1197, %swap3A_1198], %mul3A_1195 {strides = array<i32>} : memref<64x128xf32, #tpu.memory_space<vmem>>, vector<16xf32>,
        %broadcast_in_dim3A_1200 = arith.constant 13 : i32
        %broadcast_in_dim3A_1201 = vector.broadcast %broadcast_in_dim3A_1200 : i32 to vector<16xi32>
        %gather3A_1202 = tpu.vector_load_idx %arg7[%add3A_737, %broadcast_in_dim3A_1201] : memref<32x65xf32, #tpu.memory_space<vmem>>[vector<16xi32>, vector<16xi32>], vector<16xf32>,
        %mul3A_1203 = arith.mulf %gather3A_1202, %mul3A_1088 : vector<16xf32>
        %swap3A_1204 = arith.constant 13 : i32
        %swap3A_1205 = arith.index_cast %swap3A_1204 : i32 to index
        %swap3A_1206 = arith.index_cast %mul3A_1095 : i32 to index
        %swap3A_1207 = tpu.vector_load %arg8[%swap3A_1205, %swap3A_1206] {strides = array<i32>} : memref<64x128xf32, #tpu.memory_space<vmem>>, vector<16xf32>,
        tpu.vector_store %arg8[%swap3A_1205, %swap3A_1206], %mul3A_1203 {strides = array<i32>} : memref<64x128xf32, #tpu.memory_space<vmem>>, vector<16xf32>,
        %broadcast_in_dim3A_1208 = arith.constant 14 : i32
        %broadcast_in_dim3A_1209 = vector.broadcast %broadcast_in_dim3A_1208 : i32 to vector<16xi32>
        %gather3A_1210 = tpu.vector_load_idx %arg7[%add3A_737, %broadcast_in_dim3A_1209] : memref<32x65xf32, #tpu.memory_space<vmem>>[vector<16xi32>, vector<16xi32>], vector<16xf32>,
        %mul3A_1211 = arith.mulf %gather3A_1210, %mul3A_1088 : vector<16xf32>
        %swap3A_1212 = arith.constant 14 : i32
        %swap3A_1213 = arith.index_cast %swap3A_1212 : i32 to index
        %swap3A_1214 = arith.index_cast %mul3A_1095 : i32 to index
        %swap3A_1215 = tpu.vector_load %arg8[%swap3A_1213, %swap3A_1214] {strides = array<i32>} : memref<64x128xf32, #tpu.memory_space<vmem>>, vector<16xf32>,
        tpu.vector_store %arg8[%swap3A_1213, %swap3A_1214], %mul3A_1211 {strides = array<i32>} : memref<64x128xf32, #tpu.memory_space<vmem>>, vector<16xf32>,
        %broadcast_in_dim3A_1216 = arith.constant 15 : i32
        %broadcast_in_dim3A_1217 = vector.broadcast %broadcast_in_dim3A_1216 : i32 to vector<16xi32>
        %gather3A_1218 = tpu.vector_load_idx %arg7[%add3A_737, %broadcast_in_dim3A_1217] : memref<32x65xf32, #tpu.memory_space<vmem>>[vector<16xi32>, vector<16xi32>], vector<16xf32>,
        %mul3A_1219 = arith.mulf %gather3A_1218, %mul3A_1088 : vector<16xf32>
        %swap3A_1220 = arith.constant 15 : i32
        %swap3A_1221 = arith.index_cast %swap3A_1220 : i32 to index
        %swap3A_1222 = arith.index_cast %mul3A_1095 : i32 to index
        %swap3A_1223 = tpu.vector_load %arg8[%swap3A_1221, %swap3A_1222] {strides = array<i32>} : memref<64x128xf32, #tpu.memory_space<vmem>>, vector<16xf32>,
        tpu.vector_store %arg8[%swap3A_1221, %swap3A_1222], %mul3A_1219 {strides = array<i32>} : memref<64x128xf32, #tpu.memory_space<vmem>>, vector<16xf32>,
        %broadcast_in_dim3A_1224 = arith.constant 16 : i32
        %broadcast_in_dim3A_1225 = vector.broadcast %broadcast_in_dim3A_1224 : i32 to vector<16xi32>
        %gather3A_1226 = tpu.vector_load_idx %arg7[%add3A_737, %broadcast_in_dim3A_1225] : memref<32x65xf32, #tpu.memory_space<vmem>>[vector<16xi32>, vector<16xi32>], vector<16xf32>,
        %mul3A_1227 = arith.mulf %gather3A_1226, %mul3A_1088 : vector<16xf32>
        %swap3A_1228 = arith.constant 16 : i32
        %swap3A_1229 = arith.index_cast %swap3A_1228 : i32 to index
        %swap3A_1230 = arith.index_cast %mul3A_1095 : i32 to index
        %swap3A_1231 = tpu.vector_load %arg8[%swap3A_1229, %swap3A_1230] {strides = array<i32>} : memref<64x128xf32, #tpu.memory_space<vmem>>, vector<16xf32>,
        tpu.vector_store %arg8[%swap3A_1229, %swap3A_1230], %mul3A_1227 {strides = array<i32>} : memref<64x128xf32, #tpu.memory_space<vmem>>, vector<16xf32>,
        %broadcast_in_dim3A_1232 = arith.constant 17 : i32
        %broadcast_in_dim3A_1233 = vector.broadcast %broadcast_in_dim3A_1232 : i32 to vector<16xi32>
        %gather3A_1234 = tpu.vector_load_idx %arg7[%add3A_737, %broadcast_in_dim3A_1233] : memref<32x65xf32, #tpu.memory_space<vmem>>[vector<16xi32>, vector<16xi32>], vector<16xf32>,
        %mul3A_1235 = arith.mulf %gather3A_1234, %mul3A_1088 : vector<16xf32>
        %swap3A_1236 = arith.constant 17 : i32
        %swap3A_1237 = arith.index_cast %swap3A_1236 : i32 to index
        %swap3A_1238 = arith.index_cast %mul3A_1095 : i32 to index
        %swap3A_1239 = tpu.vector_load %arg8[%swap3A_1237, %swap3A_1238] {strides = array<i32>} : memref<64x128xf32, #tpu.memory_space<vmem>>, vector<16xf32>,
        tpu.vector_store %arg8[%swap3A_1237, %swap3A_1238], %mul3A_1235 {strides = array<i32>} : memref<64x128xf32, #tpu.memory_space<vmem>>, vector<16xf32>,
        %broadcast_in_dim3A_1240 = arith.constant 18 : i32
        %broadcast_in_dim3A_1241 = vector.broadcast %broadcast_in_dim3A_1240 : i32 to vector<16xi32>
        %gather3A_1242 = tpu.vector_load_idx %arg7[%add3A_737, %broadcast_in_dim3A_1241] : memref<32x65xf32, #tpu.memory_space<vmem>>[vector<16xi32>, vector<16xi32>], vector<16xf32>,
        %mul3A_1243 = arith.mulf %gather3A_1242, %mul3A_1088 : vector<16xf32>
        %swap3A_1244 = arith.constant 18 : i32
        %swap3A_1245 = arith.index_cast %swap3A_1244 : i32 to index
        %swap3A_1246 = arith.index_cast %mul3A_1095 : i32 to index
        %swap3A_1247 = tpu.vector_load %arg8[%swap3A_1245, %swap3A_1246] {strides = array<i32>} : memref<64x128xf32, #tpu.memory_space<vmem>>, vector<16xf32>,
        tpu.vector_store %arg8[%swap3A_1245, %swap3A_1246], %mul3A_1243 {strides = array<i32>} : memref<64x128xf32, #tpu.memory_space<vmem>>, vector<16xf32>,
        %broadcast_in_dim3A_1248 = arith.constant 19 : i32
        %broadcast_in_dim3A_1249 = vector.broadcast %broadcast_in_dim3A_1248 : i32 to vector<16xi32>
        %gather3A_1250 = tpu.vector_load_idx %arg7[%add3A_737, %broadcast_in_dim3A_1249] : memref<32x65xf32, #tpu.memory_space<vmem>>[vector<16xi32>, vector<16xi32>], vector<16xf32>,
        %mul3A_1251 = arith.mulf %gather3A_1250, %mul3A_1088 : vector<16xf32>
        %swap3A_1252 = arith.constant 19 : i32
        %swap3A_1253 = arith.index_cast %swap3A_1252 : i32 to index
        %swap3A_1254 = arith.index_cast %mul3A_1095 : i32 to index
        %swap3A_1255 = tpu.vector_load %arg8[%swap3A_1253, %swap3A_1254] {strides = array<i32>} : memref<64x128xf32, #tpu.memory_space<vmem>>, vector<16xf32>,
        tpu.vector_store %arg8[%swap3A_1253, %swap3A_1254], %mul3A_1251 {strides = array<i32>} : memref<64x128xf32, #tpu.memory_space<vmem>>, vector<16xf32>,
        %broadcast_in_dim3A_1256 = arith.constant 20 : i32
        %broadcast_in_dim3A_1257 = vector.broadcast %broadcast_in_dim3A_1256 : i32 to vector<16xi32>
        %gather3A_1258 = tpu.vector_load_idx %arg7[%add3A_737, %broadcast_in_dim3A_1257] : memref<32x65xf32, #tpu.memory_space<vmem>>[vector<16xi32>, vector<16xi32>], vector<16xf32>,
        %mul3A_1259 = arith.mulf %gather3A_1258, %mul3A_1088 : vector<16xf32>
        %swap3A_1260 = arith.constant 20 : i32
        %swap3A_1261 = arith.index_cast %swap3A_1260 : i32 to index
        %swap3A_1262 = arith.index_cast %mul3A_1095 : i32 to index
        %swap3A_1263 = tpu.vector_load %arg8[%swap3A_1261, %swap3A_1262] {strides = array<i32>} : memref<64x128xf32, #tpu.memory_space<vmem>>, vector<16xf32>,
        tpu.vector_store %arg8[%swap3A_1261, %swap3A_1262], %mul3A_1259 {strides = array<i32>} : memref<64x128xf32, #tpu.memory_space<vmem>>, vector<16xf32>,
        %broadcast_in_dim3A_1264 = arith.constant 21 : i32
        %broadcast_in_dim3A_1265 = vector.broadcast %broadcast_in_dim3A_1264 : i32 to vector<16xi32>
        %gather3A_1266 = tpu.vector_load_idx %arg7[%add3A_737, %broadcast_in_dim3A_1265] : memref<32x65xf32, #tpu.memory_space<vmem>>[vector<16xi32>, vector<16xi32>], vector<16xf32>,
        %mul3A_1267 = arith.mulf %gather3A_1266, %mul3A_1088 : vector<16xf32>
        %swap3A_1268 = arith.constant 21 : i32
        %swap3A_1269 = arith.index_cast %swap3A_1268 : i32 to index
        %swap3A_1270 = arith.index_cast %mul3A_1095 : i32 to index
        %swap3A_1271 = tpu.vector_load %arg8[%swap3A_1269, %swap3A_1270] {strides = array<i32>} : memref<64x128xf32, #tpu.memory_space<vmem>>, vector<16xf32>,
        tpu.vector_store %arg8[%swap3A_1269, %swap3A_1270], %mul3A_1267 {strides = array<i32>} : memref<64x128xf32, #tpu.memory_space<vmem>>, vector<16xf32>,
        %broadcast_in_dim3A_1272 = arith.constant 22 : i32
        %broadcast_in_dim3A_1273 = vector.broadcast %broadcast_in_dim3A_1272 : i32 to vector<16xi32>
        %gather3A_1274 = tpu.vector_load_idx %arg7[%add3A_737, %broadcast_in_dim3A_1273] : memref<32x65xf32, #tpu.memory_space<vmem>>[vector<16xi32>, vector<16xi32>], vector<16xf32>,
        %mul3A_1275 = arith.mulf %gather3A_1274, %mul3A_1088 : vector<16xf32>
        %swap3A_1276 = arith.constant 22 : i32
        %swap3A_1277 = arith.index_cast %swap3A_1276 : i32 to index
        %swap3A_1278 = arith.index_cast %mul3A_1095 : i32 to index
        %swap3A_1279 = tpu.vector_load %arg8[%swap3A_1277, %swap3A_1278] {strides = array<i32>} : memref<64x128xf32, #tpu.memory_space<vmem>>, vector<16xf32>,
        tpu.vector_store %arg8[%swap3A_1277, %swap3A_1278], %mul3A_1275 {strides = array<i32>} : memref<64x128xf32, #tpu.memory_space<vmem>>, vector<16xf32>,
        %broadcast_in_dim3A_1280 = arith.constant 23 : i32
        %broadcast_in_dim3A_1281 = vector.broadcast %broadcast_in_dim3A_1280 : i32 to vector<16xi32>
        %gather3A_1282 = tpu.vector_load_idx %arg7[%add3A_737, %broadcast_in_dim3A_1281] : memref<32x65xf32, #tpu.memory_space<vmem>>[vector<16xi32>, vector<16xi32>], vector<16xf32>,
        %mul3A_1283 = arith.mulf %gather3A_1282, %mul3A_1088 : vector<16xf32>
        %swap3A_1284 = arith.constant 23 : i32
        %swap3A_1285 = arith.index_cast %swap3A_1284 : i32 to index
        %swap3A_1286 = arith.index_cast %mul3A_1095 : i32 to index
        %swap3A_1287 = tpu.vector_load %arg8[%swap3A_1285, %swap3A_1286] {strides = array<i32>} : memref<64x128xf32, #tpu.memory_space<vmem>>, vector<16xf32>,
        tpu.vector_store %arg8[%swap3A_1285, %swap3A_1286], %mul3A_1283 {strides = array<i32>} : memref<64x128xf32, #tpu.memory_space<vmem>>, vector<16xf32>,
        %broadcast_in_dim3A_1288 = arith.constant 24 : i32
        %broadcast_in_dim3A_1289 = vector.broadcast %broadcast_in_dim3A_1288 : i32 to vector<16xi32>
        %gather3A_1290 = tpu.vector_load_idx %arg7[%add3A_737, %broadcast_in_dim3A_1289] : memref<32x65xf32, #tpu.memory_space<vmem>>[vector<16xi32>, vector<16xi32>], vector<16xf32>,
        %mul3A_1291 = arith.mulf %gather3A_1290, %mul3A_1088 : vector<16xf32>
        %swap3A_1292 = arith.constant 24 : i32
        %swap3A_1293 = arith.index_cast %swap3A_1292 : i32 to index
        %swap3A_1294 = arith.index_cast %mul3A_1095 : i32 to index
        %swap3A_1295 = tpu.vector_load %arg8[%swap3A_1293, %swap3A_1294] {strides = array<i32>} : memref<64x128xf32, #tpu.memory_space<vmem>>, vector<16xf32>,
        tpu.vector_store %arg8[%swap3A_1293, %swap3A_1294], %mul3A_1291 {strides = array<i32>} : memref<64x128xf32, #tpu.memory_space<vmem>>, vector<16xf32>,
        %broadcast_in_dim3A_1296 = arith.constant 25 : i32
        %broadcast_in_dim3A_1297 = vector.broadcast %broadcast_in_dim3A_1296 : i32 to vector<16xi32>
        %gather3A_1298 = tpu.vector_load_idx %arg7[%add3A_737, %broadcast_in_dim3A_1297] : memref<32x65xf32, #tpu.memory_space<vmem>>[vector<16xi32>, vector<16xi32>], vector<16xf32>,
        %mul3A_1299 = arith.mulf %gather3A_1298, %mul3A_1088 : vector<16xf32>
        %swap3A_1300 = arith.constant 25 : i32
        %swap3A_1301 = arith.index_cast %swap3A_1300 : i32 to index
        %swap3A_1302 = arith.index_cast %mul3A_1095 : i32 to index
        %swap3A_1303 = tpu.vector_load %arg8[%swap3A_1301, %swap3A_1302] {strides = array<i32>} : memref<64x128xf32, #tpu.memory_space<vmem>>, vector<16xf32>,
        tpu.vector_store %arg8[%swap3A_1301, %swap3A_1302], %mul3A_1299 {strides = array<i32>} : memref<64x128xf32, #tpu.memory_space<vmem>>, vector<16xf32>,
        %broadcast_in_dim3A_1304 = arith.constant 26 : i32
        %broadcast_in_dim3A_1305 = vector.broadcast %broadcast_in_dim3A_1304 : i32 to vector<16xi32>
        %gather3A_1306 = tpu.vector_load_idx %arg7[%add3A_737, %broadcast_in_dim3A_1305] : memref<32x65xf32, #tpu.memory_space<vmem>>[vector<16xi32>, vector<16xi32>], vector<16xf32>,
        %mul3A_1307 = arith.mulf %gather3A_1306, %mul3A_1088 : vector<16xf32>
        %swap3A_1308 = arith.constant 26 : i32
        %swap3A_1309 = arith.index_cast %swap3A_1308 : i32 to index
        %swap3A_1310 = arith.index_cast %mul3A_1095 : i32 to index
        %swap3A_1311 = tpu.vector_load %arg8[%swap3A_1309, %swap3A_1310] {strides = array<i32>} : memref<64x128xf32, #tpu.memory_space<vmem>>, vector<16xf32>,
        tpu.vector_store %arg8[%swap3A_1309, %swap3A_1310], %mul3A_1307 {strides = array<i32>} : memref<64x128xf32, #tpu.memory_space<vmem>>, vector<16xf32>,
        %broadcast_in_dim3A_1312 = arith.constant 27 : i32
        %broadcast_in_dim3A_1313 = vector.broadcast %broadcast_in_dim3A_1312 : i32 to vector<16xi32>
        %gather3A_1314 = tpu.vector_load_idx %arg7[%add3A_737, %broadcast_in_dim3A_1313] : memref<32x65xf32, #tpu.memory_space<vmem>>[vector<16xi32>, vector<16xi32>], vector<16xf32>,
        %mul3A_1315 = arith.mulf %gather3A_1314, %mul3A_1088 : vector<16xf32>
        %swap3A_1316 = arith.constant 27 : i32
        %swap3A_1317 = arith.index_cast %swap3A_1316 : i32 to index
        %swap3A_1318 = arith.index_cast %mul3A_1095 : i32 to index
        %swap3A_1319 = tpu.vector_load %arg8[%swap3A_1317, %swap3A_1318] {strides = array<i32>} : memref<64x128xf32, #tpu.memory_space<vmem>>, vector<16xf32>,
        tpu.vector_store %arg8[%swap3A_1317, %swap3A_1318], %mul3A_1315 {strides = array<i32>} : memref<64x128xf32, #tpu.memory_space<vmem>>, vector<16xf32>,
        %broadcast_in_dim3A_1320 = arith.constant 28 : i32
        %broadcast_in_dim3A_1321 = vector.broadcast %broadcast_in_dim3A_1320 : i32 to vector<16xi32>
        %gather3A_1322 = tpu.vector_load_idx %arg7[%add3A_737, %broadcast_in_dim3A_1321] : memref<32x65xf32, #tpu.memory_space<vmem>>[vector<16xi32>, vector<16xi32>], vector<16xf32>,
        %mul3A_1323 = arith.mulf %gather3A_1322, %mul3A_1088 : vector<16xf32>
        %swap3A_1324 = arith.constant 28 : i32
        %swap3A_1325 = arith.index_cast %swap3A_1324 : i32 to index
        %swap3A_1326 = arith.index_cast %mul3A_1095 : i32 to index
        %swap3A_1327 = tpu.vector_load %arg8[%swap3A_1325, %swap3A_1326] {strides = array<i32>} : memref<64x128xf32, #tpu.memory_space<vmem>>, vector<16xf32>,
        tpu.vector_store %arg8[%swap3A_1325, %swap3A_1326], %mul3A_1323 {strides = array<i32>} : memref<64x128xf32, #tpu.memory_space<vmem>>, vector<16xf32>,
        %broadcast_in_dim3A_1328 = arith.constant 29 : i32
        %broadcast_in_dim3A_1329 = vector.broadcast %broadcast_in_dim3A_1328 : i32 to vector<16xi32>
        %gather3A_1330 = tpu.vector_load_idx %arg7[%add3A_737, %broadcast_in_dim3A_1329] : memref<32x65xf32, #tpu.memory_space<vmem>>[vector<16xi32>, vector<16xi32>], vector<16xf32>,
        %mul3A_1331 = arith.mulf %gather3A_1330, %mul3A_1088 : vector<16xf32>
        %swap3A_1332 = arith.constant 29 : i32
        %swap3A_1333 = arith.index_cast %swap3A_1332 : i32 to index
        %swap3A_1334 = arith.index_cast %mul3A_1095 : i32 to index
        %swap3A_1335 = tpu.vector_load %arg8[%swap3A_1333, %swap3A_1334] {strides = array<i32>} : memref<64x128xf32, #tpu.memory_space<vmem>>, vector<16xf32>,
        tpu.vector_store %arg8[%swap3A_1333, %swap3A_1334], %mul3A_1331 {strides = array<i32>} : memref<64x128xf32, #tpu.memory_space<vmem>>, vector<16xf32>,
        %broadcast_in_dim3A_1336 = arith.constant 30 : i32
        %broadcast_in_dim3A_1337 = vector.broadcast %broadcast_in_dim3A_1336 : i32 to vector<16xi32>
        %gather3A_1338 = tpu.vector_load_idx %arg7[%add3A_737, %broadcast_in_dim3A_1337] : memref<32x65xf32, #tpu.memory_space<vmem>>[vector<16xi32>, vector<16xi32>], vector<16xf32>,
        %mul3A_1339 = arith.mulf %gather3A_1338, %mul3A_1088 : vector<16xf32>
        %swap3A_1340 = arith.constant 30 : i32
        %swap3A_1341 = arith.index_cast %swap3A_1340 : i32 to index
        %swap3A_1342 = arith.index_cast %mul3A_1095 : i32 to index
        %swap3A_1343 = tpu.vector_load %arg8[%swap3A_1341, %swap3A_1342] {strides = array<i32>} : memref<64x128xf32, #tpu.memory_space<vmem>>, vector<16xf32>,
        tpu.vector_store %arg8[%swap3A_1341, %swap3A_1342], %mul3A_1339 {strides = array<i32>} : memref<64x128xf32, #tpu.memory_space<vmem>>, vector<16xf32>,
        %broadcast_in_dim3A_1344 = arith.constant 31 : i32
        %broadcast_in_dim3A_1345 = vector.broadcast %broadcast_in_dim3A_1344 : i32 to vector<16xi32>
        %gather3A_1346 = tpu.vector_load_idx %arg7[%add3A_737, %broadcast_in_dim3A_1345] : memref<32x65xf32, #tpu.memory_space<vmem>>[vector<16xi32>, vector<16xi32>], vector<16xf32>,
        %mul3A_1347 = arith.mulf %gather3A_1346, %mul3A_1088 : vector<16xf32>
        %swap3A_1348 = arith.constant 31 : i32
        %swap3A_1349 = arith.index_cast %swap3A_1348 : i32 to index
        %swap3A_1350 = arith.index_cast %mul3A_1095 : i32 to index
        %swap3A_1351 = tpu.vector_load %arg8[%swap3A_1349, %swap3A_1350] {strides = array<i32>} : memref<64x128xf32, #tpu.memory_space<vmem>>, vector<16xf32>,
        tpu.vector_store %arg8[%swap3A_1349, %swap3A_1350], %mul3A_1347 {strides = array<i32>} : memref<64x128xf32, #tpu.memory_space<vmem>>, vector<16xf32>,
        %broadcast_in_dim3A_1352 = arith.constant 32 : i32
        %broadcast_in_dim3A_1353 = vector.broadcast %broadcast_in_dim3A_1352 : i32 to vector<16xi32>
        %gather3A_1354 = tpu.vector_load_idx %arg7[%add3A_737, %broadcast_in_dim3A_1353] : memref<32x65xf32, #tpu.memory_space<vmem>>[vector<16xi32>, vector<16xi32>], vector<16xf32>,
        %mul3A_1355 = arith.mulf %gather3A_1354, %mul3A_1088 : vector<16xf32>
        %swap3A_1356 = arith.constant 32 : i32
        %swap3A_1357 = arith.index_cast %swap3A_1356 : i32 to index
        %swap3A_1358 = arith.index_cast %mul3A_1095 : i32 to index
        %swap3A_1359 = tpu.vector_load %arg8[%swap3A_1357, %swap3A_1358] {strides = array<i32>} : memref<64x128xf32, #tpu.memory_space<vmem>>, vector<16xf32>,
        tpu.vector_store %arg8[%swap3A_1357, %swap3A_1358], %mul3A_1355 {strides = array<i32>} : memref<64x128xf32, #tpu.memory_space<vmem>>, vector<16xf32>,
        %broadcast_in_dim3A_1360 = arith.constant 33 : i32
        %broadcast_in_dim3A_1361 = vector.broadcast %broadcast_in_dim3A_1360 : i32 to vector<16xi32>
        %gather3A_1362 = tpu.vector_load_idx %arg7[%add3A_737, %broadcast_in_dim3A_1361] : memref<32x65xf32, #tpu.memory_space<vmem>>[vector<16xi32>, vector<16xi32>], vector<16xf32>,
        %mul3A_1363 = arith.mulf %gather3A_1362, %mul3A_1088 : vector<16xf32>
        %swap3A_1364 = arith.constant 33 : i32
        %swap3A_1365 = arith.index_cast %swap3A_1364 : i32 to index
        %swap3A_1366 = arith.index_cast %mul3A_1095 : i32 to index
        %swap3A_1367 = tpu.vector_load %arg8[%swap3A_1365, %swap3A_1366] {strides = array<i32>} : memref<64x128xf32, #tpu.memory_space<vmem>>, vector<16xf32>,
        tpu.vector_store %arg8[%swap3A_1365, %swap3A_1366], %mul3A_1363 {strides = array<i32>} : memref<64x128xf32, #tpu.memory_space<vmem>>, vector<16xf32>,
        %broadcast_in_dim3A_1368 = arith.constant 34 : i32
        %broadcast_in_dim3A_1369 = vector.broadcast %broadcast_in_dim3A_1368 : i32 to vector<16xi32>
        %gather3A_1370 = tpu.vector_load_idx %arg7[%add3A_737, %broadcast_in_dim3A_1369] : memref<32x65xf32, #tpu.memory_space<vmem>>[vector<16xi32>, vector<16xi32>], vector<16xf32>,
        %mul3A_1371 = arith.mulf %gather3A_1370, %mul3A_1088 : vector<16xf32>
        %swap3A_1372 = arith.constant 34 : i32
        %swap3A_1373 = arith.index_cast %swap3A_1372 : i32 to index
        %swap3A_1374 = arith.index_cast %mul3A_1095 : i32 to index
        %swap3A_1375 = tpu.vector_load %arg8[%swap3A_1373, %swap3A_1374] {strides = array<i32>} : memref<64x128xf32, #tpu.memory_space<vmem>>, vector<16xf32>,
        tpu.vector_store %arg8[%swap3A_1373, %swap3A_1374], %mul3A_1371 {strides = array<i32>} : memref<64x128xf32, #tpu.memory_space<vmem>>, vector<16xf32>,
        %broadcast_in_dim3A_1376 = arith.constant 35 : i32
        %broadcast_in_dim3A_1377 = vector.broadcast %broadcast_in_dim3A_1376 : i32 to vector<16xi32>
        %gather3A_1378 = tpu.vector_load_idx %arg7[%add3A_737, %broadcast_in_dim3A_1377] : memref<32x65xf32, #tpu.memory_space<vmem>>[vector<16xi32>, vector<16xi32>], vector<16xf32>,
        %mul3A_1379 = arith.mulf %gather3A_1378, %mul3A_1088 : vector<16xf32>
        %swap3A_1380 = arith.constant 35 : i32
        %swap3A_1381 = arith.index_cast %swap3A_1380 : i32 to index
        %swap3A_1382 = arith.index_cast %mul3A_1095 : i32 to index
        %swap3A_1383 = tpu.vector_load %arg8[%swap3A_1381, %swap3A_1382] {strides = array<i32>} : memref<64x128xf32, #tpu.memory_space<vmem>>, vector<16xf32>,
        tpu.vector_store %arg8[%swap3A_1381, %swap3A_1382], %mul3A_1379 {strides = array<i32>} : memref<64x128xf32, #tpu.memory_space<vmem>>, vector<16xf32>,
        %broadcast_in_dim3A_1384 = arith.constant 36 : i32
        %broadcast_in_dim3A_1385 = vector.broadcast %broadcast_in_dim3A_1384 : i32 to vector<16xi32>
        %gather3A_1386 = tpu.vector_load_idx %arg7[%add3A_737, %broadcast_in_dim3A_1385] : memref<32x65xf32, #tpu.memory_space<vmem>>[vector<16xi32>, vector<16xi32>], vector<16xf32>,
        %mul3A_1387 = arith.mulf %gather3A_1386, %mul3A_1088 : vector<16xf32>
        %swap3A_1388 = arith.constant 36 : i32
        %swap3A_1389 = arith.index_cast %swap3A_1388 : i32 to index
        %swap3A_1390 = arith.index_cast %mul3A_1095 : i32 to index
        %swap3A_1391 = tpu.vector_load %arg8[%swap3A_1389, %swap3A_1390] {strides = array<i32>} : memref<64x128xf32, #tpu.memory_space<vmem>>, vector<16xf32>,
        tpu.vector_store %arg8[%swap3A_1389, %swap3A_1390], %mul3A_1387 {strides = array<i32>} : memref<64x128xf32, #tpu.memory_space<vmem>>, vector<16xf32>,
        %broadcast_in_dim3A_1392 = arith.constant 37 : i32
        %broadcast_in_dim3A_1393 = vector.broadcast %broadcast_in_dim3A_1392 : i32 to vector<16xi32>
        %gather3A_1394 = tpu.vector_load_idx %arg7[%add3A_737, %broadcast_in_dim3A_1393] : memref<32x65xf32, #tpu.memory_space<vmem>>[vector<16xi32>, vector<16xi32>], vector<16xf32>,
        %mul3A_1395 = arith.mulf %gather3A_1394, %mul3A_1088 : vector<16xf32>
        %swap3A_1396 = arith.constant 37 : i32
        %swap3A_1397 = arith.index_cast %swap3A_1396 : i32 to index
        %swap3A_1398 = arith.index_cast %mul3A_1095 : i32 to index
        %swap3A_1399 = tpu.vector_load %arg8[%swap3A_1397, %swap3A_1398] {strides = array<i32>} : memref<64x128xf32, #tpu.memory_space<vmem>>, vector<16xf32>,
        tpu.vector_store %arg8[%swap3A_1397, %swap3A_1398], %mul3A_1395 {strides = array<i32>} : memref<64x128xf32, #tpu.memory_space<vmem>>, vector<16xf32>,
        %broadcast_in_dim3A_1400 = arith.constant 38 : i32
        %broadcast_in_dim3A_1401 = vector.broadcast %broadcast_in_dim3A_1400 : i32 to vector<16xi32>
        %gather3A_1402 = tpu.vector_load_idx %arg7[%add3A_737, %broadcast_in_dim3A_1401] : memref<32x65xf32, #tpu.memory_space<vmem>>[vector<16xi32>, vector<16xi32>], vector<16xf32>,
        %mul3A_1403 = arith.mulf %gather3A_1402, %mul3A_1088 : vector<16xf32>
        %swap3A_1404 = arith.constant 38 : i32
        %swap3A_1405 = arith.index_cast %swap3A_1404 : i32 to index
        %swap3A_1406 = arith.index_cast %mul3A_1095 : i32 to index
        %swap3A_1407 = tpu.vector_load %arg8[%swap3A_1405, %swap3A_1406] {strides = array<i32>} : memref<64x128xf32, #tpu.memory_space<vmem>>, vector<16xf32>,
        tpu.vector_store %arg8[%swap3A_1405, %swap3A_1406], %mul3A_1403 {strides = array<i32>} : memref<64x128xf32, #tpu.memory_space<vmem>>, vector<16xf32>,
        %broadcast_in_dim3A_1408 = arith.constant 39 : i32
        %broadcast_in_dim3A_1409 = vector.broadcast %broadcast_in_dim3A_1408 : i32 to vector<16xi32>
        %gather3A_1410 = tpu.vector_load_idx %arg7[%add3A_737, %broadcast_in_dim3A_1409] : memref<32x65xf32, #tpu.memory_space<vmem>>[vector<16xi32>, vector<16xi32>], vector<16xf32>,
        %mul3A_1411 = arith.mulf %gather3A_1410, %mul3A_1088 : vector<16xf32>
        %swap3A_1412 = arith.constant 39 : i32
        %swap3A_1413 = arith.index_cast %swap3A_1412 : i32 to index
        %swap3A_1414 = arith.index_cast %mul3A_1095 : i32 to index
        %swap3A_1415 = tpu.vector_load %arg8[%swap3A_1413, %swap3A_1414] {strides = array<i32>} : memref<64x128xf32, #tpu.memory_space<vmem>>, vector<16xf32>,
        tpu.vector_store %arg8[%swap3A_1413, %swap3A_1414], %mul3A_1411 {strides = array<i32>} : memref<64x128xf32, #tpu.memory_space<vmem>>, vector<16xf32>,
        %broadcast_in_dim3A_1416 = arith.constant 40 : i32
        %broadcast_in_dim3A_1417 = vector.broadcast %broadcast_in_dim3A_1416 : i32 to vector<16xi32>
        %gather3A_1418 = tpu.vector_load_idx %arg7[%add3A_737, %broadcast_in_dim3A_1417] : memref<32x65xf32, #tpu.memory_space<vmem>>[vector<16xi32>, vector<16xi32>], vector<16xf32>,
        %mul3A_1419 = arith.mulf %gather3A_1418, %mul3A_1088 : vector<16xf32>
        %swap3A_1420 = arith.constant 40 : i32
        %swap3A_1421 = arith.index_cast %swap3A_1420 : i32 to index
        %swap3A_1422 = arith.index_cast %mul3A_1095 : i32 to index
        %swap3A_1423 = tpu.vector_load %arg8[%swap3A_1421, %swap3A_1422] {strides = array<i32>} : memref<64x128xf32, #tpu.memory_space<vmem>>, vector<16xf32>,
        tpu.vector_store %arg8[%swap3A_1421, %swap3A_1422], %mul3A_1419 {strides = array<i32>} : memref<64x128xf32, #tpu.memory_space<vmem>>, vector<16xf32>,
        %broadcast_in_dim3A_1424 = arith.constant 41 : i32
        %broadcast_in_dim3A_1425 = vector.broadcast %broadcast_in_dim3A_1424 : i32 to vector<16xi32>
        %gather3A_1426 = tpu.vector_load_idx %arg7[%add3A_737, %broadcast_in_dim3A_1425] : memref<32x65xf32, #tpu.memory_space<vmem>>[vector<16xi32>, vector<16xi32>], vector<16xf32>,
        %mul3A_1427 = arith.mulf %gather3A_1426, %mul3A_1088 : vector<16xf32>
        %swap3A_1428 = arith.constant 41 : i32
        %swap3A_1429 = arith.index_cast %swap3A_1428 : i32 to index
        %swap3A_1430 = arith.index_cast %mul3A_1095 : i32 to index
        %swap3A_1431 = tpu.vector_load %arg8[%swap3A_1429, %swap3A_1430] {strides = array<i32>} : memref<64x128xf32, #tpu.memory_space<vmem>>, vector<16xf32>,
        tpu.vector_store %arg8[%swap3A_1429, %swap3A_1430], %mul3A_1427 {strides = array<i32>} : memref<64x128xf32, #tpu.memory_space<vmem>>, vector<16xf32>,
        %broadcast_in_dim3A_1432 = arith.constant 42 : i32
        %broadcast_in_dim3A_1433 = vector.broadcast %broadcast_in_dim3A_1432 : i32 to vector<16xi32>
        %gather3A_1434 = tpu.vector_load_idx %arg7[%add3A_737, %broadcast_in_dim3A_1433] : memref<32x65xf32, #tpu.memory_space<vmem>>[vector<16xi32>, vector<16xi32>], vector<16xf32>,
        %mul3A_1435 = arith.mulf %gather3A_1434, %mul3A_1088 : vector<16xf32>
        %swap3A_1436 = arith.constant 42 : i32
        %swap3A_1437 = arith.index_cast %swap3A_1436 : i32 to index
        %swap3A_1438 = arith.index_cast %mul3A_1095 : i32 to index
        %swap3A_1439 = tpu.vector_load %arg8[%swap3A_1437, %swap3A_1438] {strides = array<i32>} : memref<64x128xf32, #tpu.memory_space<vmem>>, vector<16xf32>,
        tpu.vector_store %arg8[%swap3A_1437, %swap3A_1438], %mul3A_1435 {strides = array<i32>} : memref<64x128xf32, #tpu.memory_space<vmem>>, vector<16xf32>,
        %broadcast_in_dim3A_1440 = arith.constant 43 : i32
        %broadcast_in_dim3A_1441 = vector.broadcast %broadcast_in_dim3A_1440 : i32 to vector<16xi32>
        %gather3A_1442 = tpu.vector_load_idx %arg7[%add3A_737, %broadcast_in_dim3A_1441] : memref<32x65xf32, #tpu.memory_space<vmem>>[vector<16xi32>, vector<16xi32>], vector<16xf32>,
        %mul3A_1443 = arith.mulf %gather3A_1442, %mul3A_1088 : vector<16xf32>
        %swap3A_1444 = arith.constant 43 : i32
        %swap3A_1445 = arith.index_cast %swap3A_1444 : i32 to index
        %swap3A_1446 = arith.index_cast %mul3A_1095 : i32 to index
        %swap3A_1447 = tpu.vector_load %arg8[%swap3A_1445, %swap3A_1446] {strides = array<i32>} : memref<64x128xf32, #tpu.memory_space<vmem>>, vector<16xf32>,
        tpu.vector_store %arg8[%swap3A_1445, %swap3A_1446], %mul3A_1443 {strides = array<i32>} : memref<64x128xf32, #tpu.memory_space<vmem>>, vector<16xf32>,
        %broadcast_in_dim3A_1448 = arith.constant 44 : i32
        %broadcast_in_dim3A_1449 = vector.broadcast %broadcast_in_dim3A_1448 : i32 to vector<16xi32>
        %gather3A_1450 = tpu.vector_load_idx %arg7[%add3A_737, %broadcast_in_dim3A_1449] : memref<32x65xf32, #tpu.memory_space<vmem>>[vector<16xi32>, vector<16xi32>], vector<16xf32>,
        %mul3A_1451 = arith.mulf %gather3A_1450, %mul3A_1088 : vector<16xf32>
        %swap3A_1452 = arith.constant 44 : i32
        %swap3A_1453 = arith.index_cast %swap3A_1452 : i32 to index
        %swap3A_1454 = arith.index_cast %mul3A_1095 : i32 to index
        %swap3A_1455 = tpu.vector_load %arg8[%swap3A_1453, %swap3A_1454] {strides = array<i32>} : memref<64x128xf32, #tpu.memory_space<vmem>>, vector<16xf32>,
        tpu.vector_store %arg8[%swap3A_1453, %swap3A_1454], %mul3A_1451 {strides = array<i32>} : memref<64x128xf32, #tpu.memory_space<vmem>>, vector<16xf32>,
        %broadcast_in_dim3A_1456 = arith.constant 45 : i32
        %broadcast_in_dim3A_1457 = vector.broadcast %broadcast_in_dim3A_1456 : i32 to vector<16xi32>
        %gather3A_1458 = tpu.vector_load_idx %arg7[%add3A_737, %broadcast_in_dim3A_1457] : memref<32x65xf32, #tpu.memory_space<vmem>>[vector<16xi32>, vector<16xi32>], vector<16xf32>,
        %mul3A_1459 = arith.mulf %gather3A_1458, %mul3A_1088 : vector<16xf32>
        %swap3A_1460 = arith.constant 45 : i32
        %swap3A_1461 = arith.index_cast %swap3A_1460 : i32 to index
        %swap3A_1462 = arith.index_cast %mul3A_1095 : i32 to index
        %swap3A_1463 = tpu.vector_load %arg8[%swap3A_1461, %swap3A_1462] {strides = array<i32>} : memref<64x128xf32, #tpu.memory_space<vmem>>, vector<16xf32>,
        tpu.vector_store %arg8[%swap3A_1461, %swap3A_1462], %mul3A_1459 {strides = array<i32>} : memref<64x128xf32, #tpu.memory_space<vmem>>, vector<16xf32>,
        %broadcast_in_dim3A_1464 = arith.constant 46 : i32
        %broadcast_in_dim3A_1465 = vector.broadcast %broadcast_in_dim3A_1464 : i32 to vector<16xi32>
        %gather3A_1466 = tpu.vector_load_idx %arg7[%add3A_737, %broadcast_in_dim3A_1465] : memref<32x65xf32, #tpu.memory_space<vmem>>[vector<16xi32>, vector<16xi32>], vector<16xf32>,
        %mul3A_1467 = arith.mulf %gather3A_1466, %mul3A_1088 : vector<16xf32>
        %swap3A_1468 = arith.constant 46 : i32
        %swap3A_1469 = arith.index_cast %swap3A_1468 : i32 to index
        %swap3A_1470 = arith.index_cast %mul3A_1095 : i32 to index
        %swap3A_1471 = tpu.vector_load %arg8[%swap3A_1469, %swap3A_1470] {strides = array<i32>} : memref<64x128xf32, #tpu.memory_space<vmem>>, vector<16xf32>,
        tpu.vector_store %arg8[%swap3A_1469, %swap3A_1470], %mul3A_1467 {strides = array<i32>} : memref<64x128xf32, #tpu.memory_space<vmem>>, vector<16xf32>,
        %broadcast_in_dim3A_1472 = arith.constant 47 : i32
        %broadcast_in_dim3A_1473 = vector.broadcast %broadcast_in_dim3A_1472 : i32 to vector<16xi32>
        %gather3A_1474 = tpu.vector_load_idx %arg7[%add3A_737, %broadcast_in_dim3A_1473] : memref<32x65xf32, #tpu.memory_space<vmem>>[vector<16xi32>, vector<16xi32>], vector<16xf32>,
        %mul3A_1475 = arith.mulf %gather3A_1474, %mul3A_1088 : vector<16xf32>
        %swap3A_1476 = arith.constant 47 : i32
        %swap3A_1477 = arith.index_cast %swap3A_1476 : i32 to index
        %swap3A_1478 = arith.index_cast %mul3A_1095 : i32 to index
        %swap3A_1479 = tpu.vector_load %arg8[%swap3A_1477, %swap3A_1478] {strides = array<i32>} : memref<64x128xf32, #tpu.memory_space<vmem>>, vector<16xf32>,
        tpu.vector_store %arg8[%swap3A_1477, %swap3A_1478], %mul3A_1475 {strides = array<i32>} : memref<64x128xf32, #tpu.memory_space<vmem>>, vector<16xf32>,
        %broadcast_in_dim3A_1480 = arith.constant 48 : i32
        %broadcast_in_dim3A_1481 = vector.broadcast %broadcast_in_dim3A_1480 : i32 to vector<16xi32>
        %gather3A_1482 = tpu.vector_load_idx %arg7[%add3A_737, %broadcast_in_dim3A_1481] : memref<32x65xf32, #tpu.memory_space<vmem>>[vector<16xi32>, vector<16xi32>], vector<16xf32>,
        %mul3A_1483 = arith.mulf %gather3A_1482, %mul3A_1088 : vector<16xf32>
        %swap3A_1484 = arith.constant 48 : i32
        %swap3A_1485 = arith.index_cast %swap3A_1484 : i32 to index
        %swap3A_1486 = arith.index_cast %mul3A_1095 : i32 to index
        %swap3A_1487 = tpu.vector_load %arg8[%swap3A_1485, %swap3A_1486] {strides = array<i32>} : memref<64x128xf32, #tpu.memory_space<vmem>>, vector<16xf32>,
        tpu.vector_store %arg8[%swap3A_1485, %swap3A_1486], %mul3A_1483 {strides = array<i32>} : memref<64x128xf32, #tpu.memory_space<vmem>>, vector<16xf32>,
        %broadcast_in_dim3A_1488 = arith.constant 49 : i32
        %broadcast_in_dim3A_1489 = vector.broadcast %broadcast_in_dim3A_1488 : i32 to vector<16xi32>
        %gather3A_1490 = tpu.vector_load_idx %arg7[%add3A_737, %broadcast_in_dim3A_1489] : memref<32x65xf32, #tpu.memory_space<vmem>>[vector<16xi32>, vector<16xi32>], vector<16xf32>,
        %mul3A_1491 = arith.mulf %gather3A_1490, %mul3A_1088 : vector<16xf32>
        %swap3A_1492 = arith.constant 49 : i32
        %swap3A_1493 = arith.index_cast %swap3A_1492 : i32 to index
        %swap3A_1494 = arith.index_cast %mul3A_1095 : i32 to index
        %swap3A_1495 = tpu.vector_load %arg8[%swap3A_1493, %swap3A_1494] {strides = array<i32>} : memref<64x128xf32, #tpu.memory_space<vmem>>, vector<16xf32>,
        tpu.vector_store %arg8[%swap3A_1493, %swap3A_1494], %mul3A_1491 {strides = array<i32>} : memref<64x128xf32, #tpu.memory_space<vmem>>, vector<16xf32>,
        %broadcast_in_dim3A_1496 = arith.constant 50 : i32
        %broadcast_in_dim3A_1497 = vector.broadcast %broadcast_in_dim3A_1496 : i32 to vector<16xi32>
        %gather3A_1498 = tpu.vector_load_idx %arg7[%add3A_737, %broadcast_in_dim3A_1497] : memref<32x65xf32, #tpu.memory_space<vmem>>[vector<16xi32>, vector<16xi32>], vector<16xf32>,
        %mul3A_1499 = arith.mulf %gather3A_1498, %mul3A_1088 : vector<16xf32>
        %swap3A_1500 = arith.constant 50 : i32
        %swap3A_1501 = arith.index_cast %swap3A_1500 : i32 to index
        %swap3A_1502 = arith.index_cast %mul3A_1095 : i32 to index
        %swap3A_1503 = tpu.vector_load %arg8[%swap3A_1501, %swap3A_1502] {strides = array<i32>} : memref<64x128xf32, #tpu.memory_space<vmem>>, vector<16xf32>,
        tpu.vector_store %arg8[%swap3A_1501, %swap3A_1502], %mul3A_1499 {strides = array<i32>} : memref<64x128xf32, #tpu.memory_space<vmem>>, vector<16xf32>,
        %broadcast_in_dim3A_1504 = arith.constant 51 : i32
        %broadcast_in_dim3A_1505 = vector.broadcast %broadcast_in_dim3A_1504 : i32 to vector<16xi32>
        %gather3A_1506 = tpu.vector_load_idx %arg7[%add3A_737, %broadcast_in_dim3A_1505] : memref<32x65xf32, #tpu.memory_space<vmem>>[vector<16xi32>, vector<16xi32>], vector<16xf32>,
        %mul3A_1507 = arith.mulf %gather3A_1506, %mul3A_1088 : vector<16xf32>
        %swap3A_1508 = arith.constant 51 : i32
        %swap3A_1509 = arith.index_cast %swap3A_1508 : i32 to index
        %swap3A_1510 = arith.index_cast %mul3A_1095 : i32 to index
        %swap3A_1511 = tpu.vector_load %arg8[%swap3A_1509, %swap3A_1510] {strides = array<i32>} : memref<64x128xf32, #tpu.memory_space<vmem>>, vector<16xf32>,
        tpu.vector_store %arg8[%swap3A_1509, %swap3A_1510], %mul3A_1507 {strides = array<i32>} : memref<64x128xf32, #tpu.memory_space<vmem>>, vector<16xf32>,
        %broadcast_in_dim3A_1512 = arith.constant 52 : i32
        %broadcast_in_dim3A_1513 = vector.broadcast %broadcast_in_dim3A_1512 : i32 to vector<16xi32>
        %gather3A_1514 = tpu.vector_load_idx %arg7[%add3A_737, %broadcast_in_dim3A_1513] : memref<32x65xf32, #tpu.memory_space<vmem>>[vector<16xi32>, vector<16xi32>], vector<16xf32>,
        %mul3A_1515 = arith.mulf %gather3A_1514, %mul3A_1088 : vector<16xf32>
        %swap3A_1516 = arith.constant 52 : i32
        %swap3A_1517 = arith.index_cast %swap3A_1516 : i32 to index
        %swap3A_1518 = arith.index_cast %mul3A_1095 : i32 to index
        %swap3A_1519 = tpu.vector_load %arg8[%swap3A_1517, %swap3A_1518] {strides = array<i32>} : memref<64x128xf32, #tpu.memory_space<vmem>>, vector<16xf32>,
        tpu.vector_store %arg8[%swap3A_1517, %swap3A_1518], %mul3A_1515 {strides = array<i32>} : memref<64x128xf32, #tpu.memory_space<vmem>>, vector<16xf32>,
        %broadcast_in_dim3A_1520 = arith.constant 53 : i32
        %broadcast_in_dim3A_1521 = vector.broadcast %broadcast_in_dim3A_1520 : i32 to vector<16xi32>
        %gather3A_1522 = tpu.vector_load_idx %arg7[%add3A_737, %broadcast_in_dim3A_1521] : memref<32x65xf32, #tpu.memory_space<vmem>>[vector<16xi32>, vector<16xi32>], vector<16xf32>,
        %mul3A_1523 = arith.mulf %gather3A_1522, %mul3A_1088 : vector<16xf32>
        %swap3A_1524 = arith.constant 53 : i32
        %swap3A_1525 = arith.index_cast %swap3A_1524 : i32 to index
        %swap3A_1526 = arith.index_cast %mul3A_1095 : i32 to index
        %swap3A_1527 = tpu.vector_load %arg8[%swap3A_1525, %swap3A_1526] {strides = array<i32>} : memref<64x128xf32, #tpu.memory_space<vmem>>, vector<16xf32>,
        tpu.vector_store %arg8[%swap3A_1525, %swap3A_1526], %mul3A_1523 {strides = array<i32>} : memref<64x128xf32, #tpu.memory_space<vmem>>, vector<16xf32>,
        %broadcast_in_dim3A_1528 = arith.constant 54 : i32
        %broadcast_in_dim3A_1529 = vector.broadcast %broadcast_in_dim3A_1528 : i32 to vector<16xi32>
        %gather3A_1530 = tpu.vector_load_idx %arg7[%add3A_737, %broadcast_in_dim3A_1529] : memref<32x65xf32, #tpu.memory_space<vmem>>[vector<16xi32>, vector<16xi32>], vector<16xf32>,
        %mul3A_1531 = arith.mulf %gather3A_1530, %mul3A_1088 : vector<16xf32>
        %swap3A_1532 = arith.constant 54 : i32
        %swap3A_1533 = arith.index_cast %swap3A_1532 : i32 to index
        %swap3A_1534 = arith.index_cast %mul3A_1095 : i32 to index
        %swap3A_1535 = tpu.vector_load %arg8[%swap3A_1533, %swap3A_1534] {strides = array<i32>} : memref<64x128xf32, #tpu.memory_space<vmem>>, vector<16xf32>,
        tpu.vector_store %arg8[%swap3A_1533, %swap3A_1534], %mul3A_1531 {strides = array<i32>} : memref<64x128xf32, #tpu.memory_space<vmem>>, vector<16xf32>,
        %broadcast_in_dim3A_1536 = arith.constant 55 : i32
        %broadcast_in_dim3A_1537 = vector.broadcast %broadcast_in_dim3A_1536 : i32 to vector<16xi32>
        %gather3A_1538 = tpu.vector_load_idx %arg7[%add3A_737, %broadcast_in_dim3A_1537] : memref<32x65xf32, #tpu.memory_space<vmem>>[vector<16xi32>, vector<16xi32>], vector<16xf32>,
        %mul3A_1539 = arith.mulf %gather3A_1538, %mul3A_1088 : vector<16xf32>
        %swap3A_1540 = arith.constant 55 : i32
        %swap3A_1541 = arith.index_cast %swap3A_1540 : i32 to index
        %swap3A_1542 = arith.index_cast %mul3A_1095 : i32 to index
        %swap3A_1543 = tpu.vector_load %arg8[%swap3A_1541, %swap3A_1542] {strides = array<i32>} : memref<64x128xf32, #tpu.memory_space<vmem>>, vector<16xf32>,
        tpu.vector_store %arg8[%swap3A_1541, %swap3A_1542], %mul3A_1539 {strides = array<i32>} : memref<64x128xf32, #tpu.memory_space<vmem>>, vector<16xf32>,
        %broadcast_in_dim3A_1544 = arith.constant 56 : i32
        %broadcast_in_dim3A_1545 = vector.broadcast %broadcast_in_dim3A_1544 : i32 to vector<16xi32>
        %gather3A_1546 = tpu.vector_load_idx %arg7[%add3A_737, %broadcast_in_dim3A_1545] : memref<32x65xf32, #tpu.memory_space<vmem>>[vector<16xi32>, vector<16xi32>], vector<16xf32>,
        %mul3A_1547 = arith.mulf %gather3A_1546, %mul3A_1088 : vector<16xf32>
        %swap3A_1548 = arith.constant 56 : i32
        %swap3A_1549 = arith.index_cast %swap3A_1548 : i32 to index
        %swap3A_1550 = arith.index_cast %mul3A_1095 : i32 to index
        %swap3A_1551 = tpu.vector_load %arg8[%swap3A_1549, %swap3A_1550] {strides = array<i32>} : memref<64x128xf32, #tpu.memory_space<vmem>>, vector<16xf32>,
        tpu.vector_store %arg8[%swap3A_1549, %swap3A_1550], %mul3A_1547 {strides = array<i32>} : memref<64x128xf32, #tpu.memory_space<vmem>>, vector<16xf32>,
        %broadcast_in_dim3A_1552 = arith.constant 57 : i32
        %broadcast_in_dim3A_1553 = vector.broadcast %broadcast_in_dim3A_1552 : i32 to vector<16xi32>
        %gather3A_1554 = tpu.vector_load_idx %arg7[%add3A_737, %broadcast_in_dim3A_1553] : memref<32x65xf32, #tpu.memory_space<vmem>>[vector<16xi32>, vector<16xi32>], vector<16xf32>,
        %mul3A_1555 = arith.mulf %gather3A_1554, %mul3A_1088 : vector<16xf32>
        %swap3A_1556 = arith.constant 57 : i32
        %swap3A_1557 = arith.index_cast %swap3A_1556 : i32 to index
        %swap3A_1558 = arith.index_cast %mul3A_1095 : i32 to index
        %swap3A_1559 = tpu.vector_load %arg8[%swap3A_1557, %swap3A_1558] {strides = array<i32>} : memref<64x128xf32, #tpu.memory_space<vmem>>, vector<16xf32>,
        tpu.vector_store %arg8[%swap3A_1557, %swap3A_1558], %mul3A_1555 {strides = array<i32>} : memref<64x128xf32, #tpu.memory_space<vmem>>, vector<16xf32>,
        %broadcast_in_dim3A_1560 = arith.constant 58 : i32
        %broadcast_in_dim3A_1561 = vector.broadcast %broadcast_in_dim3A_1560 : i32 to vector<16xi32>
        %gather3A_1562 = tpu.vector_load_idx %arg7[%add3A_737, %broadcast_in_dim3A_1561] : memref<32x65xf32, #tpu.memory_space<vmem>>[vector<16xi32>, vector<16xi32>], vector<16xf32>,
        %mul3A_1563 = arith.mulf %gather3A_1562, %mul3A_1088 : vector<16xf32>
        %swap3A_1564 = arith.constant 58 : i32
        %swap3A_1565 = arith.index_cast %swap3A_1564 : i32 to index
        %swap3A_1566 = arith.index_cast %mul3A_1095 : i32 to index
        %swap3A_1567 = tpu.vector_load %arg8[%swap3A_1565, %swap3A_1566] {strides = array<i32>} : memref<64x128xf32, #tpu.memory_space<vmem>>, vector<16xf32>,
        tpu.vector_store %arg8[%swap3A_1565, %swap3A_1566], %mul3A_1563 {strides = array<i32>} : memref<64x128xf32, #tpu.memory_space<vmem>>, vector<16xf32>,
        %broadcast_in_dim3A_1568 = arith.constant 59 : i32
        %broadcast_in_dim3A_1569 = vector.broadcast %broadcast_in_dim3A_1568 : i32 to vector<16xi32>
        %gather3A_1570 = tpu.vector_load_idx %arg7[%add3A_737, %broadcast_in_dim3A_1569] : memref<32x65xf32, #tpu.memory_space<vmem>>[vector<16xi32>, vector<16xi32>], vector<16xf32>,
        %mul3A_1571 = arith.mulf %gather3A_1570, %mul3A_1088 : vector<16xf32>
        %swap3A_1572 = arith.constant 59 : i32
        %swap3A_1573 = arith.index_cast %swap3A_1572 : i32 to index
        %swap3A_1574 = arith.index_cast %mul3A_1095 : i32 to index
        %swap3A_1575 = tpu.vector_load %arg8[%swap3A_1573, %swap3A_1574] {strides = array<i32>} : memref<64x128xf32, #tpu.memory_space<vmem>>, vector<16xf32>,
        tpu.vector_store %arg8[%swap3A_1573, %swap3A_1574], %mul3A_1571 {strides = array<i32>} : memref<64x128xf32, #tpu.memory_space<vmem>>, vector<16xf32>,
        %broadcast_in_dim3A_1576 = arith.constant 60 : i32
        %broadcast_in_dim3A_1577 = vector.broadcast %broadcast_in_dim3A_1576 : i32 to vector<16xi32>
        %gather3A_1578 = tpu.vector_load_idx %arg7[%add3A_737, %broadcast_in_dim3A_1577] : memref<32x65xf32, #tpu.memory_space<vmem>>[vector<16xi32>, vector<16xi32>], vector<16xf32>,
        %mul3A_1579 = arith.mulf %gather3A_1578, %mul3A_1088 : vector<16xf32>
        %swap3A_1580 = arith.constant 60 : i32
        %swap3A_1581 = arith.index_cast %swap3A_1580 : i32 to index
        %swap3A_1582 = arith.index_cast %mul3A_1095 : i32 to index
        %swap3A_1583 = tpu.vector_load %arg8[%swap3A_1581, %swap3A_1582] {strides = array<i32>} : memref<64x128xf32, #tpu.memory_space<vmem>>, vector<16xf32>,
        tpu.vector_store %arg8[%swap3A_1581, %swap3A_1582], %mul3A_1579 {strides = array<i32>} : memref<64x128xf32, #tpu.memory_space<vmem>>, vector<16xf32>,
        %broadcast_in_dim3A_1584 = arith.constant 61 : i32
        %broadcast_in_dim3A_1585 = vector.broadcast %broadcast_in_dim3A_1584 : i32 to vector<16xi32>
        %gather3A_1586 = tpu.vector_load_idx %arg7[%add3A_737, %broadcast_in_dim3A_1585] : memref<32x65xf32, #tpu.memory_space<vmem>>[vector<16xi32>, vector<16xi32>], vector<16xf32>,
        %mul3A_1587 = arith.mulf %gather3A_1586, %mul3A_1088 : vector<16xf32>
        %swap3A_1588 = arith.constant 61 : i32
        %swap3A_1589 = arith.index_cast %swap3A_1588 : i32 to index
        %swap3A_1590 = arith.index_cast %mul3A_1095 : i32 to index
        %swap3A_1591 = tpu.vector_load %arg8[%swap3A_1589, %swap3A_1590] {strides = array<i32>} : memref<64x128xf32, #tpu.memory_space<vmem>>, vector<16xf32>,
        tpu.vector_store %arg8[%swap3A_1589, %swap3A_1590], %mul3A_1587 {strides = array<i32>} : memref<64x128xf32, #tpu.memory_space<vmem>>, vector<16xf32>,
        %broadcast_in_dim3A_1592 = arith.constant 62 : i32
        %broadcast_in_dim3A_1593 = vector.broadcast %broadcast_in_dim3A_1592 : i32 to vector<16xi32>
        %gather3A_1594 = tpu.vector_load_idx %arg7[%add3A_737, %broadcast_in_dim3A_1593] : memref<32x65xf32, #tpu.memory_space<vmem>>[vector<16xi32>, vector<16xi32>], vector<16xf32>,
        %mul3A_1595 = arith.mulf %gather3A_1594, %mul3A_1088 : vector<16xf32>
        %swap3A_1596 = arith.constant 62 : i32
        %swap3A_1597 = arith.index_cast %swap3A_1596 : i32 to index
        %swap3A_1598 = arith.index_cast %mul3A_1095 : i32 to index
        %swap3A_1599 = tpu.vector_load %arg8[%swap3A_1597, %swap3A_1598] {strides = array<i32>} : memref<64x128xf32, #tpu.memory_space<vmem>>, vector<16xf32>,
        tpu.vector_store %arg8[%swap3A_1597, %swap3A_1598], %mul3A_1595 {strides = array<i32>} : memref<64x128xf32, #tpu.memory_space<vmem>>, vector<16xf32>,
        %broadcast_in_dim3A_1600 = arith.constant 63 : i32
        %broadcast_in_dim3A_1601 = vector.broadcast %broadcast_in_dim3A_1600 : i32 to vector<16xi32>
        %gather3A_1602 = tpu.vector_load_idx %arg7[%add3A_737, %broadcast_in_dim3A_1601] : memref<32x65xf32, #tpu.memory_space<vmem>>[vector<16xi32>, vector<16xi32>], vector<16xf32>,
        %mul3A_1603 = arith.mulf %gather3A_1602, %mul3A_1088 : vector<16xf32>
        %swap3A_1604 = arith.constant 63 : i32
        %swap3A_1605 = arith.index_cast %swap3A_1604 : i32 to index
        %swap3A_1606 = arith.index_cast %mul3A_1095 : i32 to index
        %swap3A_1607 = tpu.vector_load %arg8[%swap3A_1605, %swap3A_1606] {strides = array<i32>} : memref<64x128xf32, #tpu.memory_space<vmem>>, vector<16xf32>,
        tpu.vector_store %arg8[%swap3A_1605, %swap3A_1606], %mul3A_1603 {strides = array<i32>} : memref<64x128xf32, #tpu.memory_space<vmem>>, vector<16xf32>,
        %and3A_1608 = arith.constant 7 : i32
        %and3A_1609 = arith.andi %shift_right_arithmetic3A_727, %and3A_1608 : i32
        %eq3A_1610 = arith.constant 7 : i32
        %eq3A_1611 = arith.cmpi eq, %and3A_1609, %eq3A_1610 : i32
        %convert_element_type3A_1612 = arith.extui %eq3A_1611 : i1 to i32
        %cond3A_1613 = arith.constant 0 : i32
        %cond3A_1614 = arith.cmpi ne, %convert_element_type3A_1612, %cond3A_1613 : i32
        scf.if %cond3A_1614 {
          %shift_right_arithmetic3A_1615 = arith.constant 3 : i32
          %shift_right_arithmetic3A_1616 = arith.shrsi %shift_right_arithmetic3A_727, %shift_right_arithmetic3A_1615 : i32
          %mul3A_1617 = arith.constant 128 : i32
          %mul3A_1618 = arith.muli %shift_right_arithmetic3A_1616, %mul3A_1617 : i32
          %add3A_1619 = arith.addi %mul3A_2, %mul3A_1618 : i32
          "tpu.region"() ({
            %run_scoped3A = tpu.sem_alloc : memref<!tpu.dma_semaphore, #tpu.memory_space<semaphore_mem>>
            %dma_start3A_1620 = arith.constant 0 : i32
            %dma_start3A_1621 = tpu.memref_slice %arg4[%dma_start3A_1620, %add3A_1619] : memref<64x16384xf32, #tpu.memory_space<hbm>> -> memref<64x128xf32, #tpu.memory_space<hbm>>
            %dma_start3A_1622 = arith.constant 0 : i32
            %dma_start3A_1623 = tpu.memref_slice %arg4[%dma_start3A_1622, %add3A_1619] : memref<64x16384xf32, #tpu.memory_space<hbm>> -> memref<64x128xf32, #tpu.memory_space<hbm>>
            tpu.enqueue_dma source(%arg8 : memref<64x128xf32, #tpu.memory_space<vmem>>) target(%dma_start3A_1623 : memref<64x128xf32, #tpu.memory_space<hbm>>) target_semaphore(%run_scoped3A : memref<!tpu.dma_semaphore, #tpu.memory_space<semaphore_mem>>)
            %dma_wait3A_1624 = arith.constant 0 : i32
            %dma_wait3A_1625 = tpu.memref_slice %arg4[%dma_wait3A_1624, %add3A_1619] : memref<64x16384xf32, #tpu.memory_space<hbm>> -> memref<64x128xf32, #tpu.memory_space<hbm>>
            %dma_wait3A_1626 = arith.constant 0 : i32
            %dma_wait3A_1627 = tpu.memref_slice %arg4[%dma_wait3A_1626, %add3A_1619] : memref<64x16384xf32, #tpu.memory_space<hbm>> -> memref<64x128xf32, #tpu.memory_space<hbm>>
            tpu.wait_dma2 semaphore(%run_scoped3A : memref<!tpu.dma_semaphore, #tpu.memory_space<semaphore_mem>>) src(%arg8 : memref<64x128xf32, #tpu.memory_space<vmem>>) dst(%dma_wait3A_1627 : memref<64x128xf32, #tpu.memory_space<hbm>>)
            tpu.yield
          }) : () -> ()
        } else {
        }
      } else {
      }
    }
    %scan3A_156 = arith.constant 64 : i32
    return
  }
}

</mosaic_0001>

<sc_bundles>
// kernel: kernel.3.cloned.1.call-start
scs
__scs_entry_jumppad:
0x0: {  	(pc) =	sbr.rel $0x88, $3  }
0x1: {  	(tag) =	ssettag $0x0;
	lr =	simm.s32 $0x1  }
0x2: {  	[smem:$0x3F9F] =	sst lr;
	_ =	strace $0xD0000000  }
0x3: {  	_ = 	snop  }
0x4: {  	_ = 	snop  }
0x5: {  	_ = 	snop  }
0x6: {  	_ = 	snop  }
0x7: {  	_ = 	snop  }
__scs_overlays_trampoline_lowered:
0x8: {  	[smem:$0x3FAE] =	sst s0  }
0x9: {  	[smem:$0x3FAF] =	sst s1  }
0xa: {  	[smem:$0x3FB0] =	sst s2  }
0xb: {  	[smem:$0x3FB1] =	sst s3  }
0xc: {  	[smem:$0x3FB2] =	sst s4  }
0xd: {  	[smem:$0x3FB3] =	sst s5  }
0xe: {  	[smem:$0x3FB4] =	sst s6  }
0xf: {  	[smem:$0x3FB5] =	sst s7  }
0x10: {  	[smem:$0x3FB6] =	sst s8  }
0x11: {  	[smem:$0x3FB7] =	sst s9;
	s0 =	simm.s32 @!p0 $0x0  }
0x12: {  	s1 =	sld [smem:$0x3F9D];
	s0 =	simm.s32 @p0 $0x1  }
0x13: {  	[smem:$0x3FB8] =	sst s0;
	s0 =	simm.s32 @!p1 $0x0  }
0x14: {  	s2 =	sld [smem:$0x3F9C];
	s0 =	simm.s32 @p1 $0x1  }
0x15: {  	[smem:$0x3FB9] =	sst s0;
	s0 =	simm.s32 @!p2 $0x0  }
0x16: {  	s3 =	sld [smem:$0x3FDB];
	s0 =	simm.s32 @p2 $0x1  }
0x17: {  	s4 =	simm.s32 $0x1BF5;
	[smem:$0x3FBB] =	sst s0  }
0x18: {  	s0 =	sld [smem:$0x3F9E];
	_ =	swait.ge [sflag:s4], $0x0  }
0x19: {  	s7 =	sld [smem:$0x3F9F]  }
0x1a: {  	s8 =	sadd.s32 $0xFFFFE003, lr  }
0x1b: {  	s9 =	sadd.s32 $0xFFFFFEF7, lr;
	s5 =	simm.s32 $0xFFFFFFFF;
	p2 =	slt.u32 s8, $0xFFFFF086  }
0x1c: {  	p1 =	slt.u32 s9, $0xF7A;
	s5 =	simm.s32 @!p2 $0x0  }
0x1d: {  	s5 =	simm.s32 @p1 $0x1;
	p0 =	seq.s32 s7, s2  }
0x1e: {  	s7 =	smul.u32 @!p0 $0xF7A, s2;
	p2 =	seq.s32 @!p0 s5, $0x0  }
0x1f: {  	s9 =	smul.u32 $0xF7A, s1;
	s8 =	simm.s32 @!p0 $0x1BF5;
	p2 =	por !p2, p0  }
0x20: {  	[sflag:s8] =	ssyncset.s32 @!p0 $0xFFFFF086;
	s6 =	sadd.s32 @!p0 s3, s7;
	s7 =	simm.s32 @!p0 $0x108  }
0x21: {  	s3 =	sadd.s32 s3, s9;
	s6 =	sadd.s32 @!p0 $0x88, s6;
	s7 =	simm.s32 @p2 $0x1082  }
0x22: {  	[simem:s7], [sflag:s8] =	dma.local @!p0 [hbm:s6], $0xF7A  }
0x23: {  	s9 =	sor.u32 $0xD0000000, s2;
	s6 =	simm.s32 $0x108;
	_ =	swait.ge @!p0 [sflag:s8], $0x0  }
0x24: {  	s3 =	sadd.s32 $0x88, s3;
	s6 =	simm.s32 @!p1 $0x1082;
	[sflag:s4] =	ssyncset.s32 $0xFFFFF086  }
0x25: {  	[simem:s6], [sflag:s4] =	dma.local [hbm:s3], $0xF7A  }
0x26: {  	[smem:$0x3F9F] =	sst s1;
	(tag) =	ssettag s2;
	_ =	strace s9  }
0x27: {  	s1 =	sld [smem:$0x3FAF]  }
0x28: {  	s2 =	sld [smem:$0x3FB0]  }
0x29: {  	s4 =	sld [smem:$0x3FB2]  }
0x2a: {  	p0 =	seq.s32 s5, $0x0;
	s5 =	sld [smem:$0x3FB3]  }
0x2b: {  	s6 =	sld [smem:$0x3FB4]  }
0x2c: {  	s7 =	sld [smem:$0x3FB5]  }
0x2d: {  	s3 =	simm.s32 $0x108;
	s8 =	sld [smem:$0x3FB6]  }
0x2e: {  	s3 =	simm.s32 @!p0 $0x1082;
	s9 =	sld [smem:$0x3FB7]  }
0x2f: {  	lr =	sadd.s32 s0, s3;
	s0 =	sld [smem:$0x3FAE]  }
0x30: {  	s3 =	sld [smem:$0x3FB1]  }
0x31: {  	[smem:$0x3FBA] =	sst s10  }
0x32: {  	s10 =	sld [smem:$0x3FB8];
	_ =	sdelay $0x3  }
0x33: {  	p0 =	seq.s32 s10, $0x1;
	s10 =	sld [smem:$0x3FBA];
	_ =	sdelay $0x3  }
0x34: {  	[smem:$0x3FBA] =	sst s10  }
0x35: {  	s10 =	sld [smem:$0x3FB9];
	_ =	sdelay $0x3  }
0x36: {  	p1 =	seq.s32 s10, $0x1;
	s10 =	sld [smem:$0x3FBA];
	_ =	sdelay $0x3  }
0x37: {  	[smem:$0x3FBA] =	sst s10  }
0x38: {  	s10 =	sld [smem:$0x3FBB]  }
0x39: {  	_ = 	snop;
	(pc) =	sbr.ind lr, $3  }
0x3a: {  	_ = 	snop  }
0x3b: {  	_ = 	snop  }
0x3c: {  	p2 =	seq.s32 s10, $0x1;
	s10 =	sld [smem:$0x3FBA]  }
0x3d: {  	_ =	shalt  }
0x3e: {  	_ =	shalt  }
0x3f: {  	_ =	shalt  }
0x40: {  	_ =	shalt  }
0x41: {  	_ =	shalt  }
0x42: {  	_ =	shalt  }
0x43: {  	_ =	shalt  }
0x44: {  	_ =	shalt  }
0x45: {  	_ =	shalt  }
0x46: {  	_ =	shalt  }
0x47: {  	_ =	shalt  }
0x48: {  	_ =	shalt  }
0x49: {  	_ =	shalt  }
0x4a: {  	_ =	shalt  }
0x4b: {  	_ =	shalt  }
0x4c: {  	_ =	shalt  }
0x4d: {  	_ =	shalt  }
0x4e: {  	_ =	shalt  }
0x4f: {  	_ =	shalt  }
0x50: {  	_ =	shalt  }
0x51: {  	_ =	shalt  }
0x52: {  	_ =	shalt  }
0x53: {  	_ =	shalt  }
0x54: {  	_ =	shalt  }
0x55: {  	_ =	shalt  }
0x56: {  	_ =	shalt  }
0x57: {  	_ =	shalt  }
0x58: {  	_ =	shalt  }
0x59: {  	_ =	shalt  }
0x5a: {  	_ =	shalt  }
0x5b: {  	_ =	shalt  }
0x5c: {  	_ =	shalt  }
0x5d: {  	_ =	shalt  }
0x5e: {  	_ =	shalt  }
0x5f: {  	_ =	shalt  }
0x60: {  	_ =	shalt  }
0x61: {  	_ =	shalt  }
0x62: {  	_ =	shalt  }
0x63: {  	_ =	shalt  }
0x64: {  	_ =	shalt  }
0x65: {  	_ =	shalt  }
0x66: {  	_ =	shalt  }
0x67: {  	_ =	shalt  }
0x68: {  	_ =	shalt  }
0x69: {  	_ =	shalt  }
0x6a: {  	_ =	shalt  }
0x6b: {  	_ =	shalt  }
0x6c: {  	_ =	shalt  }
0x6d: {  	_ =	shalt  }
0x6e: {  	_ =	shalt  }
0x6f: {  	_ =	shalt  }
0x70: {  	_ =	shalt  }
0x71: {  	_ =	shalt  }
0x72: {  	_ =	shalt  }
0x73: {  	_ =	shalt  }
0x74: {  	_ =	shalt  }
0x75: {  	_ =	shalt  }
0x76: {  	_ =	shalt  }
0x77: {  	_ =	shalt  }
0x78: {  	_ =	shalt  }
0x79: {  	_ =	shalt  }
0x7a: {  	_ =	shalt  }
0x7b: {  	_ =	shalt  }
0x7c: {  	_ =	shalt  }
0x7d: {  	_ =	shalt  }
0x7e: {  	_ =	shalt  }
0x7f: {  	_ =	shalt  }
0x80: {  	_ =	shalt  }
0x81: {  	_ =	shalt  }
0x82: {  	_ =	shalt  }
0x83: {  	_ =	shalt  }
0x84: {  	_ =	shalt  }
0x85: {  	_ =	shalt  }
0x86: {  	_ =	shalt  }
0x87: {  	_ =	shalt  }
.Lfunc_end0:
.L_simem_size_0:
called_computation_lowered:
.L_overlay_start_0:
0x88: {  	s2 =	sld [smem:$0x3FD9]  }
0x89: {  	s3 =	sld [smem:$0x3FFE];
	_ =	sdelay $0x1  }
0x8a: {  	s1 =	srdreg.scid  }
0x8b: {  	s0 =	sand.u32 $0x1, s1  }
0x8c: {  	s18 =	sshll.u32 s0, $0xA;
	s2 =	sadd.s32 s3, s2  }
0x8d: {  	s2 =	sadd.s32 s2, s18  }
0x8e: {  	[smem:$0x3FC6] =	sst s2  }
0x8f: {  	_ = 	snop  }
0x90: {  	s2 =	sld [smem:$0x3FC9]  }
0x91: {  	s19 =	sld [smem:$0x3FC8]  }
0x92: {  	s4 =	sld [smem:$0x3FD0];
	(tm) =	ssettm $0x1  }
0x93: {  	s5 =	sld [smem:$0x3FFB];
	_ =	sdelay $0x3  }
0x94: {  	_ =	strace s5  }
0x95: {  	s5 =	sld [smem:$0x3FFC];
	_ =	sdelay $0x3  }
0x96: {  	_ =	strace s5  }
0x97: {  	s5 =	sld [smem:$0x3FFD];
	_ =	sdelay $0x3  }
0x98: {  	_ =	strace s5  }
0x99: {  	_ =	strace $0x8FFFFFFF  }
0x9a: {  	s20 =	sld [smem:$0x3FDB];
	_ =	sdelay $0x1  }
0x9b: {  	s6 =	simm.s32 $_scs_section_size  }
0x9c: {  	s7 =	simm.s32 $_size__tile_overlayer_lowered;
	s8 =	simm.s32 $_tile_overlayer_lowered  }
0x9d: {  	s23 =	simm.s32 $0x1BFF;
	s22 =	sshll.u32 s8, $0x1;
	s5 =	sadd.s32 s6, s20  }
0x9e: {  	s9 =	simm.s32 $0x0;
	s21 =	sshll.u32 s7, $0x1;
	s7 =	sadd.s32 s22, s5  }
0x9f: {  	[timem:s9], [sflag:s23] =	dma.local [hbm:s7], s21  }
0xa0: {  	_ =	swait.ge [sflag:s23], s21  }
0xa1: {  	s6 =	ssub.s32 $0x0, s21;
	[sflag:s23] =	ssyncset.done $0x0  }
0xa2: {  	[sflag:s23] =	ssyncadd.s32 s6;
	_ =	sdelay $0x1  }
0xa3: {  	s24 =	simm.s32 $0x1B8B  }
0xa4: {  	_ =	swait.ge [sflag:s24], $0x1  }
0xa5: {  	[sflag:s24] =	ssyncset.done $0x0  }
0xa6: {  	s25 =	simm.s32 $0x1B8E;
	[sflag:s24] =	ssyncadd.s32 $0xFFFFFFFF  }
0xa7: {  	s26 =	simm.s32 $execute0_lowered;
	[smem:$0x3FD2] =	sst s25  }
0xa8: {  	s6 =	sshll.u32 s26, $0x1;
	_ =	strace $0x80000046;
	[dreg:$0x1] =	wrdreg $0xFFFFFFFF  }
0xa9: {  	s28 =	simm.s32 $_size_execute0_lowered;
	s5 =	sadd.s32 s5, s6;
	[dreg:$0x0] =	wrdreg $0x0  }
0xaa: {  	s6 =	sshll.u32 s28, $0x1;
	[dreg:$0x2] =	wrdreg s5  }
0xab: {  	[dreg:$0x3] =	wrdreg s6  }
0xac: {  	[dreg:$0x4] =	wrdreg $0xC0  }
0xad: {  	_ =	task [dreg:s9], $0x5FFFF  }
0xae: {  	[dreg:$0x1] =	wrdreg $0xFFFFFFFF  }
0xaf: {  	[dreg:$0x0] =	wrdreg $0x60  }
0xb0: {  	[dreg:$0x2] =	wrdreg s2  }
0xb1: {  	[dreg:$0x3] =	wrdreg s19  }
0xb2: {  	[dreg:$0x4] =	wrdreg s4  }
0xb3: {  	[dreg:$0x5] =	wrdreg $0x9  }
0xb4: {  	_ =	task.clear_ibuf [dreg:s9], $0x6FFFF;
	_ =	strace $0x90000046  }
0xb5: {  	s29 =	simm.s32 $0x9;
	_ =	strace $0x80000048  }
0xb6: {  	_ =	swait.ge [sflag:s29], $0x1  }
0xb7: {  	[sflag:s29] =	ssyncadd.s32 $0xFFFFFFFF  }
0xb8: {  	_ =	strace $0x90000048  }
0xb9: {  	_ =	sfence  }
0xba: {  	s30 =	sld [smem:$0x0];
	_ =	sdelay $0x2  }
0xbb: {  	s31 =	sshll.u32 s1, $0xD;
	s1 =	sshrl.u32 s1, $0x2  }
0xbc: {  	s3 =	sand.u32 $0x4000, s31;
	s1 =	sadd.s32 s1, s30  }
0xbd: {  	s0 =	sor.u32 s3, s0;
	s1 =	sshll.u32 s1, $0x11  }
0xbe: {  	s0 =	sor.u32 s1, s0  }
0xbf: {  	s0 =	sadd.s32 $0x8F2B, s0  }
0xc0: {  	[sflag:s0] =	ssyncadd.remote.s32 $0x1  }
0xc1: {  	_ =	sfence.sel $0xFFFF  }
0xc2: {  	[dreg:$0x0] =	wrdreg $0xFFFFFFFF;
	(pc) =	sbr.abs _section_cstart, $3  }
0xc3: {  	[dreg:$0x1] =	wrdreg $0xFFFFFFFF  }
0xc4: {  	_ =	task.clear_ibuf [dreg:s9], $0x2FFFF;
	_ =	strace $0x9FFFFFFF  }
0xc5: {  	(tm) =	ssettm $0x7FFFFFFF  }
tec
execute0_lowered:
.L_overlay_start_1:
0x0: {  	(tag) =	ssettag $0x1  }
0x1: {  	s0 =	rddreg [dreg:$0x0];
	v0 =	vlaneseq.u32  }
0x2: {  	s1 =	rddreg [dreg:$0x1];
	s6 =	simm.s32 $0x0;
	v3 =	vmul.u32 $0x80, v0  }
0x3: {  	[smem:$0x7FF] =	sst s6  }
0x4: {  	s2 =	rddreg [dreg:$0x2];
	_ =	strace $0x80000047;
	v4 =	vor.u32 $0x800, v3;
	[tilespmem:$0x1FE00] =	vst v3  }
0x5: {  	v5 =	vor.u32 $0x1000, v3;
	[tilespmem:$0x1FE10] =	vst v4  }
0x6: {  	v6 =	vor.u32 $0x1800, v3;
	[tilespmem:$0x1FE20] =	vst v5  }
0x7: {  	v7 =	vor.u32 $0x2000, v3;
	[tilespmem:$0x1FE30] =	vst v6  }
0x8: {  	v8 =	vor.u32 $0x2800, v3;
	[tilespmem:$0x1FE40] =	vst v7  }
0x9: {  	v9 =	vor.u32 $0x3000, v3;
	[tilespmem:$0x1FE50] =	vst v8  }
0xa: {  	v10 =	vor.u32 $0x3800, v3;
	[tilespmem:$0x1FE60] =	vst v9  }
0xb: {  	v11 =	vor.u32 $0x4000, v3;
	[tilespmem:$0x1FE70] =	vst v10  }
0xc: {  	v12 =	vor.u32 $0x4800, v3;
	[tilespmem:$0x1FE80] =	vst v11  }
0xd: {  	v13 =	vor.u32 $0x5000, v3;
	[tilespmem:$0x1FE90] =	vst v12  }
0xe: {  	v14 =	vor.u32 $0x5800, v3;
	[tilespmem:$0x1FEA0] =	vst v13  }
0xf: {  	v15 =	vor.u32 $0x6000, v3;
	[tilespmem:$0x1FEB0] =	vst v14  }
0x10: {  	v16 =	vor.u32 $0x6800, v3;
	[tilespmem:$0x1FEC0] =	vst v15  }
0x11: {  	v17 =	vor.u32 $0x7000, v3;
	[tilespmem:$0x1FED0] =	vst v16  }
0x12: {  	v18 =	vor.u32 $0x7800, v3;
	[tilespmem:$0x1FEE0] =	vst v17  }
0x13: {  	v19 =	vor.u32 $0x8000, v3;
	[tilespmem:$0x1FEF0] =	vst v18  }
0x14: {  	v20 =	vor.u32 $0x8800, v3;
	[tilespmem:$0x1FF00] =	vst v19  }
0x15: {  	v21 =	vor.u32 $0x9000, v3;
	[tilespmem:$0x1FF10] =	vst v20  }
0x16: {  	v22 =	vor.u32 $0x9800, v3;
	[tilespmem:$0x1FF20] =	vst v21  }
0x17: {  	v23 =	vor.u32 $0xA000, v3;
	[tilespmem:$0x1FF30] =	vst v22  }
0x18: {  	v24 =	vor.u32 $0xA800, v3;
	[tilespmem:$0x1FF40] =	vst v23  }
0x19: {  	v25 =	vor.u32 $0xB000, v3;
	[tilespmem:$0x1FF50] =	vst v24  }
0x1a: {  	s3 =	srdreg.scid;
	s5 =	stileid.u32;
	s8 =	simm.s32 $0x400;
	v26 =	vor.u32 $0xB800, v3;
	[tilespmem:$0x1FF60] =	vst v25  }
0x1b: {  	s9 =	simm.s32 $0x7A1400;
	s10 =	simm.s32 $0x280;
	s16 =	simm.s32 $0xC280;
	v27 =	vor.u32 $0xC000, v3;
	[tilespmem:$0x1FF70] =	vst v26  }
0x1c: {  	s17 =	simm.s32 $0xE280;
	s18 =	simm.s32 $0x1;
	s19 =	simm.s32 $0x2;
	v28 =	vor.u32 $0xC800, v3;
	[tilespmem:$0x1FF80] =	vst v27  }
0x1d: {  	s20 =	simm.s32 $0x3;
	s21 =	simm.s32 $0x4;
	s22 =	simm.s32 $0x5;
	v29 =	vor.u32 $0xD000, v3;
	[tilespmem:$0x1FF90] =	vst v28  }
0x1e: {  	s23 =	simm.s32 $0x6;
	s24 =	simm.s32 $0x7;
	s25 =	simm.s32 $0x8;
	v30 =	vor.u32 $0xD800, v3;
	[tilespmem:$0x1FFA0] =	vst v29  }
.Ltmp0:
0x1f: {  	s26 =	simm.s32 $0x10280;
	s3 =	sand.u32 $0x1, s3;
	v31 =	vor.u32 $0xE000, v3;
	[tilespmem:$0x1FFB0] =	vst v30;
	(pc) =	sbr.rel .LBB2_1-.Ltmp0, $4  }
0x20: {  	s5 =	sshll.u32 s5, $0xA;
	s4 =	ssub.s32 $0x2, s3;
	s3 =	sshll.u32 s3, $0x9;
	v32 =	vor.u32 $0xE800, v3;
	[tilespmem:$0x1FFC0] =	vst v31  }
0x21: {  	s28 =	simm.s32 $0x0;
	s30 =	sshrl.u32 s4, $0x1;
	s3 =	sor.u32 s3, s5;
	v33 =	vor.u32 $0xF000, v3;
	[tilespmem:$0x1FFD0] =	vst v32  }
0x22: {  	s6 =	simm.s32 $0x9;
	v34 =	vor.u32 $0xF800, v3;
	s7 =	ssub.s32 s4, s30;
	s31 =	sshrl.u32 s3, $0x3;
	[tilespmem:$0x1FFE0] =	vst v33  }
0x23: {  	s5 =	sadd.s32 s2, s3;
	[tilespmem:$0x1FFF0] =	vst v34;
	s4 =	sadd.s32 s0, s31;
	s7 =	smax.u32 s7, $0x1  }
.LBB2_5:
0x24: {  	s28 =	sadd.s32 $0x1, s28  }
0x25: {  	p0 =	sne.s32 s28, s7  }
.Ltmp1:
0x26: {  	_ = 	snop;
	(pc) =	sbr.rel @!p0 .LBB2_6-.Ltmp1, $1  }
0x27: {  	_ =	sdelay $0x3  }
.LBB2_1:
0x28: {  	s0 =	simm.s32 $0x0  }
0x29: {  	[tilespmem:s0], [sflag:$0x9] =	stream.linear.gather [hbm4b:s4+s0], $0x200, $0x38;
	[tilespmem:$0x13280] =	vst v63  }
0x2a: {  	_ =	swait.ge [sflag:s6], $0x200  }
0x2b: {  	[sflag:s6] =	ssyncset.done $0x0  }
0x2c: {  	[sflag:s6] =	ssyncadd.s32 $0xFFFFFE00  }
0x2d: {  	v0 =	vld [tilespmem:$0x0];
	_ =	sdelay $0x4  }
0x2e: {  	(v2sf) =	vpush v0, $0x0  }
0x2f: {  	(v2sf) =	vpush v0, $0x1;
	_ =	sdelay $0x3  }
0x30: {  	(v2sf) =	vpush v0, $0x2;
	_ =	sdelay $0x2  }
0x31: {  	(v2sf) =	vpush v0, $0x3;
	_ =	sdelay $0x1  }
0x32: {  	(v2sf) =	vpush v0, $0x4;
	_ =	sdelay $0x4  }
0x33: {  	s12 =	spop (v2sf);
	(v2sf) =	vpush v0, $0x5  }
0x34: {  	s0 =	sand.u32 $0xFFFFF80, s12;
	s13 =	spop (v2sf);
	(v2sf) =	vpush v0, $0x6  }
0x35: {  	s0 =	sadd.s32 s1, s0  }
0x36: {  	[tilespmem:s10], [sflag:$0x1] =	stream.strided.gather [hbm4b:s0+s8], $0x2000, s9, s8, $0x38;
	[tilespmem:$0x13280] =	vst v63  }
0x37: {  	s0 =	sand.u32 $0xFFFFF80, s13  }
0x38: {  	s2 =	simm.s32 $0x2280;
	s14 =	spop (v2sf);
	s0 =	sadd.s32 s1, s0  }
0x39: {  	(v2sf) =	vpush v0, $0x7;
	[tilespmem:s2], [sflag:$0x2] =	stream.strided.gather [hbm4b:s0+s8], $0x2000, s9, s8, $0x38;
	[tilespmem:$0x13280] =	vst v63  }
0x3a: {  	s0 =	sand.u32 $0xFFFFF80, s14  }
0x3b: {  	s3 =	simm.s32 $0x4280;
	s15 =	spop (v2sf);
	s0 =	sadd.s32 s1, s0  }
0x3c: {  	[tilespmem:s3], [sflag:$0x3] =	stream.strided.gather [hbm4b:s0+s8], $0x2000, s9, s8, $0x38;
	[tilespmem:$0x13280] =	vst v63  }
0x3d: {  	s11 =	spop (v2sf);
	s3 =	sand.u32 $0xFFFFF80, s15  }
0x3e: {  	s12 =	simm.s32 $0x6280;
	s13 =	sand.u32 $0xFFFFF80, s11;
	s0 =	sadd.s32 s1, s3  }
0x3f: {  	[tilespmem:s12], [sflag:$0x4] =	stream.strided.gather [hbm4b:s0+s8], $0x2000, s9, s8, $0x38;
	[tilespmem:$0x13280] =	vst v63  }
0x40: {  	s15 =	simm.s32 $0x8280;
	s0 =	sadd.s32 s1, s13  }
0x41: {  	[tilespmem:s15], [sflag:$0x5] =	stream.strided.gather [hbm4b:s0+s8], $0x2000, s9, s8, $0x38;
	[tilespmem:$0x13280] =	vst v63  }
0x42: {  	s14 =	spop (v2sf)  }
0x43: {  	s11 =	sand.u32 $0xFFFFF80, s14;
	s12 =	spop (v2sf)  }
0x44: {  	s13 =	simm.s32 $0xA280;
	s0 =	sadd.s32 s1, s11;
	s14 =	sand.u32 $0xFFFFF80, s12  }
0x45: {  	[tilespmem:s13], [sflag:$0x6] =	stream.strided.gather [hbm4b:s0+s8], $0x2000, s9, s8, $0x38;
	[tilespmem:$0x13280] =	vst v63  }
0x46: {  	s0 =	sadd.s32 s1, s14  }
0x47: {  	[tilespmem:s16], [sflag:$0x7] =	stream.strided.gather [hbm4b:s0+s8], $0x2000, s9, s8, $0x38;
	[tilespmem:$0x13280] =	vst v63  }
.Ltmp2:
0x48: {  	s15 =	spop (v2sf);
	(pc) =	sbr.rel .LBB2_2-.Ltmp2, $4  }
0x49: {  	s0 =	sand.u32 $0xFFFFF80, s15  }
0x4a: {  	s29 =	simm.s32 $0x0;
	s30 =	simm.s32 $0x0;
	s0 =	sadd.s32 s1, s0  }
0x4b: {  	[tilespmem:s17], [sflag:$0x8] =	stream.strided.gather [hbm4b:s0+s8], $0x2000, s9, s8, $0x38;
	[tilespmem:$0x13280] =	vst v63  }
0x4c: {  	s31 =	simm.s32 $0x0;
	s2 =	simm.s32 $0x0;
	s0 =	simm.s32 $0x0  }
.LBB2_4:
0x4d: {  	s0 =	sadd.s32 $0x1000, s0  }
0x4e: {  	p0 =	sne.s32 s0, $0x40000  }
.Ltmp3:
0x4f: {  	_ = 	snop;
	(pc) =	sbr.rel @!p0 .LBB2_5-.Ltmp3, $3  }
0x50: {  	_ =	sdelay $0x1  }
0x51: {  	s2 =	sadd.s32 $0x1, s2  }
0x52: {  	s31 =	sadd.s32 $0x400, s31;
	s30 =	sadd.s32 $0x8, s30;
	s29 =	sadd.s32 $0x8, s29  }
.LBB2_2:
0x53: {  	v0 =	vld [tilespmem:s29+$0x0];
	_ =	sdelay $0x4  }
0x54: {  	(v2sf) =	vpush v0, $0x0;
	_ =	sdelay $0xe  }
0x55: {  	s3 =	spop (v2sf)  }
0x56: {  	s3 =	sand.u32 $0x7F, s3  }
0x57: {  	v1 =	vor.u32 s3, v3;
	_ =	sdelay $0x1  }
0x58: {  	_ =	swait.ge [sflag:s18], $0x2000  }
0x59: {  	[sflag:s18] =	ssyncset.done $0x0  }
0x5a: {  	[sflag:s18] =	ssyncadd.s32 $0xFFFFE000  }
0x5b: {  	v1 =	vld.idx.msk [tilespmem:v1+s10+$0x0], $0xffff  }
0x5c: {  	v2 =	vor.u32 s3, v4;
	_ =	sdelay $0x2  }
0x5d: {  	s11 =	sand.u32 $0xC00, s31;
	p0 =	seq.s32 s0, $0x3F000  }
0x5e: {  	(v2sf) =	vpush @!p0 v0, $0x8;
	[tilespmem:s11+$0x10280] =	vst v1  }
0x5f: {  	(v2sf) =	vpush v0, $0x1;
	v1 =	vld.idx.msk [tilespmem:v2+s10+$0x0], $0xffff  }
0x60: {  	v2 =	vor.u32 s3, v5;
	_ =	sdelay $0x3  }
0x61: {  	[tilespmem:s11+$0x10290] =	vst v1  }
0x62: {  	v1 =	vld.idx.msk [tilespmem:v2+s10+$0x0], $0xffff  }
0x63: {  	v2 =	vor.u32 s3, v6;
	_ =	sdelay $0x3  }
0x64: {  	[tilespmem:s11+$0x102A0] =	vst v1  }
0x65: {  	v1 =	vld.idx.msk [tilespmem:v2+s10+$0x0], $0xffff;
	_ =	sdelay $0x1  }
0x66: {  	s3 =	spop @!p0 (v2sf)  }
0x67: {  	s3 =	sand.u32 @!p0 $0xFFFFF80, s3;
	s12 =	spop (v2sf)  }
0x68: {  	s13 =	sadd.s32 @!p0 s1, s3;
	s14 =	sand.u32 $0x7F, s12  }
0x69: {  	s3 =	simm.s32 @!p0 $0x400;
	s12 =	simm.s32 @!p0 $0x280;
	[tilespmem:s11+$0x102B0] =	vst v1;
	s11 =	simm.s32 @!p0 $0x7A1400;
	v1 =	vor.u32 s14, v7  }
0x6a: {  	[tilespmem:s12], [sflag:$0x1] =	stream.strided.gather @!p0 [hbm4b:s13+s3], $0x2000, s11, s3, $0x38;
	[tilespmem:$0x13280] =	vst v63  }
0x6b: {  	_ =	swait.ge [sflag:s19], $0x2000  }
0x6c: {  	[sflag:s19] =	ssyncset.done $0x0  }
0x6d: {  	s13 =	sshll.u32 s30, $0x9;
	[sflag:s19] =	ssyncadd.s32 $0xFFFFE000  }
0x6e: {  	s12 =	sand.u32 $0xFFFFC000, s13;
	v1 =	vld.idx.msk [tilespmem:v1+s10+$0x0], $0xffff  }
0x6f: {  	v2 =	vor.u32 s14, v8;
	s12 =	ssub.s32 $0x0, s12  }
0x70: {  	s12 =	sshra.s32 s12, $0x2  }
0x71: {  	s15 =	sshra.s32 s0, $0x2;
	s12 =	sadd.s32 $0x10280, s12  }
0x72: {  	s12 =	sadd.s32 s15, s12  }
0x73: {  	(v2sf) =	vpush @!p0 v0, $0x9;
	[tilespmem:s12+$0x80] =	vst v1  }
0x74: {  	(v2sf) =	vpush v0, $0x2;
	v1 =	vld.idx.msk [tilespmem:v2+s10+$0x0], $0xffff  }
0x75: {  	v2 =	vor.u32 s14, v9;
	_ =	sdelay $0x3  }
0x76: {  	[tilespmem:s12+$0x90] =	vst v1  }
0x77: {  	v1 =	vld.idx.msk [tilespmem:v2+s10+$0x0], $0xffff  }
0x78: {  	v2 =	vor.u32 s14, v10;
	_ =	sdelay $0x3  }
0x79: {  	[tilespmem:s12+$0xA0] =	vst v1  }
0x7a: {  	v1 =	vld.idx.msk [tilespmem:v2+s10+$0x0], $0xffff;
	_ =	sdelay $0x1  }
0x7b: {  	s13 =	spop @!p0 (v2sf)  }
0x7c: {  	s15 =	spop (v2sf)  }
0x7d: {  	s13 =	sand.u32 @!p0 $0xFFFFF80, s13;
	s14 =	sand.u32 $0x7F, s15  }
0x7e: {  	s13 =	sadd.s32 @!p0 s1, s13;
	s15 =	simm.s32 @!p0 $0x2280;
	[tilespmem:s12+$0xB0] =	vst v1;
	v1 =	vor.u32 s14, v11  }
0x7f: {  	[tilespmem:s15], [sflag:$0x2] =	stream.strided.gather @!p0 [hbm4b:s13+s3], $0x2000, s11, s3, $0x38;
	[tilespmem:$0x13280] =	vst v63  }
0x80: {  	_ =	swait.ge [sflag:s20], $0x2000  }
0x81: {  	[sflag:s20] =	ssyncset.done $0x0  }
0x82: {  	[sflag:s20] =	ssyncadd.s32 $0xFFFFE000  }
0x83: {  	v1 =	vld.idx.msk [tilespmem:v1+s10+$0x0], $0xffff  }
0x84: {  	v2 =	vor.u32 s14, v12;
	_ =	sdelay $0x3  }
0x85: {  	(v2sf) =	vpush @!p0 v0, $0xA;
	[tilespmem:s12+$0x100] =	vst v1  }
0x86: {  	(v2sf) =	vpush v0, $0x3;
	v1 =	vld.idx.msk [tilespmem:v2+s10+$0x0], $0xffff  }
0x87: {  	v2 =	vor.u32 s14, v13;
	_ =	sdelay $0x3  }
0x88: {  	[tilespmem:s12+$0x110] =	vst v1  }
0x89: {  	v1 =	vld.idx.msk [tilespmem:v2+s10+$0x0], $0xffff  }
0x8a: {  	v2 =	vor.u32 s14, v14;
	_ =	sdelay $0x3  }
0x8b: {  	[tilespmem:s12+$0x120] =	vst v1  }
0x8c: {  	v1 =	vld.idx.msk [tilespmem:v2+s10+$0x0], $0xffff;
	_ =	sdelay $0x1  }
0x8d: {  	s13 =	spop @!p0 (v2sf)  }
0x8e: {  	s15 =	spop (v2sf)  }
0x8f: {  	s13 =	sand.u32 @!p0 $0xFFFFF80, s13;
	s14 =	sand.u32 $0x7F, s15  }
0x90: {  	s13 =	sadd.s32 @!p0 s1, s13;
	s15 =	simm.s32 @!p0 $0x4280;
	[tilespmem:s12+$0x130] =	vst v1;
	v1 =	vor.u32 s14, v15  }
0x91: {  	[tilespmem:s15], [sflag:$0x3] =	stream.strided.gather @!p0 [hbm4b:s13+s3], $0x2000, s11, s3, $0x38;
	[tilespmem:$0x13280] =	vst v63  }
0x92: {  	_ =	swait.ge [sflag:s21], $0x2000  }
0x93: {  	[sflag:s21] =	ssyncset.done $0x0  }
0x94: {  	[sflag:s21] =	ssyncadd.s32 $0xFFFFE000  }
0x95: {  	v1 =	vld.idx.msk [tilespmem:v1+s10+$0x0], $0xffff  }
0x96: {  	v2 =	vor.u32 s14, v16;
	_ =	sdelay $0x3  }
0x97: {  	(v2sf) =	vpush @!p0 v0, $0xB;
	[tilespmem:s12+$0x180] =	vst v1  }
0x98: {  	(v2sf) =	vpush v0, $0x4;
	v1 =	vld.idx.msk [tilespmem:v2+s10+$0x0], $0xffff  }
0x99: {  	v2 =	vor.u32 s14, v17;
	_ =	sdelay $0x3  }
0x9a: {  	[tilespmem:s12+$0x190] =	vst v1  }
0x9b: {  	v1 =	vld.idx.msk [tilespmem:v2+s10+$0x0], $0xffff  }
0x9c: {  	v2 =	vor.u32 s14, v18;
	_ =	sdelay $0x3  }
0x9d: {  	[tilespmem:s12+$0x1A0] =	vst v1  }
0x9e: {  	v1 =	vld.idx.msk [tilespmem:v2+s10+$0x0], $0xffff;
	_ =	sdelay $0x1  }
0x9f: {  	s13 =	spop @!p0 (v2sf)  }
0xa0: {  	s15 =	spop (v2sf)  }
0xa1: {  	s13 =	sand.u32 @!p0 $0xFFFFF80, s13;
	s14 =	sand.u32 $0x7F, s15  }
0xa2: {  	s13 =	sadd.s32 @!p0 s1, s13;
	s15 =	simm.s32 @!p0 $0x6280;
	[tilespmem:s12+$0x1B0] =	vst v1;
	v1 =	vor.u32 s14, v19  }
0xa3: {  	[tilespmem:s15], [sflag:$0x4] =	stream.strided.gather @!p0 [hbm4b:s13+s3], $0x2000, s11, s3, $0x38;
	[tilespmem:$0x13280] =	vst v63  }
0xa4: {  	_ =	swait.ge [sflag:s22], $0x2000  }
0xa5: {  	[sflag:s22] =	ssyncset.done $0x0  }
0xa6: {  	[sflag:s22] =	ssyncadd.s32 $0xFFFFE000  }
0xa7: {  	v1 =	vld.idx.msk [tilespmem:v1+s10+$0x0], $0xffff  }
0xa8: {  	v2 =	vor.u32 s14, v20;
	_ =	sdelay $0x3  }
0xa9: {  	(v2sf) =	vpush @!p0 v0, $0xC;
	[tilespmem:s12+$0x200] =	vst v1  }
0xaa: {  	(v2sf) =	vpush v0, $0x5;
	v1 =	vld.idx.msk [tilespmem:v2+s10+$0x0], $0xffff  }
0xab: {  	v2 =	vor.u32 s14, v21;
	_ =	sdelay $0x3  }
0xac: {  	[tilespmem:s12+$0x210] =	vst v1  }
0xad: {  	v1 =	vld.idx.msk [tilespmem:v2+s10+$0x0], $0xffff  }
0xae: {  	v2 =	vor.u32 s14, v22;
	_ =	sdelay $0x3  }
0xaf: {  	[tilespmem:s12+$0x220] =	vst v1  }
0xb0: {  	v1 =	vld.idx.msk [tilespmem:v2+s10+$0x0], $0xffff;
	_ =	sdelay $0x1  }
0xb1: {  	s13 =	spop @!p0 (v2sf)  }
0xb2: {  	s15 =	spop (v2sf)  }
0xb3: {  	s13 =	sand.u32 @!p0 $0xFFFFF80, s13;
	s14 =	sand.u32 $0x7F, s15  }
0xb4: {  	s13 =	sadd.s32 @!p0 s1, s13;
	s15 =	simm.s32 @!p0 $0x8280;
	[tilespmem:s12+$0x230] =	vst v1;
	v1 =	vor.u32 s14, v23  }
0xb5: {  	[tilespmem:s15], [sflag:$0x5] =	stream.strided.gather @!p0 [hbm4b:s13+s3], $0x2000, s11, s3, $0x38;
	[tilespmem:$0x13280] =	vst v63  }
0xb6: {  	_ =	swait.ge [sflag:s23], $0x2000  }
0xb7: {  	[sflag:s23] =	ssyncset.done $0x0  }
0xb8: {  	[sflag:s23] =	ssyncadd.s32 $0xFFFFE000  }
0xb9: {  	v1 =	vld.idx.msk [tilespmem:v1+s10+$0x0], $0xffff  }
0xba: {  	v2 =	vor.u32 s14, v24;
	_ =	sdelay $0x3  }
0xbb: {  	(v2sf) =	vpush @!p0 v0, $0xD;
	[tilespmem:s12+$0x280] =	vst v1  }
0xbc: {  	(v2sf) =	vpush v0, $0x6;
	v1 =	vld.idx.msk [tilespmem:v2+s10+$0x0], $0xffff  }
0xbd: {  	v2 =	vor.u32 s14, v25;
	_ =	sdelay $0x3  }
0xbe: {  	[tilespmem:s12+$0x290] =	vst v1  }
0xbf: {  	v1 =	vld.idx.msk [tilespmem:v2+s10+$0x0], $0xffff  }
0xc0: {  	v2 =	vor.u32 s14, v26;
	_ =	sdelay $0x3  }
0xc1: {  	[tilespmem:s12+$0x2A0] =	vst v1  }
0xc2: {  	v1 =	vld.idx.msk [tilespmem:v2+s10+$0x0], $0xffff;
	_ =	sdelay $0x1  }
0xc3: {  	s13 =	spop @!p0 (v2sf)  }
0xc4: {  	s15 =	spop (v2sf)  }
0xc5: {  	s13 =	sand.u32 @!p0 $0xFFFFF80, s13;
	s14 =	sand.u32 $0x7F, s15  }
0xc6: {  	s13 =	sadd.s32 @!p0 s1, s13;
	s15 =	simm.s32 @!p0 $0xA280;
	[tilespmem:s12+$0x2B0] =	vst v1;
	v1 =	vor.u32 s14, v27  }
0xc7: {  	[tilespmem:s15], [sflag:$0x6] =	stream.strided.gather @!p0 [hbm4b:s13+s3], $0x2000, s11, s3, $0x38;
	[tilespmem:$0x13280] =	vst v63  }
0xc8: {  	_ =	swait.ge [sflag:s24], $0x2000  }
0xc9: {  	[sflag:s24] =	ssyncset.done $0x0  }
0xca: {  	[sflag:s24] =	ssyncadd.s32 $0xFFFFE000  }
0xcb: {  	v1 =	vld.idx.msk [tilespmem:v1+s10+$0x0], $0xffff  }
0xcc: {  	v2 =	vor.u32 s14, v28;
	_ =	sdelay $0x3  }
0xcd: {  	(v2sf) =	vpush @!p0 v0, $0xE;
	[tilespmem:s12+$0x300] =	vst v1  }
0xce: {  	(v2sf) =	vpush v0, $0x7;
	v1 =	vld.idx.msk [tilespmem:v2+s10+$0x0], $0xffff  }
0xcf: {  	v2 =	vor.u32 s14, v29;
	_ =	sdelay $0x3  }
0xd0: {  	[tilespmem:s12+$0x310] =	vst v1  }
0xd1: {  	v1 =	vld.idx.msk [tilespmem:v2+s10+$0x0], $0xffff  }
0xd2: {  	v2 =	vor.u32 s14, v30;
	_ =	sdelay $0x3  }
0xd3: {  	[tilespmem:s12+$0x320] =	vst v1  }
0xd4: {  	v1 =	vld.idx.msk [tilespmem:v2+s10+$0x0], $0xffff;
	_ =	sdelay $0x1  }
0xd5: {  	s13 =	spop @!p0 (v2sf)  }
0xd6: {  	s15 =	spop (v2sf)  }
0xd7: {  	s13 =	sand.u32 @!p0 $0xFFFFF80, s13;
	s14 =	sand.u32 $0x7F, s15  }
0xd8: {  	s13 =	sadd.s32 @!p0 s1, s13;
	s15 =	simm.s32 @!p0 $0xC280;
	[tilespmem:s12+$0x330] =	vst v1;
	v1 =	vor.u32 s14, v31  }
0xd9: {  	[tilespmem:s15], [sflag:$0x7] =	stream.strided.gather @!p0 [hbm4b:s13+s3], $0x2000, s11, s3, $0x38;
	[tilespmem:$0x13280] =	vst v63  }
0xda: {  	_ =	swait.ge [sflag:s25], $0x2000  }
0xdb: {  	[sflag:s25] =	ssyncset.done $0x0  }
0xdc: {  	[sflag:s25] =	ssyncadd.s32 $0xFFFFE000  }
0xdd: {  	v1 =	vld.idx.msk [tilespmem:v1+s10+$0x0], $0xffff  }
0xde: {  	v2 =	vor.u32 s14, v32;
	_ =	sdelay $0x3  }
0xdf: {  	[tilespmem:s12+$0x380] =	vst v1  }
0xe0: {  	(v2sf) =	vpush @!p0 v0, $0xF;
	v1 =	vld.idx.msk [tilespmem:v2+s10+$0x0], $0xffff  }
0xe1: {  	v0 =	vor.u32 s14, v33;
	_ =	sdelay $0x3  }
0xe2: {  	[tilespmem:s12+$0x390] =	vst v1  }
0xe3: {  	v0 =	vld.idx.msk [tilespmem:v0+s10+$0x0], $0xffff  }
0xe4: {  	v1 =	vor.u32 s14, v34;
	_ =	sdelay $0x3  }
0xe5: {  	[tilespmem:s12+$0x3A0] =	vst v0  }
0xe6: {  	v0 =	vld.idx.msk [tilespmem:v1+s10+$0x0], $0xffff;
	_ =	sdelay $0x2  }
0xe7: {  	s13 =	spop @!p0 (v2sf)  }
0xe8: {  	s13 =	sand.u32 @!p0 $0xFFFFF80, s13  }
0xe9: {  	[tilespmem:s12+$0x3B0] =	vst v0;
	s12 =	sadd.s32 @!p0 s1, s13;
	s13 =	simm.s32 @!p0 $0xE280  }
0xea: {  	[tilespmem:s13], [sflag:$0x8] =	stream.strided.gather @!p0 [hbm4b:s12+s3], $0x2000, s11, s3, $0x38;
	[tilespmem:$0x13280] =	vst v63  }
0xeb: {  	s3 =	sand.u32 @!p0 $0x1, s2  }
0xec: {  	p1 =	seq.s32 @!p0 s3, $0x0  }
0xed: {  	p0 =	por p0, !p1  }
.Ltmp4:
0xee: {  	_ = 	snop;
	(pc) =	sbr.rel @!p0 .LBB2_4-.Ltmp4, $1  }
0xef: {  	_ =	sdelay $0x3  }
0xf0: {  	s3 =	sand.u32 $0x10, s30  }
0xf1: {  	v0 =	vmov s3  }
0xf2: {  	v0 =	vshll.u32 v0, $0x7  }
0xf3: {  	v12 =	vor.u32 v3, v0  }
0xf4: {  	v40 =	vor.u32 $0x1, v12;
	_ =	sdelay $0x1  }
0xf5: {  	v37 =	vor.u32 $0x2, v12;
	_ =	sdelay $0x1  }
0xf6: {  	v2 =	vor.u32 $0x3, v12;
	v46 =	vld.idx.msk [tilespmem:v12+s26+$0x0], $0xffff  }
0xf7: {  	v0 =	vld.idx.msk [tilespmem:v40+s26+$0x0], $0xffff  }
0xf8: {  	v36 =	vor.u32 $0x4, v12  }
0xf9: {  	v1 =	vld.idx.msk [tilespmem:v37+s26+$0x0], $0xffff  }
0xfa: {  	v35 =	vor.u32 $0x5, v12  }
0xfb: {  	[tilespmem:$0x1FDB0] =	vst v2;
	v2 =	vld.idx.msk [tilespmem:v2+s26+$0x0], $0xffff  }
0xfc: {  	v39 =	vor.u32 $0x6, v12;
	v3 =	vmul.f32 v46, v46;
	v0 =	vmul.f32 v0, v0  }
0xfd: {  	v4 =	vld.idx.msk [tilespmem:v36+s26+$0x0], $0xffff  }
0xfe: {  	v63 =	vor.u32 $0x7, v12;
	v1 =	vmul.f32 v1, v1;
	v0 =	vadd.f32 v0, v3  }
0xff: {  	v3 =	vld.idx.msk [tilespmem:v35+s26+$0x0], $0xffff  }
0x100: {  	v38 =	vor.u32 $0x8, v12;
	v0 =	vadd.f32 v1, v0;
	v1 =	vmul.f32 v2, v2  }
0x101: {  	v2 =	vld.idx.msk [tilespmem:v39+s26+$0x0], $0xffff  }
0x102: {  	[tilespmem:$0x1FDE0] =	vst v39;
	v39 =	vor.u32 $0x9, v12;
	v0 =	vadd.f32 v1, v0;
	v1 =	vmul.f32 v4, v4  }
0x103: {  	v4 =	vld.idx.msk [tilespmem:v63+s26+$0x0], $0xffff  }
0x104: {  	v41 =	vor.u32 $0xA, v12;
	v0 =	vadd.f32 v1, v0;
	v1 =	vmul.f32 v3, v3  }
0x105: {  	v3 =	vld.idx.msk [tilespmem:v38+s26+$0x0], $0xffff  }
0x106: {  	v42 =	vor.u32 $0xB, v12;
	v0 =	vadd.f32 v1, v0;
	v1 =	vmul.f32 v2, v2  }
0x107: {  	v2 =	vld.idx.msk [tilespmem:v39+s26+$0x0], $0xffff  }
0x108: {  	v43 =	vor.u32 $0xC, v12;
	v0 =	vadd.f32 v1, v0;
	v1 =	vmul.f32 v4, v4  }
0x109: {  	v4 =	vld.idx.msk [tilespmem:v41+s26+$0x0], $0xffff  }
0x10a: {  	v44 =	vor.u32 $0xD, v12;
	v0 =	vadd.f32 v1, v0;
	v1 =	vmul.f32 v3, v3  }
0x10b: {  	v3 =	vld.idx.msk [tilespmem:v42+s26+$0x0], $0xffff  }
0x10c: {  	v45 =	vor.u32 $0xE, v12;
	v0 =	vadd.f32 v1, v0;
	v1 =	vmul.f32 v2, v2  }
0x10d: {  	v2 =	vld.idx.msk [tilespmem:v43+s26+$0x0], $0xffff  }
0x10e: {  	v47 =	vor.u32 $0xF, v12;
	v0 =	vadd.f32 v1, v0;
	v1 =	vmul.f32 v4, v4  }
0x10f: {  	v4 =	vld.idx.msk [tilespmem:v44+s26+$0x0], $0xffff  }
0x110: {  	v48 =	vor.u32 $0x10, v12;
	v0 =	vadd.f32 v1, v0;
	v1 =	vmul.f32 v3, v3  }
0x111: {  	v3 =	vld.idx.msk [tilespmem:v45+s26+$0x0], $0xffff  }
0x112: {  	v49 =	vor.u32 $0x11, v12;
	v0 =	vadd.f32 v1, v0;
	v1 =	vmul.f32 v2, v2  }
0x113: {  	v2 =	vld.idx.msk [tilespmem:v47+s26+$0x0], $0xffff  }
0x114: {  	v50 =	vor.u32 $0x12, v12;
	v0 =	vadd.f32 v1, v0;
	v1 =	vmul.f32 v4, v4  }
0x115: {  	v4 =	vld.idx.msk [tilespmem:v48+s26+$0x0], $0xffff  }
0x116: {  	v51 =	vor.u32 $0x13, v12;
	v0 =	vadd.f32 v1, v0;
	v1 =	vmul.f32 v3, v3  }
0x117: {  	v3 =	vld.idx.msk [tilespmem:v49+s26+$0x0], $0xffff  }
0x118: {  	v52 =	vor.u32 $0x14, v12;
	v0 =	vadd.f32 v1, v0;
	v1 =	vmul.f32 v2, v2  }
0x119: {  	v2 =	vld.idx.msk [tilespmem:v50+s26+$0x0], $0xffff  }
0x11a: {  	v53 =	vor.u32 $0x15, v12;
	v0 =	vadd.f32 v1, v0;
	v1 =	vmul.f32 v4, v4  }
0x11b: {  	v4 =	vld.idx.msk [tilespmem:v51+s26+$0x0], $0xffff  }
0x11c: {  	v54 =	vor.u32 $0x16, v12;
	v0 =	vadd.f32 v1, v0;
	v1 =	vmul.f32 v3, v3  }
0x11d: {  	v3 =	vld.idx.msk [tilespmem:v52+s26+$0x0], $0xffff  }
0x11e: {  	v55 =	vor.u32 $0x17, v12;
	v0 =	vadd.f32 v1, v0;
	v1 =	vmul.f32 v2, v2  }
0x11f: {  	v2 =	vld.idx.msk [tilespmem:v53+s26+$0x0], $0xffff  }
0x120: {  	v56 =	vor.u32 $0x18, v12;
	v0 =	vadd.f32 v1, v0;
	v1 =	vmul.f32 v4, v4  }
0x121: {  	v4 =	vld.idx.msk [tilespmem:v54+s26+$0x0], $0xffff  }
0x122: {  	v57 =	vor.u32 $0x19, v12;
	v0 =	vadd.f32 v1, v0;
	v1 =	vmul.f32 v3, v3  }
0x123: {  	v3 =	vld.idx.msk [tilespmem:v55+s26+$0x0], $0xffff  }
0x124: {  	v58 =	vor.u32 $0x1A, v12;
	v0 =	vadd.f32 v1, v0;
	v1 =	vmul.f32 v2, v2  }
0x125: {  	v2 =	vld.idx.msk [tilespmem:v56+s26+$0x0], $0xffff  }
0x126: {  	v59 =	vor.u32 $0x1B, v12;
	v0 =	vadd.f32 v1, v0;
	v1 =	vmul.f32 v4, v4  }
0x127: {  	v4 =	vld.idx.msk [tilespmem:v57+s26+$0x0], $0xffff  }
0x128: {  	v60 =	vor.u32 $0x1C, v12;
	v0 =	vadd.f32 v1, v0;
	v1 =	vmul.f32 v3, v3  }
0x129: {  	v3 =	vld.idx.msk [tilespmem:v58+s26+$0x0], $0xffff  }
0x12a: {  	v61 =	vor.u32 $0x1D, v12;
	v0 =	vadd.f32 v1, v0;
	v1 =	vmul.f32 v2, v2  }
0x12b: {  	v2 =	vld.idx.msk [tilespmem:v59+s26+$0x0], $0xffff  }
0x12c: {  	v62 =	vor.u32 $0x1E, v12;
	v0 =	vadd.f32 v1, v0;
	v1 =	vmul.f32 v4, v4  }
0x12d: {  	v4 =	vld.idx.msk [tilespmem:v60+s26+$0x0], $0xffff  }
0x12e: {  	[tilespmem:$0x1FDF0] =	vst v63;
	v63 =	vor.u32 $0x1F, v12;
	v0 =	vadd.f32 v1, v0;
	v1 =	vmul.f32 v3, v3  }
0x12f: {  	v3 =	vld.idx.msk [tilespmem:v61+s26+$0x0], $0xffff  }
0x130: {  	[tilespmem:$0x1FDC0] =	vst v36;
	v36 =	vor.u32 $0x20, v12;
	v0 =	vadd.f32 v1, v0;
	v1 =	vmul.f32 v2, v2  }
0x131: {  	v5 =	vld.idx.msk [tilespmem:v62+s26+$0x0], $0xffff  }
0x132: {  	[tilespmem:$0x1FDD0] =	vst v35;
	v35 =	vor.u32 $0x21, v12;
	v0 =	vadd.f32 v1, v0;
	v1 =	vmul.f32 v4, v4  }
0x133: {  	v6 =	vld.idx.msk [tilespmem:v63+s26+$0x0], $0xffff  }
0x134: {  	v34 =	vor.u32 $0x22, v12;
	v0 =	vadd.f32 v1, v0;
	v1 =	vmul.f32 v3, v3  }
0x135: {  	v7 =	vld.idx.msk [tilespmem:v36+s26+$0x0], $0xffff  }
0x136: {  	v33 =	vor.u32 $0x23, v12;
	v0 =	vadd.f32 v1, v0;
	v1 =	vmul.f32 v5, v5  }
0x137: {  	v8 =	vld.idx.msk [tilespmem:v35+s26+$0x0], $0xffff  }
0x138: {  	v32 =	vor.u32 $0x24, v12;
	v0 =	vadd.f32 v1, v0;
	v1 =	vmul.f32 v6, v6  }
0x139: {  	v9 =	vld.idx.msk [tilespmem:v34+s26+$0x0], $0xffff  }
0x13a: {  	v6 =	vor.u32 $0x25, v12;
	v0 =	vadd.f32 v1, v0;
	v1 =	vmul.f32 v7, v7  }
0x13b: {  	v10 =	vld.idx.msk [tilespmem:v33+s26+$0x0], $0xffff  }
0x13c: {  	v7 =	vor.u32 $0x26, v12;
	v0 =	vadd.f32 v1, v0;
	v1 =	vmul.f32 v8, v8  }
0x13d: {  	v11 =	vld.idx.msk [tilespmem:v32+s26+$0x0], $0xffff  }
0x13e: {  	v8 =	vor.u32 $0x27, v12;
	v0 =	vadd.f32 v1, v0;
	v1 =	vmul.f32 v9, v9  }
0x13f: {  	v13 =	vld.idx.msk [tilespmem:v6+s26+$0x0], $0xffff  }
0x140: {  	v9 =	vor.u32 $0x28, v12;
	v0 =	vadd.f32 v1, v0;
	v1 =	vmul.f32 v10, v10  }
0x141: {  	v14 =	vld.idx.msk [tilespmem:v7+s26+$0x0], $0xffff  }
0x142: {  	v10 =	vor.u32 $0x29, v12;
	v0 =	vadd.f32 v1, v0;
	v1 =	vmul.f32 v11, v11  }
0x143: {  	v15 =	vld.idx.msk [tilespmem:v8+s26+$0x0], $0xffff  }
0x144: {  	v11 =	vor.u32 $0x2A, v12;
	v0 =	vadd.f32 v1, v0;
	v1 =	vmul.f32 v13, v13  }
0x145: {  	v16 =	vld.idx.msk [tilespmem:v9+s26+$0x0], $0xffff  }
0x146: {  	v13 =	vor.u32 $0x2B, v12;
	v0 =	vadd.f32 v1, v0;
	v1 =	vmul.f32 v14, v14  }
0x147: {  	v17 =	vld.idx.msk [tilespmem:v10+s26+$0x0], $0xffff  }
0x148: {  	v14 =	vor.u32 $0x2C, v12;
	v0 =	vadd.f32 v1, v0;
	v1 =	vmul.f32 v15, v15  }
0x149: {  	v18 =	vld.idx.msk [tilespmem:v11+s26+$0x0], $0xffff  }
0x14a: {  	v15 =	vor.u32 $0x2D, v12;
	v0 =	vadd.f32 v1, v0;
	v1 =	vmul.f32 v16, v16  }
0x14b: {  	v19 =	vld.idx.msk [tilespmem:v13+s26+$0x0], $0xffff  }
0x14c: {  	v16 =	vor.u32 $0x2E, v12;
	v0 =	vadd.f32 v1, v0;
	v1 =	vmul.f32 v17, v17  }
0x14d: {  	v20 =	vld.idx.msk [tilespmem:v14+s26+$0x0], $0xffff  }
0x14e: {  	v17 =	vor.u32 $0x2F, v12;
	v0 =	vadd.f32 v1, v0;
	v1 =	vmul.f32 v18, v18  }
0x14f: {  	v21 =	vld.idx.msk [tilespmem:v15+s26+$0x0], $0xffff  }
0x150: {  	v18 =	vor.u32 $0x30, v12;
	v0 =	vadd.f32 v1, v0;
	v1 =	vmul.f32 v19, v19  }
0x151: {  	v22 =	vld.idx.msk [tilespmem:v16+s26+$0x0], $0xffff  }
0x152: {  	v19 =	vor.u32 $0x31, v12;
	v0 =	vadd.f32 v1, v0;
	v1 =	vmul.f32 v20, v20  }
0x153: {  	v23 =	vld.idx.msk [tilespmem:v17+s26+$0x0], $0xffff  }
0x154: {  	v20 =	vor.u32 $0x32, v12;
	v0 =	vadd.f32 v1, v0;
	v1 =	vmul.f32 v21, v21  }
0x155: {  	v24 =	vld.idx.msk [tilespmem:v18+s26+$0x0], $0xffff  }
0x156: {  	v21 =	vor.u32 $0x33, v12;
	v0 =	vadd.f32 v1, v0;
	v1 =	vmul.f32 v22, v22  }
0x157: {  	v25 =	vld.idx.msk [tilespmem:v19+s26+$0x0], $0xffff  }
0x158: {  	v22 =	vor.u32 $0x34, v12;
	v0 =	vadd.f32 v1, v0;
	v1 =	vmul.f32 v23, v23  }
0x159: {  	v26 =	vld.idx.msk [tilespmem:v20+s26+$0x0], $0xffff  }
0x15a: {  	v23 =	vor.u32 $0x35, v12;
	v0 =	vadd.f32 v1, v0;
	v1 =	vmul.f32 v24, v24  }
0x15b: {  	v27 =	vld.idx.msk [tilespmem:v21+s26+$0x0], $0xffff  }
0x15c: {  	v24 =	vor.u32 $0x36, v12;
	v0 =	vadd.f32 v1, v0;
	v1 =	vmul.f32 v25, v25  }
0x15d: {  	v28 =	vld.idx.msk [tilespmem:v22+s26+$0x0], $0xffff  }
0x15e: {  	v25 =	vor.u32 $0x37, v12;
	v0 =	vadd.f32 v1, v0;
	v1 =	vmul.f32 v26, v26  }
0x15f: {  	v29 =	vld.idx.msk [tilespmem:v23+s26+$0x0], $0xffff  }
0x160: {  	v26 =	vor.u32 $0x38, v12;
	v0 =	vadd.f32 v1, v0;
	v1 =	vmul.f32 v27, v27  }
0x161: {  	v30 =	vld.idx.msk [tilespmem:v24+s26+$0x0], $0xffff  }
0x162: {  	v27 =	vor.u32 $0x39, v12;
	v0 =	vadd.f32 v1, v0;
	v1 =	vmul.f32 v28, v28  }
0x163: {  	v31 =	vld.idx.msk [tilespmem:v25+s26+$0x0], $0xffff  }
0x164: {  	v28 =	vor.u32 $0x3A, v12;
	v0 =	vadd.f32 v1, v0;
	v1 =	vmul.f32 v29, v29  }
0x165: {  	v2 =	vld.idx.msk [tilespmem:v26+s26+$0x0], $0xffff  }
0x166: {  	v29 =	vor.u32 $0x3B, v12;
	v0 =	vadd.f32 v1, v0;
	v1 =	vmul.f32 v30, v30  }
0x167: {  	v3 =	vld.idx.msk [tilespmem:v27+s26+$0x0], $0xffff  }
0x168: {  	v30 =	vor.u32 $0x3C, v12;
	v0 =	vadd.f32 v1, v0;
	v1 =	vmul.f32 v31, v31  }
0x169: {  	v4 =	vld.idx.msk [tilespmem:v28+s26+$0x0], $0xffff  }
0x16a: {  	v31 =	vor.u32 $0x3D, v12;
	v0 =	vadd.f32 v1, v0;
	v1 =	vmul.f32 v2, v2  }
0x16b: {  	v2 =	vld.idx.msk [tilespmem:v29+s26+$0x0], $0xffff  }
0x16c: {  	v5 =	vor.u32 $0x3E, v12;
	v3 =	vmul.f32 v3, v3;
	v0 =	vadd.f32 v1, v0  }
0x16d: {  	v1 =	vld.idx.msk [tilespmem:v30+s26+$0x0], $0xffff  }
0x16e: {  	v12 =	vor.u32 $0x3F, v12;
	v0 =	vadd.f32 v3, v0;
	v3 =	vmul.f32 v4, v4  }
0x16f: {  	v4 =	vld.idx.msk [tilespmem:v31+s26+$0x0], $0xffff  }
0x170: {  	v2 =	vmul.f32 v2, v2;
	v0 =	vadd.f32 v3, v0  }
0x171: {  	v3 =	vld.idx.msk [tilespmem:v5+s26+$0x0], $0xffff  }
0x172: {  	v1 =	vmul.f32 v1, v1;
	v0 =	vadd.f32 v2, v0  }
0x173: {  	v2 =	vld.idx.msk [tilespmem:v12+s26+$0x0], $0xffff  }
0x174: {  	v0 =	vadd.f32 v1, v0;
	v1 =	vmul.f32 v4, v4;
	_ =	sdelay $0x1  }
0x175: {  	v0 =	vadd.f32 v1, v0;
	v1 =	vmul.f32 v3, v3;
	_ =	sdelay $0x1  }
0x176: {  	v0 =	vadd.f32 v1, v0;
	v1 =	vmul.f32 v2, v2;
	_ =	sdelay $0x1  }
0x177: {  	v0 =	vadd.f32 v1, v0;
	_ =	sdelay $0x1  }
0x178: {  	v0 =	vmax.f32 v0, $1.000000020e-24  }
0x179: {  	v1 =	vshrl.u32 v0, $0x1;
	v0 =	vmul.f32 $5.000000000e-01, v0  }
0x17a: {  	v1 =	vsub.s32 $0x5F3759DF, v1  }
0x17b: {  	v2 =	vmul.f32 v1, v0;
	_ =	sdelay $0x1  }
0x17c: {  	v2 =	vmul.f32 v1, v2;
	_ =	sdelay $0x1  }
0x17d: {  	v2 =	vsub.f32 $1.500000000e+00, v2;
	_ =	sdelay $0x1  }
0x17e: {  	v1 =	vmul.f32 v1, v2;
	_ =	sdelay $0x1  }
0x17f: {  	v2 =	vmul.f32 v1, v0;
	_ =	sdelay $0x1  }
0x180: {  	v2 =	vmul.f32 v2, v1;
	_ =	sdelay $0x1  }
0x181: {  	v2 =	vsub.f32 $1.500000000e+00, v2;
	_ =	sdelay $0x1  }
0x182: {  	v1 =	vmul.f32 v2, v1;
	_ =	sdelay $0x1  }
0x183: {  	v0 =	vmul.f32 v1, v0;
	_ =	sdelay $0x1  }
0x184: {  	v0 =	vmul.f32 v0, v1;
	_ =	sdelay $0x1  }
0x185: {  	v0 =	vsub.f32 $1.500000000e+00, v0;
	_ =	sdelay $0x1  }
0x186: {  	v0 =	vmul.f32 v0, v1;
	_ =	sdelay $0x1  }
0x187: {  	v1 =	vmul.f32 v0, v46  }
0x188: {  	s15 =	sand.u32 $0x7FFFFE70, s30  }
0x189: {  	[tilespmem:s15+$0x11280] =	vst v1  }
0x18a: {  	v1 =	vld.idx.msk [tilespmem:v40+s26+$0x0], $0xffff;
	_ =	sdelay $0x4  }
0x18b: {  	v1 =	vmul.f32 v0, v1;
	_ =	sdelay $0x1  }
0x18c: {  	[tilespmem:s15+$0x11300] =	vst v1  }
0x18d: {  	v1 =	vld.idx.msk [tilespmem:v37+s26+$0x0], $0xffff;
	_ =	sdelay $0x4  }
0x18e: {  	v1 =	vmul.f32 v0, v1;
	_ =	sdelay $0x1  }
0x18f: {  	[tilespmem:s15+$0x11380] =	vst v1;
	v1 =	vld [tilespmem:$0x1FDB0];
	_ =	sdelay $0x7  }
0x190: {  	v1 =	vld.idx.msk [tilespmem:v1+s26+$0x0], $0xffff;
	_ =	sdelay $0x4  }
0x191: {  	v1 =	vmul.f32 v0, v1;
	_ =	sdelay $0x1  }
0x192: {  	[tilespmem:s15+$0x11400] =	vst v1;
	v1 =	vld [tilespmem:$0x1FDC0];
	_ =	sdelay $0x7  }
0x193: {  	v1 =	vld.idx.msk [tilespmem:v1+s26+$0x0], $0xffff;
	_ =	sdelay $0x4  }
0x194: {  	v1 =	vmul.f32 v0, v1;
	_ =	sdelay $0x1  }
0x195: {  	[tilespmem:s15+$0x11480] =	vst v1;
	v1 =	vld [tilespmem:$0x1FDD0];
	_ =	sdelay $0x7  }
0x196: {  	v1 =	vld.idx.msk [tilespmem:v1+s26+$0x0], $0xffff;
	_ =	sdelay $0x4  }
0x197: {  	v1 =	vmul.f32 v0, v1;
	_ =	sdelay $0x1  }
0x198: {  	[tilespmem:s15+$0x11500] =	vst v1;
	v1 =	vld [tilespmem:$0x1FDE0];
	_ =	sdelay $0x7  }
0x199: {  	v1 =	vld.idx.msk [tilespmem:v1+s26+$0x0], $0xffff;
	_ =	sdelay $0x4  }
0x19a: {  	v1 =	vmul.f32 v0, v1;
	_ =	sdelay $0x1  }
0x19b: {  	[tilespmem:s15+$0x11580] =	vst v1;
	v1 =	vld [tilespmem:$0x1FDF0];
	_ =	sdelay $0x7  }
0x19c: {  	v1 =	vld.idx.msk [tilespmem:v1+s26+$0x0], $0xffff;
	_ =	sdelay $0x4  }
0x19d: {  	v1 =	vmul.f32 v0, v1;
	_ =	sdelay $0x1  }
0x19e: {  	[tilespmem:s15+$0x11600] =	vst v1  }
0x19f: {  	v1 =	vld.idx.msk [tilespmem:v38+s26+$0x0], $0xffff;
	_ =	sdelay $0x4  }
0x1a0: {  	v1 =	vmul.f32 v0, v1;
	_ =	sdelay $0x1  }
0x1a1: {  	[tilespmem:s15+$0x11680] =	vst v1  }
0x1a2: {  	v1 =	vld.idx.msk [tilespmem:v39+s26+$0x0], $0xffff;
	_ =	sdelay $0x4  }
0x1a3: {  	v1 =	vmul.f32 v0, v1;
	_ =	sdelay $0x1  }
0x1a4: {  	[tilespmem:s15+$0x11700] =	vst v1  }
0x1a5: {  	v1 =	vld.idx.msk [tilespmem:v41+s26+$0x0], $0xffff;
	_ =	sdelay $0x4  }
0x1a6: {  	v1 =	vmul.f32 v1, v0;
	_ =	sdelay $0x1  }
0x1a7: {  	[tilespmem:s15+$0x11780] =	vst v1  }
0x1a8: {  	v1 =	vld.idx.msk [tilespmem:v42+s26+$0x0], $0xffff;
	_ =	sdelay $0x4  }
0x1a9: {  	v1 =	vmul.f32 v1, v0;
	_ =	sdelay $0x1  }
0x1aa: {  	[tilespmem:s15+$0x11800] =	vst v1  }
0x1ab: {  	v1 =	vld.idx.msk [tilespmem:v43+s26+$0x0], $0xffff;
	_ =	sdelay $0x4  }
0x1ac: {  	v1 =	vmul.f32 v1, v0;
	_ =	sdelay $0x1  }
0x1ad: {  	[tilespmem:s15+$0x11880] =	vst v1  }
0x1ae: {  	v1 =	vld.idx.msk [tilespmem:v44+s26+$0x0], $0xffff;
	_ =	sdelay $0x4  }
0x1af: {  	v1 =	vmul.f32 v1, v0;
	_ =	sdelay $0x1  }
0x1b0: {  	[tilespmem:s15+$0x11900] =	vst v1  }
0x1b1: {  	v1 =	vld.idx.msk [tilespmem:v45+s26+$0x0], $0xffff;
	_ =	sdelay $0x4  }
0x1b2: {  	v1 =	vmul.f32 v1, v0;
	_ =	sdelay $0x1  }
0x1b3: {  	[tilespmem:s15+$0x11980] =	vst v1  }
0x1b4: {  	v1 =	vld.idx.msk [tilespmem:v47+s26+$0x0], $0xffff;
	_ =	sdelay $0x4  }
0x1b5: {  	v1 =	vmul.f32 v1, v0;
	_ =	sdelay $0x1  }
0x1b6: {  	[tilespmem:s15+$0x11A00] =	vst v1  }
0x1b7: {  	v1 =	vld.idx.msk [tilespmem:v48+s26+$0x0], $0xffff;
	_ =	sdelay $0x4  }
0x1b8: {  	v1 =	vmul.f32 v1, v0;
	_ =	sdelay $0x1  }
0x1b9: {  	[tilespmem:s15+$0x11A80] =	vst v1  }
0x1ba: {  	v1 =	vld.idx.msk [tilespmem:v49+s26+$0x0], $0xffff;
	_ =	sdelay $0x4  }
0x1bb: {  	v1 =	vmul.f32 v1, v0;
	_ =	sdelay $0x1  }
0x1bc: {  	[tilespmem:s15+$0x11B00] =	vst v1  }
0x1bd: {  	v1 =	vld.idx.msk [tilespmem:v50+s26+$0x0], $0xffff;
	_ =	sdelay $0x4  }
0x1be: {  	v1 =	vmul.f32 v1, v0;
	_ =	sdelay $0x1  }
0x1bf: {  	[tilespmem:s15+$0x11B80] =	vst v1  }
0x1c0: {  	v1 =	vld.idx.msk [tilespmem:v51+s26+$0x0], $0xffff;
	_ =	sdelay $0x4  }
0x1c1: {  	v1 =	vmul.f32 v1, v0;
	_ =	sdelay $0x1  }
0x1c2: {  	[tilespmem:s15+$0x11C00] =	vst v1  }
0x1c3: {  	v1 =	vld.idx.msk [tilespmem:v52+s26+$0x0], $0xffff;
	_ =	sdelay $0x4  }
0x1c4: {  	v1 =	vmul.f32 v1, v0;
	_ =	sdelay $0x1  }
0x1c5: {  	[tilespmem:s15+$0x11C80] =	vst v1  }
0x1c6: {  	v1 =	vld.idx.msk [tilespmem:v53+s26+$0x0], $0xffff;
	_ =	sdelay $0x4  }
0x1c7: {  	v1 =	vmul.f32 v1, v0;
	_ =	sdelay $0x1  }
0x1c8: {  	[tilespmem:s15+$0x11D00] =	vst v1  }
0x1c9: {  	v1 =	vld.idx.msk [tilespmem:v54+s26+$0x0], $0xffff;
	_ =	sdelay $0x4  }
0x1ca: {  	v1 =	vmul.f32 v1, v0;
	_ =	sdelay $0x1  }
0x1cb: {  	[tilespmem:s15+$0x11D80] =	vst v1  }
0x1cc: {  	v1 =	vld.idx.msk [tilespmem:v55+s26+$0x0], $0xffff;
	_ =	sdelay $0x4  }
0x1cd: {  	v1 =	vmul.f32 v1, v0;
	_ =	sdelay $0x1  }
0x1ce: {  	[tilespmem:s15+$0x11E00] =	vst v1  }
0x1cf: {  	v1 =	vld.idx.msk [tilespmem:v56+s26+$0x0], $0xffff;
	_ =	sdelay $0x4  }
0x1d0: {  	v1 =	vmul.f32 v1, v0;
	_ =	sdelay $0x1  }
0x1d1: {  	[tilespmem:s15+$0x11E80] =	vst v1  }
0x1d2: {  	v1 =	vld.idx.msk [tilespmem:v57+s26+$0x0], $0xffff;
	_ =	sdelay $0x4  }
0x1d3: {  	v1 =	vmul.f32 v1, v0;
	_ =	sdelay $0x1  }
0x1d4: {  	[tilespmem:s15+$0x11F00] =	vst v1  }
0x1d5: {  	v1 =	vld.idx.msk [tilespmem:v58+s26+$0x0], $0xffff;
	_ =	sdelay $0x4  }
0x1d6: {  	v1 =	vmul.f32 v1, v0;
	_ =	sdelay $0x1  }
0x1d7: {  	[tilespmem:s15+$0x11F80] =	vst v1  }
0x1d8: {  	v1 =	vld.idx.msk [tilespmem:v59+s26+$0x0], $0xffff;
	_ =	sdelay $0x4  }
0x1d9: {  	v1 =	vmul.f32 v1, v0;
	_ =	sdelay $0x1  }
0x1da: {  	[tilespmem:s15+$0x12000] =	vst v1  }
0x1db: {  	v1 =	vld.idx.msk [tilespmem:v60+s26+$0x0], $0xffff;
	_ =	sdelay $0x4  }
0x1dc: {  	v1 =	vmul.f32 v1, v0;
	_ =	sdelay $0x1  }
0x1dd: {  	[tilespmem:s15+$0x12080] =	vst v1  }
0x1de: {  	v1 =	vld.idx.msk [tilespmem:v61+s26+$0x0], $0xffff;
	_ =	sdelay $0x4  }
0x1df: {  	v1 =	vmul.f32 v1, v0;
	_ =	sdelay $0x1  }
0x1e0: {  	[tilespmem:s15+$0x12100] =	vst v1  }
0x1e1: {  	v1 =	vld.idx.msk [tilespmem:v62+s26+$0x0], $0xffff;
	_ =	sdelay $0x4  }
0x1e2: {  	v1 =	vmul.f32 v1, v0;
	_ =	sdelay $0x1  }
0x1e3: {  	[tilespmem:s15+$0x12180] =	vst v1  }
0x1e4: {  	v1 =	vld.idx.msk [tilespmem:v63+s26+$0x0], $0xffff;
	_ =	sdelay $0x4  }
0x1e5: {  	v1 =	vmul.f32 v1, v0;
	_ =	sdelay $0x1  }
0x1e6: {  	[tilespmem:s15+$0x12200] =	vst v1  }
0x1e7: {  	v1 =	vld.idx.msk [tilespmem:v36+s26+$0x0], $0xffff;
	_ =	sdelay $0x4  }
0x1e8: {  	v1 =	vmul.f32 v1, v0;
	_ =	sdelay $0x1  }
0x1e9: {  	[tilespmem:s15+$0x12280] =	vst v1  }
0x1ea: {  	v1 =	vld.idx.msk [tilespmem:v35+s26+$0x0], $0xffff;
	_ =	sdelay $0x4  }
0x1eb: {  	v1 =	vmul.f32 v1, v0;
	_ =	sdelay $0x1  }
0x1ec: {  	[tilespmem:s15+$0x12300] =	vst v1  }
0x1ed: {  	v1 =	vld.idx.msk [tilespmem:v34+s26+$0x0], $0xffff;
	_ =	sdelay $0x4  }
0x1ee: {  	v1 =	vmul.f32 v1, v0;
	_ =	sdelay $0x1  }
0x1ef: {  	[tilespmem:s15+$0x12380] =	vst v1  }
0x1f0: {  	v1 =	vld.idx.msk [tilespmem:v33+s26+$0x0], $0xffff;
	_ =	sdelay $0x4  }
0x1f1: {  	v1 =	vmul.f32 v1, v0;
	_ =	sdelay $0x1  }
0x1f2: {  	[tilespmem:s15+$0x12400] =	vst v1  }
0x1f3: {  	v1 =	vld.idx.msk [tilespmem:v32+s26+$0x0], $0xffff;
	_ =	sdelay $0x4  }
0x1f4: {  	v1 =	vmul.f32 v1, v0;
	_ =	sdelay $0x1  }
0x1f5: {  	[tilespmem:s15+$0x12480] =	vst v1  }
0x1f6: {  	v1 =	vld.idx.msk [tilespmem:v6+s26+$0x0], $0xffff;
	_ =	sdelay $0x4  }
0x1f7: {  	v1 =	vmul.f32 v1, v0;
	_ =	sdelay $0x1  }
0x1f8: {  	[tilespmem:s15+$0x12500] =	vst v1  }
0x1f9: {  	v1 =	vld.idx.msk [tilespmem:v7+s26+$0x0], $0xffff;
	_ =	sdelay $0x4  }
0x1fa: {  	v1 =	vmul.f32 v1, v0;
	_ =	sdelay $0x1  }
0x1fb: {  	[tilespmem:s15+$0x12580] =	vst v1  }
0x1fc: {  	v1 =	vld.idx.msk [tilespmem:v8+s26+$0x0], $0xffff;
	_ =	sdelay $0x4  }
0x1fd: {  	v1 =	vmul.f32 v1, v0;
	_ =	sdelay $0x1  }
0x1fe: {  	[tilespmem:s15+$0x12600] =	vst v1  }
0x1ff: {  	v1 =	vld.idx.msk [tilespmem:v9+s26+$0x0], $0xffff;
	_ =	sdelay $0x4  }
0x200: {  	v1 =	vmul.f32 v1, v0;
	_ =	sdelay $0x1  }
0x201: {  	[tilespmem:s15+$0x12680] =	vst v1  }
0x202: {  	v1 =	vld.idx.msk [tilespmem:v10+s26+$0x0], $0xffff;
	_ =	sdelay $0x4  }
0x203: {  	v1 =	vmul.f32 v1, v0;
	_ =	sdelay $0x1  }
0x204: {  	[tilespmem:s15+$0x12700] =	vst v1  }
0x205: {  	v1 =	vld.idx.msk [tilespmem:v11+s26+$0x0], $0xffff;
	_ =	sdelay $0x4  }
0x206: {  	v1 =	vmul.f32 v1, v0;
	_ =	sdelay $0x1  }
0x207: {  	[tilespmem:s15+$0x12780] =	vst v1  }
0x208: {  	v1 =	vld.idx.msk [tilespmem:v13+s26+$0x0], $0xffff;
	_ =	sdelay $0x4  }
0x209: {  	v1 =	vmul.f32 v1, v0;
	_ =	sdelay $0x1  }
0x20a: {  	[tilespmem:s15+$0x12800] =	vst v1  }
0x20b: {  	v1 =	vld.idx.msk [tilespmem:v14+s26+$0x0], $0xffff;
	_ =	sdelay $0x4  }
0x20c: {  	v1 =	vmul.f32 v1, v0;
	_ =	sdelay $0x1  }
0x20d: {  	[tilespmem:s15+$0x12880] =	vst v1  }
0x20e: {  	v1 =	vld.idx.msk [tilespmem:v15+s26+$0x0], $0xffff;
	_ =	sdelay $0x4  }
0x20f: {  	v1 =	vmul.f32 v1, v0;
	_ =	sdelay $0x1  }
0x210: {  	[tilespmem:s15+$0x12900] =	vst v1  }
0x211: {  	v1 =	vld.idx.msk [tilespmem:v16+s26+$0x0], $0xffff;
	_ =	sdelay $0x4  }
0x212: {  	v1 =	vmul.f32 v1, v0;
	_ =	sdelay $0x1  }
0x213: {  	[tilespmem:s15+$0x12980] =	vst v1  }
0x214: {  	v1 =	vld.idx.msk [tilespmem:v17+s26+$0x0], $0xffff;
	_ =	sdelay $0x4  }
0x215: {  	v1 =	vmul.f32 v1, v0;
	_ =	sdelay $0x1  }
0x216: {  	[tilespmem:s15+$0x12A00] =	vst v1  }
0x217: {  	v1 =	vld.idx.msk [tilespmem:v18+s26+$0x0], $0xffff;
	_ =	sdelay $0x4  }
0x218: {  	v1 =	vmul.f32 v1, v0;
	_ =	sdelay $0x1  }
0x219: {  	[tilespmem:s15+$0x12A80] =	vst v1  }
0x21a: {  	v1 =	vld.idx.msk [tilespmem:v19+s26+$0x0], $0xffff;
	_ =	sdelay $0x4  }
0x21b: {  	v1 =	vmul.f32 v1, v0;
	_ =	sdelay $0x1  }
0x21c: {  	[tilespmem:s15+$0x12B00] =	vst v1  }
0x21d: {  	v1 =	vld.idx.msk [tilespmem:v20+s26+$0x0], $0xffff;
	_ =	sdelay $0x4  }
0x21e: {  	v1 =	vmul.f32 v1, v0;
	_ =	sdelay $0x1  }
0x21f: {  	[tilespmem:s15+$0x12B80] =	vst v1  }
0x220: {  	v1 =	vld.idx.msk [tilespmem:v21+s26+$0x0], $0xffff;
	_ =	sdelay $0x4  }
0x221: {  	v1 =	vmul.f32 v1, v0;
	_ =	sdelay $0x1  }
0x222: {  	[tilespmem:s15+$0x12C00] =	vst v1  }
0x223: {  	v1 =	vld.idx.msk [tilespmem:v22+s26+$0x0], $0xffff;
	_ =	sdelay $0x4  }
0x224: {  	v1 =	vmul.f32 v1, v0;
	_ =	sdelay $0x1  }
0x225: {  	[tilespmem:s15+$0x12C80] =	vst v1  }
0x226: {  	v1 =	vld.idx.msk [tilespmem:v23+s26+$0x0], $0xffff;
	_ =	sdelay $0x4  }
0x227: {  	v1 =	vmul.f32 v1, v0;
	_ =	sdelay $0x1  }
0x228: {  	[tilespmem:s15+$0x12D00] =	vst v1  }
0x229: {  	v1 =	vld.idx.msk [tilespmem:v24+s26+$0x0], $0xffff;
	_ =	sdelay $0x4  }
0x22a: {  	v1 =	vmul.f32 v1, v0;
	_ =	sdelay $0x1  }
0x22b: {  	[tilespmem:s15+$0x12D80] =	vst v1  }
0x22c: {  	v1 =	vld.idx.msk [tilespmem:v25+s26+$0x0], $0xffff;
	_ =	sdelay $0x4  }
0x22d: {  	v1 =	vmul.f32 v1, v0;
	_ =	sdelay $0x1  }
0x22e: {  	[tilespmem:s15+$0x12E00] =	vst v1  }
0x22f: {  	v1 =	vld.idx.msk [tilespmem:v26+s26+$0x0], $0xffff;
	_ =	sdelay $0x4  }
0x230: {  	v1 =	vmul.f32 v1, v0;
	_ =	sdelay $0x1  }
0x231: {  	[tilespmem:s15+$0x12E80] =	vst v1  }
0x232: {  	v1 =	vld.idx.msk [tilespmem:v27+s26+$0x0], $0xffff;
	_ =	sdelay $0x4  }
0x233: {  	v1 =	vmul.f32 v1, v0;
	_ =	sdelay $0x1  }
0x234: {  	[tilespmem:s15+$0x12F00] =	vst v1  }
0x235: {  	v1 =	vld.idx.msk [tilespmem:v28+s26+$0x0], $0xffff;
	_ =	sdelay $0x4  }
0x236: {  	v1 =	vmul.f32 v1, v0;
	_ =	sdelay $0x1  }
0x237: {  	[tilespmem:s15+$0x12F80] =	vst v1  }
0x238: {  	v1 =	vld.idx.msk [tilespmem:v29+s26+$0x0], $0xffff;
	_ =	sdelay $0x4  }
0x239: {  	v1 =	vmul.f32 v1, v0;
	_ =	sdelay $0x1  }
0x23a: {  	[tilespmem:s15+$0x13000] =	vst v1  }
0x23b: {  	v1 =	vld.idx.msk [tilespmem:v30+s26+$0x0], $0xffff  }
0x23c: {  	v4 =	vld [tilespmem:$0x1FE10]  }
0x23d: {  	v3 =	vld [tilespmem:$0x1FE00]  }
0x23e: {  	v34 =	vld [tilespmem:$0x1FFF0]  }
0x23f: {  	v33 =	vld [tilespmem:$0x1FFE0]  }
0x240: {  	v32 =	vld [tilespmem:$0x1FFD0];
	v1 =	vmul.f32 v1, v0  }
0x241: {  	v6 =	vld [tilespmem:$0x1FE30]  }
0x242: {  	v7 =	vld [tilespmem:$0x1FE40];
	[tilespmem:s15+$0x13080] =	vst v1  }
0x243: {  	v1 =	vld.idx.msk [tilespmem:v31+s26+$0x0], $0xffff  }
0x244: {  	v8 =	vld [tilespmem:$0x1FE50]  }
0x245: {  	v9 =	vld [tilespmem:$0x1FE60]  }
0x246: {  	v10 =	vld [tilespmem:$0x1FE70]  }
0x247: {  	v11 =	vld [tilespmem:$0x1FE80]  }
0x248: {  	v13 =	vld [tilespmem:$0x1FEA0];
	v1 =	vmul.f32 v1, v0  }
0x249: {  	v14 =	vld [tilespmem:$0x1FEB0]  }
0x24a: {  	v15 =	vld [tilespmem:$0x1FEC0];
	[tilespmem:s15+$0x13100] =	vst v1  }
0x24b: {  	v1 =	vld.idx.msk [tilespmem:v5+s26+$0x0], $0xffff  }
0x24c: {  	v16 =	vld [tilespmem:$0x1FED0]  }
0x24d: {  	v17 =	vld [tilespmem:$0x1FEE0]  }
0x24e: {  	v18 =	vld [tilespmem:$0x1FEF0]  }
0x24f: {  	v19 =	vld [tilespmem:$0x1FF00]  }
0x250: {  	v20 =	vld [tilespmem:$0x1FF10];
	v1 =	vmul.f32 v1, v0  }
0x251: {  	v21 =	vld [tilespmem:$0x1FF20]  }
0x252: {  	v22 =	vld [tilespmem:$0x1FF30];
	[tilespmem:s15+$0x13180] =	vst v1  }
0x253: {  	v1 =	vld.idx.msk [tilespmem:v12+s26+$0x0], $0xffff  }
0x254: {  	v23 =	vld [tilespmem:$0x1FF40]  }
0x255: {  	v24 =	vld [tilespmem:$0x1FF50]  }
0x256: {  	v25 =	vld [tilespmem:$0x1FF60]  }
0x257: {  	s11 =	sand.u32 $0xE, s2;
	v26 =	vld [tilespmem:$0x1FF70]  }
0x258: {  	p0 =	sne.s32 s11, $0xE;
	v27 =	vld [tilespmem:$0x1FF80];
	v0 =	vmul.f32 v1, v0  }
0x259: {  	s11 =	sand.u32 @!p0 $0x180, s30;
	s3 =	simm.s32 @!p0 $0x400;
	v28 =	vld [tilespmem:$0x1FF90]  }
0x25a: {  	s12 =	simm.s32 @!p0 $0x20000;
	s13 =	simm.s32 @!p0 $0x11280;
	s11 =	sadd.s32 @!p0 s11, s5;
	v29 =	vld [tilespmem:$0x1FFA0];
	[tilespmem:s15+$0x13200] =	vst v0  }
0x25b: {  	v30 =	vld [tilespmem:$0x1FFB0];
	[hbm4b:s11+s3] =	stream.strided.scatter @!p0 [tilespmem:s13], [sflag:$0x9], $0x2000, s12, s3, $0x38  }
.Ltmp5:
0x25c: {  	v31 =	vld [tilespmem:$0x1FFC0];
	(pc) =	sbr.rel .LBB2_4-.Ltmp5, $4  }
0x25d: {  	v5 =	vld [tilespmem:$0x1FE20];
	s3 =	simm.s32 @!p0 $0x9  }
0x25e: {  	v12 =	vld [tilespmem:$0x1FE90];
	_ =	swait.ge @!p0 [sflag:s3], $0x2000  }
0x25f: {  	[sflag:s3] =	ssyncset.done @!p0 $0x0  }
0x260: {  	[sflag:s3] =	ssyncadd.s32 @!p0 $0xFFFFE000  }
.LBB2_6:
0x261: {  	_ =	sfence.sel $0x180000  }
0x262: {  	[bflag:$0x0] =	sbarrier.arrive $0xFFFF  }
0x263: {  	_ =	strace $0x90000047  }
0x264: {  	s0 =	stileid.u32;
	[bflag:$0x2] =	sbarrier.arrive $0xFFFF  }
0x265: {  	p0 =	sne.s32 s0, $0x0;
	s0 =	rddreg [dreg:$0x3]  }
0x266: {  	s0 =	sadd.s32 @!p0 $0x100000, s0  }
0x267: {  	[sflag:s0] =	ssyncadd.tile.s32 @!p0 $0x1;
	_ =	shalt  }
.Lfunc_end2:
_tile_overlayer_lowered:
.L_overlay_start_2:
0x268: {  	(tag) =	ssettag $0x2  }
0x269: {  	s0 =	rddreg [dreg:$0x0];
	s2 =	stileid.u32  }
0x26a: {  	s1 =	rddreg [dreg:$0x1];
	p0 =	sne.s32 s2, $0x0  }
0x26b: {  	s3 =	rddreg [dreg:$0x2];
	[bflag:$0x3] =	sbarrier.arrive $0xFFFF;
	s2 =	simm.s32 @!p0 $0x1C09  }
0x26c: {  	[timem:s3], [sflag:s2] =	dma.local @!p0 [hbm:s0], s1  }
0x26d: {  	s0 =	simm.s32 @!p0 $0x9  }
0x26e: {  	_ =	swait.ge @!p0 [sflag:s0], s1  }
0x26f: {  	s1 =	ssub.s32 @!p0 $0x0, s1;
	[sflag:s0] =	ssyncset.done @!p0 $0x0  }
0x270: {  	[sflag:s0] =	ssyncadd.s32 @!p0 s1  }
0x271: {  	[bflag:$0x3] =	sbarrier.arrive $0xFFFF  }
0x272: {  	_ =	shalt  }

</sc_bundles>
